<compile_context>
chip_gen: v7x
topology: tpu7x:2x2x1
jax: 0.10.2.dev20260603
libtpu: 0.0.44.dev20260713+nightly
codegen_flags: <defaults>
</compile_context>

<pallas_src>
import functools

import jax
import jax.numpy as jnp
from jax import lax
from jax.experimental import pallas as pl
from jax.experimental.pallas import tpu as pltpu
import jax.experimental.pallas.tpu_sc as plsc

B, N, D, K, C = 8, 65536, 128, 64, 2
BN = 32768
NB = N // BN
NEG = -1e9



def _scorer_body(inst_ref, mask_ref, w1_ref, aux_ref, b2_ref, out_ref):
  x = inst_ref[0]
  h = jnp.maximum(jnp.dot(x, w1_ref[...], preferred_element_type=jnp.float32)
                  + aux_ref[0][None, :], 0.0)
  s2 = lax.dot_general(aux_ref[1][None, :], h, (((1,), (1,)), ((), ())),
                       preferred_element_type=jnp.float32)
  s = s2[0] + b2_ref[0]
  s = jnp.where(mask_ref[0, 0, 0] == 0, NEG, s)
  out_ref[0, 0, 0] = s


def _scores_tc(instances, mask4, W1, aux, b2):
  return pl.pallas_call(
      _scorer_body,
      grid=(B, NB),
      in_specs=[
          pl.BlockSpec((1, BN, D), lambda b, n: (b, n, 0)),
          pl.BlockSpec((1, 1, 1, BN), lambda b, n: (b, n, 0, 0)),
          pl.BlockSpec((D, D // 2), lambda b, n: (0, 0)),
          pl.BlockSpec((2, D // 2), lambda b, n: (0, 0)),
          pl.BlockSpec(memory_space=pltpu.SMEM),
      ],
      out_specs=pl.BlockSpec((1, 1, 1, BN), lambda b, n: (b, n, 0, 0)),
      out_shape=jax.ShapeDtypeStruct((B, NB, 1, BN), jnp.float32),
  )(instances, mask4, W1, aux, b2)



def _finish_body(s_ref, att_ref):
  s = s_ref[0]
  m = jnp.max(s)
  e = jnp.exp(s - m)
  att_ref[0] = e * (1.0 / jnp.sum(e))


def _finish_tc(scores3):
  return pl.pallas_call(
      _finish_body,
      grid=(B,),
      in_specs=[
          pl.BlockSpec((1, N // D, D), lambda b: (b, 0, 0)),
      ],
      out_specs=pl.BlockSpec((1, N // D, D), lambda b: (b, 0, 0)),
      out_shape=jax.ShapeDtypeStruct((B, N // D, D), jnp.float32),
  )(scores3)



GROUPS = 64
GSZ = N // GROUPS
CHUNK = GSZ // 16
SENT = -3.0e38


def _round_bf16(x):
  b = plsc.bitcast(x, jnp.int32)
  r = (b + 0x7FFF + ((b >> 16) & 1)) & jnp.int32(-65536)
  return plsc.bitcast(r, jnp.float32)


def _topk_body(scores_hbm, inst_hbm, wcb_hbm, topk_hbm, bf_hbm, log_hbm,
               sv, qsv, cm, gsm, part, shared, merged, idxout, gidx, rows,
               bfout, wcb, logout, sem, sem2):
  cid = lax.axis_index("c")
  sid = lax.axis_index("s")
  q = sid % 4
  bagl = sid // 4
  bag = cid * 4 + bagl
  iota = lax.broadcasted_iota(jnp.int32, (16,), 0)
  iota16 = iota * 16
  lane0 = iota == 0
  BIGI = jnp.int32(1 << 30)

  def full_i(x):
    return jnp.full((16,), x, jnp.int32)

  def full_f(x):
    return jnp.full((16,), x, jnp.float32)

  def _quarter_cm(src):
    pg = full_f(SENT)
    for gg in range(16):
      def _init(t, acc):
        base = gg * GSZ + t * 64
        for u in range(4):
          acc = jnp.maximum(acc, plsc.load_gather(src, [base + u * 16 + iota]))
        return acc
      acc = lax.fori_loop(0, CHUNK // 4, _init, full_f(SENT))
      part[pl.ds(gg * 16, 16)] = acc
      pg = jnp.where(iota == gg, jnp.max(acc), pg)
    part[pl.ds(256, 16)] = pg

  @pl.when(q == 0)
  def _():
    pltpu.async_copy(scores_hbm.at[bag], sv, sem2)

  pltpu.sync_copy(scores_hbm.at[bag, pl.ds(q * (N // 4), N // 4)], qsv)
  _quarter_cm(qsv)

  pltpu.sync_copy(part, shared.at[sid])
  plsc.subcore_barrier()

  @pl.when(q == 0)
  def _leader():
    pltpu.sync_copy(shared.at[pl.ds(bagl * 4, 4)], merged)
    for qq in range(4):
      for i in range(16):
        cm[pl.ds(qq * 256 + i * 16, 16)] = merged[qq, pl.ds(i * 16, 16)]
      gsm[pl.ds(qq * 16, 16)] = merged[qq, pl.ds(256, 16)]
    pltpu.make_async_copy(scores_hbm.at[bag], sv, sem2).wait()

    def _extract(t, carry):
      g0 = gsm[pl.ds(0, 16)]
      g1 = gsm[pl.ds(16, 16)]
      g2 = gsm[pl.ds(32, 16)]
      g3 = gsm[pl.ds(48, 16)]
      gm = jnp.max(jnp.maximum(jnp.maximum(g0, g1), jnp.maximum(g2, g3)))
      pm = jnp.minimum(
          jnp.minimum(jnp.where(g0 == gm, iota, BIGI),
                      jnp.where(g1 == gm, iota + 16, BIGI)),
          jnp.minimum(jnp.where(g2 == gm, iota + 32, BIGI),
                      jnp.where(g3 == gm, iota + 48, BIGI)))
      gstar = jnp.min(pm)
      cmrow = plsc.load_gather(cm, [gstar * 16 + iota])
      lstar = jnp.min(jnp.where(cmrow == gm, iota, BIGI))
      base = gstar * GSZ + lstar
      pacc = full_i(BIGI)
      vals_l, idx_l = [], []
      for u in range(4):
        idxv = base + u * 256 + iota16
        vals = plsc.load_gather(sv, [idxv])
        vals_l.append(vals)
        idx_l.append(idxv)
        pacc = jnp.minimum(pacc, jnp.where(vals == gm, idxv, BIGI))
      p = jnp.min(pacc)
      plsc.store_scatter(sv, [full_i(p)], full_f(SENT), mask=lane0)
      macc = full_f(SENT)
      for u in range(4):
        macc = jnp.maximum(macc,
                           jnp.where(idx_l[u] == p, full_f(SENT), vals_l[u]))
      newmax = jnp.max(macc)
      plsc.store_scatter(cm, [full_i(gstar * 16 + lstar)], full_f(newmax),
                         mask=lane0)
      newrow = jnp.where(iota == lstar, newmax, cmrow)
      plsc.store_scatter(gsm, [full_i(gstar)], full_f(jnp.max(newrow)),
                         mask=lane0)
      plsc.store_scatter(idxout, [full_i(t)], full_i(p), mask=lane0)
      plsc.store_scatter(gidx, [full_i(t)], full_i(p + bag * N), mask=lane0)
      return carry

    lax.fori_loop(0, K, _extract, jnp.int32(0))

    pltpu.async_copy(inst_hbm.at[gidx], rows, sem).wait()

    def _pool(r, accs):
      rv = full_i(r)
      return tuple(
          accs[c] + plsc.load_gather(rows, [rv, c * 16 + iota])
          for c in range(8))
    accs = lax.fori_loop(0, K, _pool, tuple(full_f(0.0) for _ in range(8)))
    bfv = [accs[c] * (1.0 / K) for c in range(8)]
    for c in range(8):
      bfout[pl.ds(c * 16, 16)] = bfv[c]

    pltpu.sync_copy(wcb_hbm, wcb)
    lacc0 = full_f(0.0)
    lacc1 = full_f(0.0)
    for c in range(8):
      bfr = _round_bf16(bfv[c])
      lacc0 = lacc0 + bfr * _round_bf16(wcb[pl.ds(c * 16, 16)])
      lacc1 = lacc1 + bfr * _round_bf16(wcb[pl.ds(128 + c * 16, 16)])
    l0 = jnp.sum(lacc0) + wcb[pl.ds(256, 16)][0]
    l1 = jnp.sum(lacc1) + wcb[pl.ds(256, 16)][1]
    lvec = jnp.where(iota == 0, full_f(l0),
                     jnp.where(iota == 1, full_f(l1), full_f(0.0)))
    logout[pl.ds(0, 16)] = lvec

    pltpu.sync_copy(idxout, topk_hbm.at[bag])
    pltpu.sync_copy(bfout, bf_hbm.at[bag])
    pltpu.sync_copy(logout, log_hbm.at[bag])


def _topk_sc(scores, inst_flat, wcb):
  mesh = plsc.VectorSubcoreMesh(core_axis_name="c", subcore_axis_name="s",
                                num_cores=2, num_subcores=16)
  f = pl.kernel(
      _topk_body,
      out_type=[
          jax.ShapeDtypeStruct((B, K), jnp.int32),
          jax.ShapeDtypeStruct((B, D), jnp.float32),
          jax.ShapeDtypeStruct((B, 16), jnp.float32),
      ],
      mesh=mesh,
      scratch_types=[
          pltpu.VMEM((N,), jnp.float32),
          pltpu.VMEM((N // 4,), jnp.float32),
          pltpu.VMEM((GROUPS * 16,), jnp.float32),
          pltpu.VMEM((GROUPS,), jnp.float32),
          pltpu.VMEM((272,), jnp.float32),
          pltpu.VMEM_SHARED((16, 272), jnp.float32),
          pltpu.VMEM((4, 272), jnp.float32),
          pltpu.VMEM((K,), jnp.int32),
          pltpu.VMEM((K,), jnp.int32),
          pltpu.VMEM((K, D), jnp.float32),
          pltpu.VMEM((D,), jnp.float32),
          pltpu.VMEM((2 * D + 16,), jnp.float32),
          pltpu.VMEM((16,), jnp.float32),
          pltpu.SemaphoreType.DMA,
          pltpu.SemaphoreType.DMA,
      ],
      compiler_params=pltpu.CompilerParams(use_tc_tiling_on_sc=False,
                                           needs_layout_passes=False),
  )
  return f(scores, inst_flat, wcb)



def kernel(instances, mask, W1, b1, W2, b2, Wc, bc):
  instances = jnp.asarray(instances)
  if instances.ndim == 2:
    instances = instances[None]
  mask4 = mask.reshape(B, NB, 1, BN)
  aux = jnp.stack([b1, W2[:, 0]])
  scores4 = _scores_tc(instances, mask4, W1, aux, b2)
  scores = scores4.reshape(B, N)

  wcb = jnp.concatenate([Wc.T.reshape(-1), bc,
                         jnp.zeros((16 - C,), jnp.float32)])
  topk_indices, bag_features, logpad = _topk_sc(
      scores, instances.reshape(B * N, D), wcb)

  att3 = _finish_tc(scores.reshape(B, N // D, D))
  attention_weights = att3.reshape(B, N)
  return (logpad[:, :C], attention_weights, topk_indices, bag_features)

# --- scband reference (transcript-rebuilt; emitter-appended) ---
"""Pipeline reference for scband-instance-selector-mil-15006615733114 (READ-ONLY COPY).

The authoritative reference and input builder live on the scoring server;
editing this copy changes nothing except your own understanding.
"""

import jax, jax.numpy as jnp
import numpy as np

B, N, D, K, C = 8, 65536, 128, 64, 2

def setup_inputs(seed: int = 0) -> dict:
    key = jax.random.key(seed)
    ks = jax.random.split(key, 8)
    instances = jax.random.normal(ks[0], (B, N, D), dtype=jnp.float32)
    mask = jnp.ones((B, N), dtype=jnp.int32)
    W1 = jax.random.normal(ks[1], (D, D // 2), dtype=jnp.float32) * (1.0 / np.sqrt(D))
    b1 = jnp.zeros((D // 2,), dtype=jnp.float32)
    W2 = jax.random.normal(ks[2], (D // 2, 1), dtype=jnp.float32) * (1.0 / np.sqrt(D // 2))
    b2 = jnp.zeros((1,), dtype=jnp.float32)
    Wc = jax.random.normal(ks[3], (D, C), dtype=jnp.float32) * (1.0 / np.sqrt(D))
    bc = jnp.zeros((C,), dtype=jnp.float32)
    return {"instances": instances, "mask": mask, "W1": W1, "b1": b1, "W2": W2, "b2": b2, "Wc": Wc, "bc": bc}

def reference(instances, mask, W1, b1, W2, b2, Wc, bc):
    if instances.ndim == 2:
        instances = instances[None]
    b, n, d = instances.shape
    hidden = jnp.maximum(instances @ W1 + b1, 0.0)
    scores = jnp.squeeze(hidden @ W2 + b2, -1)  # [B, N]
    scores = jnp.where(mask == 0, -1e9, scores)
    k = min(K, n)
    topk_scores, topk_indices = jax.lax.top_k(scores, k)
    selected = jnp.take_along_axis(instances, topk_indices[:, :, None], axis=1)  # [B, k, D]
    bag_features = selected.mean(axis=1)
    logits = bag_features @ Wc + bc
    attention_weights = jax.nn.softmax(scores, axis=1)
    return (logits, attention_weights, topk_indices, bag_features)

if __name__ == "__main__":
    import jax
    _d = setup_inputs()
    print(jax.jit(kernel)(*tuple(_d.values())))

</pallas_src>

<mosaic_0001>
#map = affine_map<(d0, d1) -> (0, 0)>
#map1 = affine_map<(d0, d1) -> (0)>
module attributes {stable_mosaic.version = 14 : i64} {
  func.func @_topk_body(%arg0: i32, %arg1: i32, %arg2: memref<8x65536xf32, #tpu.memory_space<hbm>>, %arg3: memref<524288x128xf32, #tpu.memory_space<hbm>>, %arg4: memref<272xf32, #tpu.memory_space<hbm>>, %arg5: memref<8x64xi32, #tpu.memory_space<hbm>>, %arg6: memref<8x128xf32, #tpu.memory_space<hbm>>, %arg7: memref<8x16xf32, #tpu.memory_space<hbm>>, %arg8: memref<65536xf32, #tpu.memory_space<vmem>>, %arg9: memref<16384xf32, #tpu.memory_space<vmem>>, %arg10: memref<1024xf32, #tpu.memory_space<vmem>>, %arg11: memref<64xf32, #tpu.memory_space<vmem>>, %arg12: memref<272xf32, #tpu.memory_space<vmem>>, %arg13: memref<16x272xf32, #tpu.memory_space<vmem_shared>>, %arg14: memref<4x272xf32, #tpu.memory_space<vmem>>, %arg15: memref<64xi32, #tpu.memory_space<vmem>>, %arg16: memref<64xi32, #tpu.memory_space<vmem>>, %arg17: memref<64x128xf32, #tpu.memory_space<vmem>>, %arg18: memref<128xf32, #tpu.memory_space<vmem>>, %arg19: memref<272xf32, #tpu.memory_space<vmem>>, %arg20: memref<16xf32, #tpu.memory_space<vmem>>, %arg21: memref<!tpu.dma_semaphore, #tpu.memory_space<semaphore_mem>>, %arg22: memref<!tpu.dma_semaphore, #tpu.memory_space<semaphore_mem>>) attributes {dimension_semantics = [#tpu.dimension_semantics<core_parallel>, #tpu.dimension_semantics<subcore_parallel>], iteration_bounds = array<i64: 2, 16>, scalar_prefetch = 0 : i64, scratch_operands = 15 : i64, tpu.core_type = #tpu.core_type<sc_vector_subcore>, window_params = [{transform_indices = #map}, {transform_indices = #map}, {transform_indices = #map1}, {transform_indices = #map}, {transform_indices = #map}, {transform_indices = #map}]} {
    %jit3A = arith.constant 4 : i32
    %eq3A = arith.constant 0 : i32
    %eq3A_0 = arith.cmpi eq, %jit3A, %eq3A : i32
    %jit3A_1 = arith.constant 1 : i32
    %select_n3A = arith.select %eq3A_0, %jit3A_1, %jit3A : i32
    %rem3A = arith.remsi %arg1, %select_n3A : i32
    %ne3A = arith.constant 0 : i32
    %ne3A_2 = arith.cmpi ne, %rem3A, %ne3A : i32
    %lt3A = arith.constant 0 : i32
    %lt3A_3 = arith.cmpi slt, %rem3A, %lt3A : i32
    %lt3A_4 = arith.constant 0 : i32
    %lt3A_5 = arith.cmpi slt, %select_n3A, %lt3A_4 : i32
    %ne3A_6 = arith.xori %lt3A_3, %lt3A_5 : i1
    %and3A = arith.andi %ne3A_6, %ne3A_2 : i1
    %add3A = arith.addi %rem3A, %select_n3A : i32
    %select_n3A_7 = arith.select %and3A, %add3A, %rem3A : i32
    %jit3A_8 = arith.constant 4 : i32
    %div3A = arith.divsi %arg1, %jit3A_8 : i32
    %sign3A = arith.constant 0 : i32
    %sign3A_9 = arith.cmpi sgt, %arg1, %sign3A : i32
    %sign3A_10 = arith.extui %sign3A_9 : i1 to i32
    %sign3A_11 = arith.constant 0 : i32
    %sign3A_12 = arith.cmpi slt, %arg1, %sign3A_11 : i32
    %sign3A_13 = arith.extui %sign3A_12 : i1 to i32
    %sign3A_14 = arith.subi %sign3A_10, %sign3A_13 : i32
    %sign3A_15 = arith.constant 0 : i32
    %sign3A_16 = arith.cmpi sgt, %jit3A_8, %sign3A_15 : i32
    %sign3A_17 = arith.extui %sign3A_16 : i1 to i32
    %sign3A_18 = arith.constant 0 : i32
    %sign3A_19 = arith.cmpi slt, %jit3A_8, %sign3A_18 : i32
    %sign3A_20 = arith.extui %sign3A_19 : i1 to i32
    %sign3A_21 = arith.subi %sign3A_17, %sign3A_20 : i32
    %ne3A_22 = arith.cmpi ne, %sign3A_14, %sign3A_21 : i32
    %rem3A_23 = arith.remsi %arg1, %jit3A_8 : i32
    %ne3A_24 = arith.constant 0 : i32
    %ne3A_25 = arith.cmpi ne, %rem3A_23, %ne3A_24 : i32
    %and3A_26 = arith.andi %ne3A_22, %ne3A_25 : i1
    %sub3A = arith.constant 1 : i32
    %sub3A_27 = arith.subi %div3A, %sub3A : i32
    %select_n3A_28 = arith.select %and3A_26, %sub3A_27, %div3A : i32
    %mul3A = arith.constant 4 : i32
    %mul3A_29 = arith.muli %arg0, %mul3A : i32
    %add3A_30 = arith.addi %mul3A_29, %select_n3A_28 : i32
    %iota3A = tpu.iota {dimensions = array<i32: 0>} : vector<16xi32>
    %mul3A_31 = arith.constant 16 : i32
    %mul3A_32 = vector.broadcast %mul3A_31 : i32 to vector<16xi32>
    %mul3A_33 = arith.muli %iota3A, %mul3A_32 : vector<16xi32>
    %eq3A_34 = arith.constant 0 : i32
    %eq3A_35 = vector.broadcast %eq3A_34 : i32 to vector<16xi32>
    %eq3A_36 = arith.cmpi eq, %iota3A, %eq3A_35 : vector<16xi32>
    %eq3A_37 = arith.constant 0 : i32
    %eq3A_38 = arith.cmpi eq, %select_n3A_7, %eq3A_37 : i32
    %convert_element_type3A = arith.extui %eq3A_38 : i1 to i32
    %cond3A = arith.constant 0 : i32
    %cond3A_39 = arith.cmpi ne, %convert_element_type3A, %cond3A : i32
    scf.if %cond3A_39 {
      %dma_start3A = arith.constant 0 : i32
      %dma_start3A_352 = tpu.memref_slice %arg2[%add3A_30, %dma_start3A] : memref<8x65536xf32, #tpu.memory_space<hbm>> -> memref<1x65536xf32, #tpu.memory_space<hbm>>
      %dma_start3A_353 = tpu.memref_squeeze %dma_start3A_352 : memref<1x65536xf32, #tpu.memory_space<hbm>> -> memref<65536xf32, #tpu.memory_space<hbm>>
      %dma_start3A_354 = arith.constant 0 : i32
      %dma_start3A_355 = tpu.memref_slice %arg2[%add3A_30, %dma_start3A_354] : memref<8x65536xf32, #tpu.memory_space<hbm>> -> memref<1x65536xf32, #tpu.memory_space<hbm>>
      %dma_start3A_356 = tpu.memref_squeeze %dma_start3A_355 : memref<1x65536xf32, #tpu.memory_space<hbm>> -> memref<65536xf32, #tpu.memory_space<hbm>>
      tpu.enqueue_dma source(%dma_start3A_356 : memref<65536xf32, #tpu.memory_space<hbm>>) target(%arg8 : memref<65536xf32, #tpu.memory_space<vmem>>) target_semaphore(%arg22 : memref<!tpu.dma_semaphore, #tpu.memory_space<semaphore_mem>>)
    } else {
    }
    %mul3A_40 = arith.constant 16384 : i32
    %mul3A_41 = arith.muli %select_n3A_7, %mul3A_40 : i32
    "tpu.region"() ({
      %run_scoped3A = tpu.sem_alloc : memref<!tpu.dma_semaphore, #tpu.memory_space<semaphore_mem>>
      %dma_start3A = tpu.memref_slice %arg2[%add3A_30, %mul3A_41] : memref<8x65536xf32, #tpu.memory_space<hbm>> -> memref<1x16384xf32, #tpu.memory_space<hbm>>
      %dma_start3A_352 = tpu.memref_squeeze %dma_start3A : memref<1x16384xf32, #tpu.memory_space<hbm>> -> memref<16384xf32, #tpu.memory_space<hbm>>
      %dma_start3A_353 = tpu.memref_slice %arg2[%add3A_30, %mul3A_41] : memref<8x65536xf32, #tpu.memory_space<hbm>> -> memref<1x16384xf32, #tpu.memory_space<hbm>>
      %dma_start3A_354 = tpu.memref_squeeze %dma_start3A_353 : memref<1x16384xf32, #tpu.memory_space<hbm>> -> memref<16384xf32, #tpu.memory_space<hbm>>
      tpu.enqueue_dma source(%dma_start3A_354 : memref<16384xf32, #tpu.memory_space<hbm>>) target(%arg9 : memref<16384xf32, #tpu.memory_space<vmem>>) target_semaphore(%run_scoped3A : memref<!tpu.dma_semaphore, #tpu.memory_space<semaphore_mem>>)
      %dma_wait3A = tpu.memref_slice %arg2[%add3A_30, %mul3A_41] : memref<8x65536xf32, #tpu.memory_space<hbm>> -> memref<1x16384xf32, #tpu.memory_space<hbm>>
      %dma_wait3A_355 = tpu.memref_squeeze %dma_wait3A : memref<1x16384xf32, #tpu.memory_space<hbm>> -> memref<16384xf32, #tpu.memory_space<hbm>>
      %dma_wait3A_356 = tpu.memref_slice %arg2[%add3A_30, %mul3A_41] : memref<8x65536xf32, #tpu.memory_space<hbm>> -> memref<1x16384xf32, #tpu.memory_space<hbm>>
      %dma_wait3A_357 = tpu.memref_squeeze %dma_wait3A_356 : memref<1x16384xf32, #tpu.memory_space<hbm>> -> memref<16384xf32, #tpu.memory_space<hbm>>
      tpu.wait_dma2 semaphore(%run_scoped3A : memref<!tpu.dma_semaphore, #tpu.memory_space<semaphore_mem>>) src(%dma_wait3A_357 : memref<16384xf32, #tpu.memory_space<hbm>>) dst(%arg9 : memref<16384xf32, #tpu.memory_space<vmem>>)
      tpu.yield
    }) : () -> ()
    %broadcast_in_dim3A = arith.constant -3.000000e+38 : f32
    %broadcast_in_dim3A_42 = vector.broadcast %broadcast_in_dim3A : f32 to vector<16xf32>
    %broadcast_in_dim3A_43 = arith.constant -3.000000e+38 : f32
    %broadcast_in_dim3A_44 = vector.broadcast %broadcast_in_dim3A_43 : f32 to vector<16xf32>
    %scan3A = arith.constant 0 : i32
    %scan3A_45 = arith.constant 16 : i32
    %scan3A_46 = arith.addi %scan3A, %scan3A_45 : i32
    %scan3A_47 = arith.constant 1 : i32
    %scan3A_48 = scf.for %scan3A_352 = %scan3A to %scan3A_46 step %scan3A_47 iter_args(%scan3A_353 = %broadcast_in_dim3A_44) -> (vector<16xf32>)  : i32 {
      %mul3A_354 = arith.constant 64 : i32
      %mul3A_355 = arith.muli %scan3A_352, %mul3A_354 : i32
      %add3A_356 = arith.constant 0 : i32
      %add3A_357 = arith.addi %add3A_356, %mul3A_355 : i32
      %add3A_358 = arith.constant 0 : i32
      %add3A_359 = arith.addi %add3A_357, %add3A_358 : i32
      %add3A_360 = vector.broadcast %add3A_359 : i32 to vector<16xi32>
      %add3A_361 = arith.addi %add3A_360, %iota3A : vector<16xi32>
      %gather3A = tpu.vector_load_idx %arg9[%add3A_361] : memref<16384xf32, #tpu.memory_space<vmem>>[vector<16xi32>], vector<16xf32>,
      %max3A = arith.maximumf %scan3A_353, %gather3A : vector<16xf32>
      %add3A_362 = arith.constant 16 : i32
      %add3A_363 = arith.addi %add3A_357, %add3A_362 : i32
      %add3A_364 = vector.broadcast %add3A_363 : i32 to vector<16xi32>
      %add3A_365 = arith.addi %add3A_364, %iota3A : vector<16xi32>
      %gather3A_366 = tpu.vector_load_idx %arg9[%add3A_365] : memref<16384xf32, #tpu.memory_space<vmem>>[vector<16xi32>], vector<16xf32>,
      %max3A_367 = arith.maximumf %max3A, %gather3A_366 : vector<16xf32>
      %add3A_368 = arith.constant 32 : i32
      %add3A_369 = arith.addi %add3A_357, %add3A_368 : i32
      %add3A_370 = vector.broadcast %add3A_369 : i32 to vector<16xi32>
      %add3A_371 = arith.addi %add3A_370, %iota3A : vector<16xi32>
      %gather3A_372 = tpu.vector_load_idx %arg9[%add3A_371] : memref<16384xf32, #tpu.memory_space<vmem>>[vector<16xi32>], vector<16xf32>,
      %max3A_373 = arith.maximumf %max3A_367, %gather3A_372 : vector<16xf32>
      %add3A_374 = arith.constant 48 : i32
      %add3A_375 = arith.addi %add3A_357, %add3A_374 : i32
      %add3A_376 = vector.broadcast %add3A_375 : i32 to vector<16xi32>
      %add3A_377 = arith.addi %add3A_376, %iota3A : vector<16xi32>
      %gather3A_378 = tpu.vector_load_idx %arg9[%add3A_377] : memref<16384xf32, #tpu.memory_space<vmem>>[vector<16xi32>], vector<16xf32>,
      %max3A_379 = arith.maximumf %max3A_373, %gather3A_378 : vector<16xf32>
      scf.yield %max3A_379 : vector<16xf32>
    }
    %scan3A_49 = arith.constant 16 : i32
    %swap3A = arith.constant 0 : index
    %swap3A_50 = tpu.vector_load %arg12[%swap3A] {strides = array<i32>} : memref<272xf32, #tpu.memory_space<vmem>>, vector<16xf32>,
    tpu.vector_store %arg12[%swap3A], %scan3A_48 {strides = array<i32>} : memref<272xf32, #tpu.memory_space<vmem>>, vector<16xf32>,
    %eq3A_51 = arith.constant 0 : i32
    %eq3A_52 = vector.broadcast %eq3A_51 : i32 to vector<16xi32>
    %eq3A_53 = arith.cmpi eq, %iota3A, %eq3A_52 : vector<16xi32>
    %reduce_max3A = arith.constant true
    %reduce_max3A_54 = vector.broadcast %reduce_max3A : i1 to vector<16xi1>
    %reduce_max3A_55 = tpu.scan <max>, %scan3A_48 masked %reduce_max3A_54 : vector<16xf32>, vector<16xi1> -> vector<16xf32>
    %reduce_max3A_56 = vector.extract %reduce_max3A_55[15] : f32 from vector<16xf32>
    %broadcast_in_dim3A_57 = vector.broadcast %reduce_max3A_56 : f32 to vector<16xf32>
    %select_n3A_58 = arith.select %eq3A_53, %broadcast_in_dim3A_57, %broadcast_in_dim3A_42 : vector<16xi1>, vector<16xf32>
    %broadcast_in_dim3A_59 = arith.constant -3.000000e+38 : f32
    %broadcast_in_dim3A_60 = vector.broadcast %broadcast_in_dim3A_59 : f32 to vector<16xf32>
    %scan3A_61 = arith.constant 0 : i32
    %scan3A_62 = arith.constant 16 : i32
    %scan3A_63 = arith.addi %scan3A_61, %scan3A_62 : i32
    %scan3A_64 = arith.constant 1 : i32
    %scan3A_65 = scf.for %scan3A_352 = %scan3A_61 to %scan3A_63 step %scan3A_64 iter_args(%scan3A_353 = %broadcast_in_dim3A_60) -> (vector<16xf32>)  : i32 {
      %mul3A_354 = arith.constant 64 : i32
      %mul3A_355 = arith.muli %scan3A_352, %mul3A_354 : i32
      %add3A_356 = arith.constant 1024 : i32
      %add3A_357 = arith.addi %add3A_356, %mul3A_355 : i32
      %add3A_358 = arith.constant 0 : i32
      %add3A_359 = arith.addi %add3A_357, %add3A_358 : i32
      %add3A_360 = vector.broadcast %add3A_359 : i32 to vector<16xi32>
      %add3A_361 = arith.addi %add3A_360, %iota3A : vector<16xi32>
      %gather3A = tpu.vector_load_idx %arg9[%add3A_361] : memref<16384xf32, #tpu.memory_space<vmem>>[vector<16xi32>], vector<16xf32>,
      %max3A = arith.maximumf %scan3A_353, %gather3A : vector<16xf32>
      %add3A_362 = arith.constant 16 : i32
      %add3A_363 = arith.addi %add3A_357, %add3A_362 : i32
      %add3A_364 = vector.broadcast %add3A_363 : i32 to vector<16xi32>
      %add3A_365 = arith.addi %add3A_364, %iota3A : vector<16xi32>
      %gather3A_366 = tpu.vector_load_idx %arg9[%add3A_365] : memref<16384xf32, #tpu.memory_space<vmem>>[vector<16xi32>], vector<16xf32>,
      %max3A_367 = arith.maximumf %max3A, %gather3A_366 : vector<16xf32>
      %add3A_368 = arith.constant 32 : i32
      %add3A_369 = arith.addi %add3A_357, %add3A_368 : i32
      %add3A_370 = vector.broadcast %add3A_369 : i32 to vector<16xi32>
      %add3A_371 = arith.addi %add3A_370, %iota3A : vector<16xi32>
      %gather3A_372 = tpu.vector_load_idx %arg9[%add3A_371] : memref<16384xf32, #tpu.memory_space<vmem>>[vector<16xi32>], vector<16xf32>,
      %max3A_373 = arith.maximumf %max3A_367, %gather3A_372 : vector<16xf32>
      %add3A_374 = arith.constant 48 : i32
      %add3A_375 = arith.addi %add3A_357, %add3A_374 : i32
      %add3A_376 = vector.broadcast %add3A_375 : i32 to vector<16xi32>
      %add3A_377 = arith.addi %add3A_376, %iota3A : vector<16xi32>
      %gather3A_378 = tpu.vector_load_idx %arg9[%add3A_377] : memref<16384xf32, #tpu.memory_space<vmem>>[vector<16xi32>], vector<16xf32>,
      %max3A_379 = arith.maximumf %max3A_373, %gather3A_378 : vector<16xf32>
      scf.yield %max3A_379 : vector<16xf32>
    }
    %scan3A_66 = arith.constant 16 : i32
    %swap3A_67 = arith.constant 16 : index
    %swap3A_68 = tpu.vector_load %arg12[%swap3A_67] {strides = array<i32>} : memref<272xf32, #tpu.memory_space<vmem>>, vector<16xf32>,
    tpu.vector_store %arg12[%swap3A_67], %scan3A_65 {strides = array<i32>} : memref<272xf32, #tpu.memory_space<vmem>>, vector<16xf32>,
    %eq3A_69 = arith.constant 1 : i32
    %eq3A_70 = vector.broadcast %eq3A_69 : i32 to vector<16xi32>
    %eq3A_71 = arith.cmpi eq, %iota3A, %eq3A_70 : vector<16xi32>
    %reduce_max3A_72 = arith.constant true
    %reduce_max3A_73 = vector.broadcast %reduce_max3A_72 : i1 to vector<16xi1>
    %reduce_max3A_74 = tpu.scan <max>, %scan3A_65 masked %reduce_max3A_73 : vector<16xf32>, vector<16xi1> -> vector<16xf32>
    %reduce_max3A_75 = vector.extract %reduce_max3A_74[15] : f32 from vector<16xf32>
    %broadcast_in_dim3A_76 = vector.broadcast %reduce_max3A_75 : f32 to vector<16xf32>
    %select_n3A_77 = arith.select %eq3A_71, %broadcast_in_dim3A_76, %select_n3A_58 : vector<16xi1>, vector<16xf32>
    %broadcast_in_dim3A_78 = arith.constant -3.000000e+38 : f32
    %broadcast_in_dim3A_79 = vector.broadcast %broadcast_in_dim3A_78 : f32 to vector<16xf32>
    %scan3A_80 = arith.constant 0 : i32
    %scan3A_81 = arith.constant 16 : i32
    %scan3A_82 = arith.addi %scan3A_80, %scan3A_81 : i32
    %scan3A_83 = arith.constant 1 : i32
    %scan3A_84 = scf.for %scan3A_352 = %scan3A_80 to %scan3A_82 step %scan3A_83 iter_args(%scan3A_353 = %broadcast_in_dim3A_79) -> (vector<16xf32>)  : i32 {
      %mul3A_354 = arith.constant 64 : i32
      %mul3A_355 = arith.muli %scan3A_352, %mul3A_354 : i32
      %add3A_356 = arith.constant 2048 : i32
      %add3A_357 = arith.addi %add3A_356, %mul3A_355 : i32
      %add3A_358 = arith.constant 0 : i32
      %add3A_359 = arith.addi %add3A_357, %add3A_358 : i32
      %add3A_360 = vector.broadcast %add3A_359 : i32 to vector<16xi32>
      %add3A_361 = arith.addi %add3A_360, %iota3A : vector<16xi32>
      %gather3A = tpu.vector_load_idx %arg9[%add3A_361] : memref<16384xf32, #tpu.memory_space<vmem>>[vector<16xi32>], vector<16xf32>,
      %max3A = arith.maximumf %scan3A_353, %gather3A : vector<16xf32>
      %add3A_362 = arith.constant 16 : i32
      %add3A_363 = arith.addi %add3A_357, %add3A_362 : i32
      %add3A_364 = vector.broadcast %add3A_363 : i32 to vector<16xi32>
      %add3A_365 = arith.addi %add3A_364, %iota3A : vector<16xi32>
      %gather3A_366 = tpu.vector_load_idx %arg9[%add3A_365] : memref<16384xf32, #tpu.memory_space<vmem>>[vector<16xi32>], vector<16xf32>,
      %max3A_367 = arith.maximumf %max3A, %gather3A_366 : vector<16xf32>
      %add3A_368 = arith.constant 32 : i32
      %add3A_369 = arith.addi %add3A_357, %add3A_368 : i32
      %add3A_370 = vector.broadcast %add3A_369 : i32 to vector<16xi32>
      %add3A_371 = arith.addi %add3A_370, %iota3A : vector<16xi32>
      %gather3A_372 = tpu.vector_load_idx %arg9[%add3A_371] : memref<16384xf32, #tpu.memory_space<vmem>>[vector<16xi32>], vector<16xf32>,
      %max3A_373 = arith.maximumf %max3A_367, %gather3A_372 : vector<16xf32>
      %add3A_374 = arith.constant 48 : i32
      %add3A_375 = arith.addi %add3A_357, %add3A_374 : i32
      %add3A_376 = vector.broadcast %add3A_375 : i32 to vector<16xi32>
      %add3A_377 = arith.addi %add3A_376, %iota3A : vector<16xi32>
      %gather3A_378 = tpu.vector_load_idx %arg9[%add3A_377] : memref<16384xf32, #tpu.memory_space<vmem>>[vector<16xi32>], vector<16xf32>,
      %max3A_379 = arith.maximumf %max3A_373, %gather3A_378 : vector<16xf32>
      scf.yield %max3A_379 : vector<16xf32>
    }
    %scan3A_85 = arith.constant 16 : i32
    %swap3A_86 = arith.constant 32 : index
    %swap3A_87 = tpu.vector_load %arg12[%swap3A_86] {strides = array<i32>} : memref<272xf32, #tpu.memory_space<vmem>>, vector<16xf32>,
    tpu.vector_store %arg12[%swap3A_86], %scan3A_84 {strides = array<i32>} : memref<272xf32, #tpu.memory_space<vmem>>, vector<16xf32>,
    %eq3A_88 = arith.constant 2 : i32
    %eq3A_89 = vector.broadcast %eq3A_88 : i32 to vector<16xi32>
    %eq3A_90 = arith.cmpi eq, %iota3A, %eq3A_89 : vector<16xi32>
    %reduce_max3A_91 = arith.constant true
    %reduce_max3A_92 = vector.broadcast %reduce_max3A_91 : i1 to vector<16xi1>
    %reduce_max3A_93 = tpu.scan <max>, %scan3A_84 masked %reduce_max3A_92 : vector<16xf32>, vector<16xi1> -> vector<16xf32>
    %reduce_max3A_94 = vector.extract %reduce_max3A_93[15] : f32 from vector<16xf32>
    %broadcast_in_dim3A_95 = vector.broadcast %reduce_max3A_94 : f32 to vector<16xf32>
    %select_n3A_96 = arith.select %eq3A_90, %broadcast_in_dim3A_95, %select_n3A_77 : vector<16xi1>, vector<16xf32>
    %broadcast_in_dim3A_97 = arith.constant -3.000000e+38 : f32
    %broadcast_in_dim3A_98 = vector.broadcast %broadcast_in_dim3A_97 : f32 to vector<16xf32>
    %scan3A_99 = arith.constant 0 : i32
    %scan3A_100 = arith.constant 16 : i32
    %scan3A_101 = arith.addi %scan3A_99, %scan3A_100 : i32
    %scan3A_102 = arith.constant 1 : i32
    %scan3A_103 = scf.for %scan3A_352 = %scan3A_99 to %scan3A_101 step %scan3A_102 iter_args(%scan3A_353 = %broadcast_in_dim3A_98) -> (vector<16xf32>)  : i32 {
      %mul3A_354 = arith.constant 64 : i32
      %mul3A_355 = arith.muli %scan3A_352, %mul3A_354 : i32
      %add3A_356 = arith.constant 3072 : i32
      %add3A_357 = arith.addi %add3A_356, %mul3A_355 : i32
      %add3A_358 = arith.constant 0 : i32
      %add3A_359 = arith.addi %add3A_357, %add3A_358 : i32
      %add3A_360 = vector.broadcast %add3A_359 : i32 to vector<16xi32>
      %add3A_361 = arith.addi %add3A_360, %iota3A : vector<16xi32>
      %gather3A = tpu.vector_load_idx %arg9[%add3A_361] : memref<16384xf32, #tpu.memory_space<vmem>>[vector<16xi32>], vector<16xf32>,
      %max3A = arith.maximumf %scan3A_353, %gather3A : vector<16xf32>
      %add3A_362 = arith.constant 16 : i32
      %add3A_363 = arith.addi %add3A_357, %add3A_362 : i32
      %add3A_364 = vector.broadcast %add3A_363 : i32 to vector<16xi32>
      %add3A_365 = arith.addi %add3A_364, %iota3A : vector<16xi32>
      %gather3A_366 = tpu.vector_load_idx %arg9[%add3A_365] : memref<16384xf32, #tpu.memory_space<vmem>>[vector<16xi32>], vector<16xf32>,
      %max3A_367 = arith.maximumf %max3A, %gather3A_366 : vector<16xf32>
      %add3A_368 = arith.constant 32 : i32
      %add3A_369 = arith.addi %add3A_357, %add3A_368 : i32
      %add3A_370 = vector.broadcast %add3A_369 : i32 to vector<16xi32>
      %add3A_371 = arith.addi %add3A_370, %iota3A : vector<16xi32>
      %gather3A_372 = tpu.vector_load_idx %arg9[%add3A_371] : memref<16384xf32, #tpu.memory_space<vmem>>[vector<16xi32>], vector<16xf32>,
      %max3A_373 = arith.maximumf %max3A_367, %gather3A_372 : vector<16xf32>
      %add3A_374 = arith.constant 48 : i32
      %add3A_375 = arith.addi %add3A_357, %add3A_374 : i32
      %add3A_376 = vector.broadcast %add3A_375 : i32 to vector<16xi32>
      %add3A_377 = arith.addi %add3A_376, %iota3A : vector<16xi32>
      %gather3A_378 = tpu.vector_load_idx %arg9[%add3A_377] : memref<16384xf32, #tpu.memory_space<vmem>>[vector<16xi32>], vector<16xf32>,
      %max3A_379 = arith.maximumf %max3A_373, %gather3A_378 : vector<16xf32>
      scf.yield %max3A_379 : vector<16xf32>
    }
    %scan3A_104 = arith.constant 16 : i32
    %swap3A_105 = arith.constant 48 : index
    %swap3A_106 = tpu.vector_load %arg12[%swap3A_105] {strides = array<i32>} : memref<272xf32, #tpu.memory_space<vmem>>, vector<16xf32>,
    tpu.vector_store %arg12[%swap3A_105], %scan3A_103 {strides = array<i32>} : memref<272xf32, #tpu.memory_space<vmem>>, vector<16xf32>,
    %eq3A_107 = arith.constant 3 : i32
    %eq3A_108 = vector.broadcast %eq3A_107 : i32 to vector<16xi32>
    %eq3A_109 = arith.cmpi eq, %iota3A, %eq3A_108 : vector<16xi32>
    %reduce_max3A_110 = arith.constant true
    %reduce_max3A_111 = vector.broadcast %reduce_max3A_110 : i1 to vector<16xi1>
    %reduce_max3A_112 = tpu.scan <max>, %scan3A_103 masked %reduce_max3A_111 : vector<16xf32>, vector<16xi1> -> vector<16xf32>
    %reduce_max3A_113 = vector.extract %reduce_max3A_112[15] : f32 from vector<16xf32>
    %broadcast_in_dim3A_114 = vector.broadcast %reduce_max3A_113 : f32 to vector<16xf32>
    %select_n3A_115 = arith.select %eq3A_109, %broadcast_in_dim3A_114, %select_n3A_96 : vector<16xi1>, vector<16xf32>
    %broadcast_in_dim3A_116 = arith.constant -3.000000e+38 : f32
    %broadcast_in_dim3A_117 = vector.broadcast %broadcast_in_dim3A_116 : f32 to vector<16xf32>
    %scan3A_118 = arith.constant 0 : i32
    %scan3A_119 = arith.constant 16 : i32
    %scan3A_120 = arith.addi %scan3A_118, %scan3A_119 : i32
    %scan3A_121 = arith.constant 1 : i32
    %scan3A_122 = scf.for %scan3A_352 = %scan3A_118 to %scan3A_120 step %scan3A_121 iter_args(%scan3A_353 = %broadcast_in_dim3A_117) -> (vector<16xf32>)  : i32 {
      %mul3A_354 = arith.constant 64 : i32
      %mul3A_355 = arith.muli %scan3A_352, %mul3A_354 : i32
      %add3A_356 = arith.constant 4096 : i32
      %add3A_357 = arith.addi %add3A_356, %mul3A_355 : i32
      %add3A_358 = arith.constant 0 : i32
      %add3A_359 = arith.addi %add3A_357, %add3A_358 : i32
      %add3A_360 = vector.broadcast %add3A_359 : i32 to vector<16xi32>
      %add3A_361 = arith.addi %add3A_360, %iota3A : vector<16xi32>
      %gather3A = tpu.vector_load_idx %arg9[%add3A_361] : memref<16384xf32, #tpu.memory_space<vmem>>[vector<16xi32>], vector<16xf32>,
      %max3A = arith.maximumf %scan3A_353, %gather3A : vector<16xf32>
      %add3A_362 = arith.constant 16 : i32
      %add3A_363 = arith.addi %add3A_357, %add3A_362 : i32
      %add3A_364 = vector.broadcast %add3A_363 : i32 to vector<16xi32>
      %add3A_365 = arith.addi %add3A_364, %iota3A : vector<16xi32>
      %gather3A_366 = tpu.vector_load_idx %arg9[%add3A_365] : memref<16384xf32, #tpu.memory_space<vmem>>[vector<16xi32>], vector<16xf32>,
      %max3A_367 = arith.maximumf %max3A, %gather3A_366 : vector<16xf32>
      %add3A_368 = arith.constant 32 : i32
      %add3A_369 = arith.addi %add3A_357, %add3A_368 : i32
      %add3A_370 = vector.broadcast %add3A_369 : i32 to vector<16xi32>
      %add3A_371 = arith.addi %add3A_370, %iota3A : vector<16xi32>
      %gather3A_372 = tpu.vector_load_idx %arg9[%add3A_371] : memref<16384xf32, #tpu.memory_space<vmem>>[vector<16xi32>], vector<16xf32>,
      %max3A_373 = arith.maximumf %max3A_367, %gather3A_372 : vector<16xf32>
      %add3A_374 = arith.constant 48 : i32
      %add3A_375 = arith.addi %add3A_357, %add3A_374 : i32
      %add3A_376 = vector.broadcast %add3A_375 : i32 to vector<16xi32>
      %add3A_377 = arith.addi %add3A_376, %iota3A : vector<16xi32>
      %gather3A_378 = tpu.vector_load_idx %arg9[%add3A_377] : memref<16384xf32, #tpu.memory_space<vmem>>[vector<16xi32>], vector<16xf32>,
      %max3A_379 = arith.maximumf %max3A_373, %gather3A_378 : vector<16xf32>
      scf.yield %max3A_379 : vector<16xf32>
    }
    %scan3A_123 = arith.constant 16 : i32
    %swap3A_124 = arith.constant 64 : index
    %swap3A_125 = tpu.vector_load %arg12[%swap3A_124] {strides = array<i32>} : memref<272xf32, #tpu.memory_space<vmem>>, vector<16xf32>,
    tpu.vector_store %arg12[%swap3A_124], %scan3A_122 {strides = array<i32>} : memref<272xf32, #tpu.memory_space<vmem>>, vector<16xf32>,
    %eq3A_126 = arith.constant 4 : i32
    %eq3A_127 = vector.broadcast %eq3A_126 : i32 to vector<16xi32>
    %eq3A_128 = arith.cmpi eq, %iota3A, %eq3A_127 : vector<16xi32>
    %reduce_max3A_129 = arith.constant true
    %reduce_max3A_130 = vector.broadcast %reduce_max3A_129 : i1 to vector<16xi1>
    %reduce_max3A_131 = tpu.scan <max>, %scan3A_122 masked %reduce_max3A_130 : vector<16xf32>, vector<16xi1> -> vector<16xf32>
    %reduce_max3A_132 = vector.extract %reduce_max3A_131[15] : f32 from vector<16xf32>
    %broadcast_in_dim3A_133 = vector.broadcast %reduce_max3A_132 : f32 to vector<16xf32>
    %select_n3A_134 = arith.select %eq3A_128, %broadcast_in_dim3A_133, %select_n3A_115 : vector<16xi1>, vector<16xf32>
    %broadcast_in_dim3A_135 = arith.constant -3.000000e+38 : f32
    %broadcast_in_dim3A_136 = vector.broadcast %broadcast_in_dim3A_135 : f32 to vector<16xf32>
    %scan3A_137 = arith.constant 0 : i32
    %scan3A_138 = arith.constant 16 : i32
    %scan3A_139 = arith.addi %scan3A_137, %scan3A_138 : i32
    %scan3A_140 = arith.constant 1 : i32
    %scan3A_141 = scf.for %scan3A_352 = %scan3A_137 to %scan3A_139 step %scan3A_140 iter_args(%scan3A_353 = %broadcast_in_dim3A_136) -> (vector<16xf32>)  : i32 {
      %mul3A_354 = arith.constant 64 : i32
      %mul3A_355 = arith.muli %scan3A_352, %mul3A_354 : i32
      %add3A_356 = arith.constant 5120 : i32
      %add3A_357 = arith.addi %add3A_356, %mul3A_355 : i32
      %add3A_358 = arith.constant 0 : i32
      %add3A_359 = arith.addi %add3A_357, %add3A_358 : i32
      %add3A_360 = vector.broadcast %add3A_359 : i32 to vector<16xi32>
      %add3A_361 = arith.addi %add3A_360, %iota3A : vector<16xi32>
      %gather3A = tpu.vector_load_idx %arg9[%add3A_361] : memref<16384xf32, #tpu.memory_space<vmem>>[vector<16xi32>], vector<16xf32>,
      %max3A = arith.maximumf %scan3A_353, %gather3A : vector<16xf32>
      %add3A_362 = arith.constant 16 : i32
      %add3A_363 = arith.addi %add3A_357, %add3A_362 : i32
      %add3A_364 = vector.broadcast %add3A_363 : i32 to vector<16xi32>
      %add3A_365 = arith.addi %add3A_364, %iota3A : vector<16xi32>
      %gather3A_366 = tpu.vector_load_idx %arg9[%add3A_365] : memref<16384xf32, #tpu.memory_space<vmem>>[vector<16xi32>], vector<16xf32>,
      %max3A_367 = arith.maximumf %max3A, %gather3A_366 : vector<16xf32>
      %add3A_368 = arith.constant 32 : i32
      %add3A_369 = arith.addi %add3A_357, %add3A_368 : i32
      %add3A_370 = vector.broadcast %add3A_369 : i32 to vector<16xi32>
      %add3A_371 = arith.addi %add3A_370, %iota3A : vector<16xi32>
      %gather3A_372 = tpu.vector_load_idx %arg9[%add3A_371] : memref<16384xf32, #tpu.memory_space<vmem>>[vector<16xi32>], vector<16xf32>,
      %max3A_373 = arith.maximumf %max3A_367, %gather3A_372 : vector<16xf32>
      %add3A_374 = arith.constant 48 : i32
      %add3A_375 = arith.addi %add3A_357, %add3A_374 : i32
      %add3A_376 = vector.broadcast %add3A_375 : i32 to vector<16xi32>
      %add3A_377 = arith.addi %add3A_376, %iota3A : vector<16xi32>
      %gather3A_378 = tpu.vector_load_idx %arg9[%add3A_377] : memref<16384xf32, #tpu.memory_space<vmem>>[vector<16xi32>], vector<16xf32>,
      %max3A_379 = arith.maximumf %max3A_373, %gather3A_378 : vector<16xf32>
      scf.yield %max3A_379 : vector<16xf32>
    }
    %scan3A_142 = arith.constant 16 : i32
    %swap3A_143 = arith.constant 80 : index
    %swap3A_144 = tpu.vector_load %arg12[%swap3A_143] {strides = array<i32>} : memref<272xf32, #tpu.memory_space<vmem>>, vector<16xf32>,
    tpu.vector_store %arg12[%swap3A_143], %scan3A_141 {strides = array<i32>} : memref<272xf32, #tpu.memory_space<vmem>>, vector<16xf32>,
    %eq3A_145 = arith.constant 5 : i32
    %eq3A_146 = vector.broadcast %eq3A_145 : i32 to vector<16xi32>
    %eq3A_147 = arith.cmpi eq, %iota3A, %eq3A_146 : vector<16xi32>
    %reduce_max3A_148 = arith.constant true
    %reduce_max3A_149 = vector.broadcast %reduce_max3A_148 : i1 to vector<16xi1>
    %reduce_max3A_150 = tpu.scan <max>, %scan3A_141 masked %reduce_max3A_149 : vector<16xf32>, vector<16xi1> -> vector<16xf32>
    %reduce_max3A_151 = vector.extract %reduce_max3A_150[15] : f32 from vector<16xf32>
    %broadcast_in_dim3A_152 = vector.broadcast %reduce_max3A_151 : f32 to vector<16xf32>
    %select_n3A_153 = arith.select %eq3A_147, %broadcast_in_dim3A_152, %select_n3A_134 : vector<16xi1>, vector<16xf32>
    %broadcast_in_dim3A_154 = arith.constant -3.000000e+38 : f32
    %broadcast_in_dim3A_155 = vector.broadcast %broadcast_in_dim3A_154 : f32 to vector<16xf32>
    %scan3A_156 = arith.constant 0 : i32
    %scan3A_157 = arith.constant 16 : i32
    %scan3A_158 = arith.addi %scan3A_156, %scan3A_157 : i32
    %scan3A_159 = arith.constant 1 : i32
    %scan3A_160 = scf.for %scan3A_352 = %scan3A_156 to %scan3A_158 step %scan3A_159 iter_args(%scan3A_353 = %broadcast_in_dim3A_155) -> (vector<16xf32>)  : i32 {
      %mul3A_354 = arith.constant 64 : i32
      %mul3A_355 = arith.muli %scan3A_352, %mul3A_354 : i32
      %add3A_356 = arith.constant 6144 : i32
      %add3A_357 = arith.addi %add3A_356, %mul3A_355 : i32
      %add3A_358 = arith.constant 0 : i32
      %add3A_359 = arith.addi %add3A_357, %add3A_358 : i32
      %add3A_360 = vector.broadcast %add3A_359 : i32 to vector<16xi32>
      %add3A_361 = arith.addi %add3A_360, %iota3A : vector<16xi32>
      %gather3A = tpu.vector_load_idx %arg9[%add3A_361] : memref<16384xf32, #tpu.memory_space<vmem>>[vector<16xi32>], vector<16xf32>,
      %max3A = arith.maximumf %scan3A_353, %gather3A : vector<16xf32>
      %add3A_362 = arith.constant 16 : i32
      %add3A_363 = arith.addi %add3A_357, %add3A_362 : i32
      %add3A_364 = vector.broadcast %add3A_363 : i32 to vector<16xi32>
      %add3A_365 = arith.addi %add3A_364, %iota3A : vector<16xi32>
      %gather3A_366 = tpu.vector_load_idx %arg9[%add3A_365] : memref<16384xf32, #tpu.memory_space<vmem>>[vector<16xi32>], vector<16xf32>,
      %max3A_367 = arith.maximumf %max3A, %gather3A_366 : vector<16xf32>
      %add3A_368 = arith.constant 32 : i32
      %add3A_369 = arith.addi %add3A_357, %add3A_368 : i32
      %add3A_370 = vector.broadcast %add3A_369 : i32 to vector<16xi32>
      %add3A_371 = arith.addi %add3A_370, %iota3A : vector<16xi32>
      %gather3A_372 = tpu.vector_load_idx %arg9[%add3A_371] : memref<16384xf32, #tpu.memory_space<vmem>>[vector<16xi32>], vector<16xf32>,
      %max3A_373 = arith.maximumf %max3A_367, %gather3A_372 : vector<16xf32>
      %add3A_374 = arith.constant 48 : i32
      %add3A_375 = arith.addi %add3A_357, %add3A_374 : i32
      %add3A_376 = vector.broadcast %add3A_375 : i32 to vector<16xi32>
      %add3A_377 = arith.addi %add3A_376, %iota3A : vector<16xi32>
      %gather3A_378 = tpu.vector_load_idx %arg9[%add3A_377] : memref<16384xf32, #tpu.memory_space<vmem>>[vector<16xi32>], vector<16xf32>,
      %max3A_379 = arith.maximumf %max3A_373, %gather3A_378 : vector<16xf32>
      scf.yield %max3A_379 : vector<16xf32>
    }
    %scan3A_161 = arith.constant 16 : i32
    %swap3A_162 = arith.constant 96 : index
    %swap3A_163 = tpu.vector_load %arg12[%swap3A_162] {strides = array<i32>} : memref<272xf32, #tpu.memory_space<vmem>>, vector<16xf32>,
    tpu.vector_store %arg12[%swap3A_162], %scan3A_160 {strides = array<i32>} : memref<272xf32, #tpu.memory_space<vmem>>, vector<16xf32>,
    %eq3A_164 = arith.constant 6 : i32
    %eq3A_165 = vector.broadcast %eq3A_164 : i32 to vector<16xi32>
    %eq3A_166 = arith.cmpi eq, %iota3A, %eq3A_165 : vector<16xi32>
    %reduce_max3A_167 = arith.constant true
    %reduce_max3A_168 = vector.broadcast %reduce_max3A_167 : i1 to vector<16xi1>
    %reduce_max3A_169 = tpu.scan <max>, %scan3A_160 masked %reduce_max3A_168 : vector<16xf32>, vector<16xi1> -> vector<16xf32>
    %reduce_max3A_170 = vector.extract %reduce_max3A_169[15] : f32 from vector<16xf32>
    %broadcast_in_dim3A_171 = vector.broadcast %reduce_max3A_170 : f32 to vector<16xf32>
    %select_n3A_172 = arith.select %eq3A_166, %broadcast_in_dim3A_171, %select_n3A_153 : vector<16xi1>, vector<16xf32>
    %broadcast_in_dim3A_173 = arith.constant -3.000000e+38 : f32
    %broadcast_in_dim3A_174 = vector.broadcast %broadcast_in_dim3A_173 : f32 to vector<16xf32>
    %scan3A_175 = arith.constant 0 : i32
    %scan3A_176 = arith.constant 16 : i32
    %scan3A_177 = arith.addi %scan3A_175, %scan3A_176 : i32
    %scan3A_178 = arith.constant 1 : i32
    %scan3A_179 = scf.for %scan3A_352 = %scan3A_175 to %scan3A_177 step %scan3A_178 iter_args(%scan3A_353 = %broadcast_in_dim3A_174) -> (vector<16xf32>)  : i32 {
      %mul3A_354 = arith.constant 64 : i32
      %mul3A_355 = arith.muli %scan3A_352, %mul3A_354 : i32
      %add3A_356 = arith.constant 7168 : i32
      %add3A_357 = arith.addi %add3A_356, %mul3A_355 : i32
      %add3A_358 = arith.constant 0 : i32
      %add3A_359 = arith.addi %add3A_357, %add3A_358 : i32
      %add3A_360 = vector.broadcast %add3A_359 : i32 to vector<16xi32>
      %add3A_361 = arith.addi %add3A_360, %iota3A : vector<16xi32>
      %gather3A = tpu.vector_load_idx %arg9[%add3A_361] : memref<16384xf32, #tpu.memory_space<vmem>>[vector<16xi32>], vector<16xf32>,
      %max3A = arith.maximumf %scan3A_353, %gather3A : vector<16xf32>
      %add3A_362 = arith.constant 16 : i32
      %add3A_363 = arith.addi %add3A_357, %add3A_362 : i32
      %add3A_364 = vector.broadcast %add3A_363 : i32 to vector<16xi32>
      %add3A_365 = arith.addi %add3A_364, %iota3A : vector<16xi32>
      %gather3A_366 = tpu.vector_load_idx %arg9[%add3A_365] : memref<16384xf32, #tpu.memory_space<vmem>>[vector<16xi32>], vector<16xf32>,
      %max3A_367 = arith.maximumf %max3A, %gather3A_366 : vector<16xf32>
      %add3A_368 = arith.constant 32 : i32
      %add3A_369 = arith.addi %add3A_357, %add3A_368 : i32
      %add3A_370 = vector.broadcast %add3A_369 : i32 to vector<16xi32>
      %add3A_371 = arith.addi %add3A_370, %iota3A : vector<16xi32>
      %gather3A_372 = tpu.vector_load_idx %arg9[%add3A_371] : memref<16384xf32, #tpu.memory_space<vmem>>[vector<16xi32>], vector<16xf32>,
      %max3A_373 = arith.maximumf %max3A_367, %gather3A_372 : vector<16xf32>
      %add3A_374 = arith.constant 48 : i32
      %add3A_375 = arith.addi %add3A_357, %add3A_374 : i32
      %add3A_376 = vector.broadcast %add3A_375 : i32 to vector<16xi32>
      %add3A_377 = arith.addi %add3A_376, %iota3A : vector<16xi32>
      %gather3A_378 = tpu.vector_load_idx %arg9[%add3A_377] : memref<16384xf32, #tpu.memory_space<vmem>>[vector<16xi32>], vector<16xf32>,
      %max3A_379 = arith.maximumf %max3A_373, %gather3A_378 : vector<16xf32>
      scf.yield %max3A_379 : vector<16xf32>
    }
    %scan3A_180 = arith.constant 16 : i32
    %swap3A_181 = arith.constant 112 : index
    %swap3A_182 = tpu.vector_load %arg12[%swap3A_181] {strides = array<i32>} : memref<272xf32, #tpu.memory_space<vmem>>, vector<16xf32>,
    tpu.vector_store %arg12[%swap3A_181], %scan3A_179 {strides = array<i32>} : memref<272xf32, #tpu.memory_space<vmem>>, vector<16xf32>,
    %eq3A_183 = arith.constant 7 : i32
    %eq3A_184 = vector.broadcast %eq3A_183 : i32 to vector<16xi32>
    %eq3A_185 = arith.cmpi eq, %iota3A, %eq3A_184 : vector<16xi32>
    %reduce_max3A_186 = arith.constant true
    %reduce_max3A_187 = vector.broadcast %reduce_max3A_186 : i1 to vector<16xi1>
    %reduce_max3A_188 = tpu.scan <max>, %scan3A_179 masked %reduce_max3A_187 : vector<16xf32>, vector<16xi1> -> vector<16xf32>
    %reduce_max3A_189 = vector.extract %reduce_max3A_188[15] : f32 from vector<16xf32>
    %broadcast_in_dim3A_190 = vector.broadcast %reduce_max3A_189 : f32 to vector<16xf32>
    %select_n3A_191 = arith.select %eq3A_185, %broadcast_in_dim3A_190, %select_n3A_172 : vector<16xi1>, vector<16xf32>
    %broadcast_in_dim3A_192 = arith.constant -3.000000e+38 : f32
    %broadcast_in_dim3A_193 = vector.broadcast %broadcast_in_dim3A_192 : f32 to vector<16xf32>
    %scan3A_194 = arith.constant 0 : i32
    %scan3A_195 = arith.constant 16 : i32
    %scan3A_196 = arith.addi %scan3A_194, %scan3A_195 : i32
    %scan3A_197 = arith.constant 1 : i32
    %scan3A_198 = scf.for %scan3A_352 = %scan3A_194 to %scan3A_196 step %scan3A_197 iter_args(%scan3A_353 = %broadcast_in_dim3A_193) -> (vector<16xf32>)  : i32 {
      %mul3A_354 = arith.constant 64 : i32
      %mul3A_355 = arith.muli %scan3A_352, %mul3A_354 : i32
      %add3A_356 = arith.constant 8192 : i32
      %add3A_357 = arith.addi %add3A_356, %mul3A_355 : i32
      %add3A_358 = arith.constant 0 : i32
      %add3A_359 = arith.addi %add3A_357, %add3A_358 : i32
      %add3A_360 = vector.broadcast %add3A_359 : i32 to vector<16xi32>
      %add3A_361 = arith.addi %add3A_360, %iota3A : vector<16xi32>
      %gather3A = tpu.vector_load_idx %arg9[%add3A_361] : memref<16384xf32, #tpu.memory_space<vmem>>[vector<16xi32>], vector<16xf32>,
      %max3A = arith.maximumf %scan3A_353, %gather3A : vector<16xf32>
      %add3A_362 = arith.constant 16 : i32
      %add3A_363 = arith.addi %add3A_357, %add3A_362 : i32
      %add3A_364 = vector.broadcast %add3A_363 : i32 to vector<16xi32>
      %add3A_365 = arith.addi %add3A_364, %iota3A : vector<16xi32>
      %gather3A_366 = tpu.vector_load_idx %arg9[%add3A_365] : memref<16384xf32, #tpu.memory_space<vmem>>[vector<16xi32>], vector<16xf32>,
      %max3A_367 = arith.maximumf %max3A, %gather3A_366 : vector<16xf32>
      %add3A_368 = arith.constant 32 : i32
      %add3A_369 = arith.addi %add3A_357, %add3A_368 : i32
      %add3A_370 = vector.broadcast %add3A_369 : i32 to vector<16xi32>
      %add3A_371 = arith.addi %add3A_370, %iota3A : vector<16xi32>
      %gather3A_372 = tpu.vector_load_idx %arg9[%add3A_371] : memref<16384xf32, #tpu.memory_space<vmem>>[vector<16xi32>], vector<16xf32>,
      %max3A_373 = arith.maximumf %max3A_367, %gather3A_372 : vector<16xf32>
      %add3A_374 = arith.constant 48 : i32
      %add3A_375 = arith.addi %add3A_357, %add3A_374 : i32
      %add3A_376 = vector.broadcast %add3A_375 : i32 to vector<16xi32>
      %add3A_377 = arith.addi %add3A_376, %iota3A : vector<16xi32>
      %gather3A_378 = tpu.vector_load_idx %arg9[%add3A_377] : memref<16384xf32, #tpu.memory_space<vmem>>[vector<16xi32>], vector<16xf32>,
      %max3A_379 = arith.maximumf %max3A_373, %gather3A_378 : vector<16xf32>
      scf.yield %max3A_379 : vector<16xf32>
    }
    %scan3A_199 = arith.constant 16 : i32
    %swap3A_200 = arith.constant 128 : index
    %swap3A_201 = tpu.vector_load %arg12[%swap3A_200] {strides = array<i32>} : memref<272xf32, #tpu.memory_space<vmem>>, vector<16xf32>,
    tpu.vector_store %arg12[%swap3A_200], %scan3A_198 {strides = array<i32>} : memref<272xf32, #tpu.memory_space<vmem>>, vector<16xf32>,
    %eq3A_202 = arith.constant 8 : i32
    %eq3A_203 = vector.broadcast %eq3A_202 : i32 to vector<16xi32>
    %eq3A_204 = arith.cmpi eq, %iota3A, %eq3A_203 : vector<16xi32>
    %reduce_max3A_205 = arith.constant true
    %reduce_max3A_206 = vector.broadcast %reduce_max3A_205 : i1 to vector<16xi1>
    %reduce_max3A_207 = tpu.scan <max>, %scan3A_198 masked %reduce_max3A_206 : vector<16xf32>, vector<16xi1> -> vector<16xf32>
    %reduce_max3A_208 = vector.extract %reduce_max3A_207[15] : f32 from vector<16xf32>
    %broadcast_in_dim3A_209 = vector.broadcast %reduce_max3A_208 : f32 to vector<16xf32>
    %select_n3A_210 = arith.select %eq3A_204, %broadcast_in_dim3A_209, %select_n3A_191 : vector<16xi1>, vector<16xf32>
    %broadcast_in_dim3A_211 = arith.constant -3.000000e+38 : f32
    %broadcast_in_dim3A_212 = vector.broadcast %broadcast_in_dim3A_211 : f32 to vector<16xf32>
    %scan3A_213 = arith.constant 0 : i32
    %scan3A_214 = arith.constant 16 : i32
    %scan3A_215 = arith.addi %scan3A_213, %scan3A_214 : i32
    %scan3A_216 = arith.constant 1 : i32
    %scan3A_217 = scf.for %scan3A_352 = %scan3A_213 to %scan3A_215 step %scan3A_216 iter_args(%scan3A_353 = %broadcast_in_dim3A_212) -> (vector<16xf32>)  : i32 {
      %mul3A_354 = arith.constant 64 : i32
      %mul3A_355 = arith.muli %scan3A_352, %mul3A_354 : i32
      %add3A_356 = arith.constant 9216 : i32
      %add3A_357 = arith.addi %add3A_356, %mul3A_355 : i32
      %add3A_358 = arith.constant 0 : i32
      %add3A_359 = arith.addi %add3A_357, %add3A_358 : i32
      %add3A_360 = vector.broadcast %add3A_359 : i32 to vector<16xi32>
      %add3A_361 = arith.addi %add3A_360, %iota3A : vector<16xi32>
      %gather3A = tpu.vector_load_idx %arg9[%add3A_361] : memref<16384xf32, #tpu.memory_space<vmem>>[vector<16xi32>], vector<16xf32>,
      %max3A = arith.maximumf %scan3A_353, %gather3A : vector<16xf32>
      %add3A_362 = arith.constant 16 : i32
      %add3A_363 = arith.addi %add3A_357, %add3A_362 : i32
      %add3A_364 = vector.broadcast %add3A_363 : i32 to vector<16xi32>
      %add3A_365 = arith.addi %add3A_364, %iota3A : vector<16xi32>
      %gather3A_366 = tpu.vector_load_idx %arg9[%add3A_365] : memref<16384xf32, #tpu.memory_space<vmem>>[vector<16xi32>], vector<16xf32>,
      %max3A_367 = arith.maximumf %max3A, %gather3A_366 : vector<16xf32>
      %add3A_368 = arith.constant 32 : i32
      %add3A_369 = arith.addi %add3A_357, %add3A_368 : i32
      %add3A_370 = vector.broadcast %add3A_369 : i32 to vector<16xi32>
      %add3A_371 = arith.addi %add3A_370, %iota3A : vector<16xi32>
      %gather3A_372 = tpu.vector_load_idx %arg9[%add3A_371] : memref<16384xf32, #tpu.memory_space<vmem>>[vector<16xi32>], vector<16xf32>,
      %max3A_373 = arith.maximumf %max3A_367, %gather3A_372 : vector<16xf32>
      %add3A_374 = arith.constant 48 : i32
      %add3A_375 = arith.addi %add3A_357, %add3A_374 : i32
      %add3A_376 = vector.broadcast %add3A_375 : i32 to vector<16xi32>
      %add3A_377 = arith.addi %add3A_376, %iota3A : vector<16xi32>
      %gather3A_378 = tpu.vector_load_idx %arg9[%add3A_377] : memref<16384xf32, #tpu.memory_space<vmem>>[vector<16xi32>], vector<16xf32>,
      %max3A_379 = arith.maximumf %max3A_373, %gather3A_378 : vector<16xf32>
      scf.yield %max3A_379 : vector<16xf32>
    }
    %scan3A_218 = arith.constant 16 : i32
    %swap3A_219 = arith.constant 144 : index
    %swap3A_220 = tpu.vector_load %arg12[%swap3A_219] {strides = array<i32>} : memref<272xf32, #tpu.memory_space<vmem>>, vector<16xf32>,
    tpu.vector_store %arg12[%swap3A_219], %scan3A_217 {strides = array<i32>} : memref<272xf32, #tpu.memory_space<vmem>>, vector<16xf32>,
    %eq3A_221 = arith.constant 9 : i32
    %eq3A_222 = vector.broadcast %eq3A_221 : i32 to vector<16xi32>
    %eq3A_223 = arith.cmpi eq, %iota3A, %eq3A_222 : vector<16xi32>
    %reduce_max3A_224 = arith.constant true
    %reduce_max3A_225 = vector.broadcast %reduce_max3A_224 : i1 to vector<16xi1>
    %reduce_max3A_226 = tpu.scan <max>, %scan3A_217 masked %reduce_max3A_225 : vector<16xf32>, vector<16xi1> -> vector<16xf32>
    %reduce_max3A_227 = vector.extract %reduce_max3A_226[15] : f32 from vector<16xf32>
    %broadcast_in_dim3A_228 = vector.broadcast %reduce_max3A_227 : f32 to vector<16xf32>
    %select_n3A_229 = arith.select %eq3A_223, %broadcast_in_dim3A_228, %select_n3A_210 : vector<16xi1>, vector<16xf32>
    %broadcast_in_dim3A_230 = arith.constant -3.000000e+38 : f32
    %broadcast_in_dim3A_231 = vector.broadcast %broadcast_in_dim3A_230 : f32 to vector<16xf32>
    %scan3A_232 = arith.constant 0 : i32
    %scan3A_233 = arith.constant 16 : i32
    %scan3A_234 = arith.addi %scan3A_232, %scan3A_233 : i32
    %scan3A_235 = arith.constant 1 : i32
    %scan3A_236 = scf.for %scan3A_352 = %scan3A_232 to %scan3A_234 step %scan3A_235 iter_args(%scan3A_353 = %broadcast_in_dim3A_231) -> (vector<16xf32>)  : i32 {
      %mul3A_354 = arith.constant 64 : i32
      %mul3A_355 = arith.muli %scan3A_352, %mul3A_354 : i32
      %add3A_356 = arith.constant 10240 : i32
      %add3A_357 = arith.addi %add3A_356, %mul3A_355 : i32
      %add3A_358 = arith.constant 0 : i32
      %add3A_359 = arith.addi %add3A_357, %add3A_358 : i32
      %add3A_360 = vector.broadcast %add3A_359 : i32 to vector<16xi32>
      %add3A_361 = arith.addi %add3A_360, %iota3A : vector<16xi32>
      %gather3A = tpu.vector_load_idx %arg9[%add3A_361] : memref<16384xf32, #tpu.memory_space<vmem>>[vector<16xi32>], vector<16xf32>,
      %max3A = arith.maximumf %scan3A_353, %gather3A : vector<16xf32>
      %add3A_362 = arith.constant 16 : i32
      %add3A_363 = arith.addi %add3A_357, %add3A_362 : i32
      %add3A_364 = vector.broadcast %add3A_363 : i32 to vector<16xi32>
      %add3A_365 = arith.addi %add3A_364, %iota3A : vector<16xi32>
      %gather3A_366 = tpu.vector_load_idx %arg9[%add3A_365] : memref<16384xf32, #tpu.memory_space<vmem>>[vector<16xi32>], vector<16xf32>,
      %max3A_367 = arith.maximumf %max3A, %gather3A_366 : vector<16xf32>
      %add3A_368 = arith.constant 32 : i32
      %add3A_369 = arith.addi %add3A_357, %add3A_368 : i32
      %add3A_370 = vector.broadcast %add3A_369 : i32 to vector<16xi32>
      %add3A_371 = arith.addi %add3A_370, %iota3A : vector<16xi32>
      %gather3A_372 = tpu.vector_load_idx %arg9[%add3A_371] : memref<16384xf32, #tpu.memory_space<vmem>>[vector<16xi32>], vector<16xf32>,
      %max3A_373 = arith.maximumf %max3A_367, %gather3A_372 : vector<16xf32>
      %add3A_374 = arith.constant 48 : i32
      %add3A_375 = arith.addi %add3A_357, %add3A_374 : i32
      %add3A_376 = vector.broadcast %add3A_375 : i32 to vector<16xi32>
      %add3A_377 = arith.addi %add3A_376, %iota3A : vector<16xi32>
      %gather3A_378 = tpu.vector_load_idx %arg9[%add3A_377] : memref<16384xf32, #tpu.memory_space<vmem>>[vector<16xi32>], vector<16xf32>,
      %max3A_379 = arith.maximumf %max3A_373, %gather3A_378 : vector<16xf32>
      scf.yield %max3A_379 : vector<16xf32>
    }
    %scan3A_237 = arith.constant 16 : i32
    %swap3A_238 = arith.constant 160 : index
    %swap3A_239 = tpu.vector_load %arg12[%swap3A_238] {strides = array<i32>} : memref<272xf32, #tpu.memory_space<vmem>>, vector<16xf32>,
    tpu.vector_store %arg12[%swap3A_238], %scan3A_236 {strides = array<i32>} : memref<272xf32, #tpu.memory_space<vmem>>, vector<16xf32>,
    %eq3A_240 = arith.constant 10 : i32
    %eq3A_241 = vector.broadcast %eq3A_240 : i32 to vector<16xi32>
    %eq3A_242 = arith.cmpi eq, %iota3A, %eq3A_241 : vector<16xi32>
    %reduce_max3A_243 = arith.constant true
    %reduce_max3A_244 = vector.broadcast %reduce_max3A_243 : i1 to vector<16xi1>
    %reduce_max3A_245 = tpu.scan <max>, %scan3A_236 masked %reduce_max3A_244 : vector<16xf32>, vector<16xi1> -> vector<16xf32>
    %reduce_max3A_246 = vector.extract %reduce_max3A_245[15] : f32 from vector<16xf32>
    %broadcast_in_dim3A_247 = vector.broadcast %reduce_max3A_246 : f32 to vector<16xf32>
    %select_n3A_248 = arith.select %eq3A_242, %broadcast_in_dim3A_247, %select_n3A_229 : vector<16xi1>, vector<16xf32>
    %broadcast_in_dim3A_249 = arith.constant -3.000000e+38 : f32
    %broadcast_in_dim3A_250 = vector.broadcast %broadcast_in_dim3A_249 : f32 to vector<16xf32>
    %scan3A_251 = arith.constant 0 : i32
    %scan3A_252 = arith.constant 16 : i32
    %scan3A_253 = arith.addi %scan3A_251, %scan3A_252 : i32
    %scan3A_254 = arith.constant 1 : i32
    %scan3A_255 = scf.for %scan3A_352 = %scan3A_251 to %scan3A_253 step %scan3A_254 iter_args(%scan3A_353 = %broadcast_in_dim3A_250) -> (vector<16xf32>)  : i32 {
      %mul3A_354 = arith.constant 64 : i32
      %mul3A_355 = arith.muli %scan3A_352, %mul3A_354 : i32
      %add3A_356 = arith.constant 11264 : i32
      %add3A_357 = arith.addi %add3A_356, %mul3A_355 : i32
      %add3A_358 = arith.constant 0 : i32
      %add3A_359 = arith.addi %add3A_357, %add3A_358 : i32
      %add3A_360 = vector.broadcast %add3A_359 : i32 to vector<16xi32>
      %add3A_361 = arith.addi %add3A_360, %iota3A : vector<16xi32>
      %gather3A = tpu.vector_load_idx %arg9[%add3A_361] : memref<16384xf32, #tpu.memory_space<vmem>>[vector<16xi32>], vector<16xf32>,
      %max3A = arith.maximumf %scan3A_353, %gather3A : vector<16xf32>
      %add3A_362 = arith.constant 16 : i32
      %add3A_363 = arith.addi %add3A_357, %add3A_362 : i32
      %add3A_364 = vector.broadcast %add3A_363 : i32 to vector<16xi32>
      %add3A_365 = arith.addi %add3A_364, %iota3A : vector<16xi32>
      %gather3A_366 = tpu.vector_load_idx %arg9[%add3A_365] : memref<16384xf32, #tpu.memory_space<vmem>>[vector<16xi32>], vector<16xf32>,
      %max3A_367 = arith.maximumf %max3A, %gather3A_366 : vector<16xf32>
      %add3A_368 = arith.constant 32 : i32
      %add3A_369 = arith.addi %add3A_357, %add3A_368 : i32
      %add3A_370 = vector.broadcast %add3A_369 : i32 to vector<16xi32>
      %add3A_371 = arith.addi %add3A_370, %iota3A : vector<16xi32>
      %gather3A_372 = tpu.vector_load_idx %arg9[%add3A_371] : memref<16384xf32, #tpu.memory_space<vmem>>[vector<16xi32>], vector<16xf32>,
      %max3A_373 = arith.maximumf %max3A_367, %gather3A_372 : vector<16xf32>
      %add3A_374 = arith.constant 48 : i32
      %add3A_375 = arith.addi %add3A_357, %add3A_374 : i32
      %add3A_376 = vector.broadcast %add3A_375 : i32 to vector<16xi32>
      %add3A_377 = arith.addi %add3A_376, %iota3A : vector<16xi32>
      %gather3A_378 = tpu.vector_load_idx %arg9[%add3A_377] : memref<16384xf32, #tpu.memory_space<vmem>>[vector<16xi32>], vector<16xf32>,
      %max3A_379 = arith.maximumf %max3A_373, %gather3A_378 : vector<16xf32>
      scf.yield %max3A_379 : vector<16xf32>
    }
    %scan3A_256 = arith.constant 16 : i32
    %swap3A_257 = arith.constant 176 : index
    %swap3A_258 = tpu.vector_load %arg12[%swap3A_257] {strides = array<i32>} : memref<272xf32, #tpu.memory_space<vmem>>, vector<16xf32>,
    tpu.vector_store %arg12[%swap3A_257], %scan3A_255 {strides = array<i32>} : memref<272xf32, #tpu.memory_space<vmem>>, vector<16xf32>,
    %eq3A_259 = arith.constant 11 : i32
    %eq3A_260 = vector.broadcast %eq3A_259 : i32 to vector<16xi32>
    %eq3A_261 = arith.cmpi eq, %iota3A, %eq3A_260 : vector<16xi32>
    %reduce_max3A_262 = arith.constant true
    %reduce_max3A_263 = vector.broadcast %reduce_max3A_262 : i1 to vector<16xi1>
    %reduce_max3A_264 = tpu.scan <max>, %scan3A_255 masked %reduce_max3A_263 : vector<16xf32>, vector<16xi1> -> vector<16xf32>
    %reduce_max3A_265 = vector.extract %reduce_max3A_264[15] : f32 from vector<16xf32>
    %broadcast_in_dim3A_266 = vector.broadcast %reduce_max3A_265 : f32 to vector<16xf32>
    %select_n3A_267 = arith.select %eq3A_261, %broadcast_in_dim3A_266, %select_n3A_248 : vector<16xi1>, vector<16xf32>
    %broadcast_in_dim3A_268 = arith.constant -3.000000e+38 : f32
    %broadcast_in_dim3A_269 = vector.broadcast %broadcast_in_dim3A_268 : f32 to vector<16xf32>
    %scan3A_270 = arith.constant 0 : i32
    %scan3A_271 = arith.constant 16 : i32
    %scan3A_272 = arith.addi %scan3A_270, %scan3A_271 : i32
    %scan3A_273 = arith.constant 1 : i32
    %scan3A_274 = scf.for %scan3A_352 = %scan3A_270 to %scan3A_272 step %scan3A_273 iter_args(%scan3A_353 = %broadcast_in_dim3A_269) -> (vector<16xf32>)  : i32 {
      %mul3A_354 = arith.constant 64 : i32
      %mul3A_355 = arith.muli %scan3A_352, %mul3A_354 : i32
      %add3A_356 = arith.constant 12288 : i32
      %add3A_357 = arith.addi %add3A_356, %mul3A_355 : i32
      %add3A_358 = arith.constant 0 : i32
      %add3A_359 = arith.addi %add3A_357, %add3A_358 : i32
      %add3A_360 = vector.broadcast %add3A_359 : i32 to vector<16xi32>
      %add3A_361 = arith.addi %add3A_360, %iota3A : vector<16xi32>
      %gather3A = tpu.vector_load_idx %arg9[%add3A_361] : memref<16384xf32, #tpu.memory_space<vmem>>[vector<16xi32>], vector<16xf32>,
      %max3A = arith.maximumf %scan3A_353, %gather3A : vector<16xf32>
      %add3A_362 = arith.constant 16 : i32
      %add3A_363 = arith.addi %add3A_357, %add3A_362 : i32
      %add3A_364 = vector.broadcast %add3A_363 : i32 to vector<16xi32>
      %add3A_365 = arith.addi %add3A_364, %iota3A : vector<16xi32>
      %gather3A_366 = tpu.vector_load_idx %arg9[%add3A_365] : memref<16384xf32, #tpu.memory_space<vmem>>[vector<16xi32>], vector<16xf32>,
      %max3A_367 = arith.maximumf %max3A, %gather3A_366 : vector<16xf32>
      %add3A_368 = arith.constant 32 : i32
      %add3A_369 = arith.addi %add3A_357, %add3A_368 : i32
      %add3A_370 = vector.broadcast %add3A_369 : i32 to vector<16xi32>
      %add3A_371 = arith.addi %add3A_370, %iota3A : vector<16xi32>
      %gather3A_372 = tpu.vector_load_idx %arg9[%add3A_371] : memref<16384xf32, #tpu.memory_space<vmem>>[vector<16xi32>], vector<16xf32>,
      %max3A_373 = arith.maximumf %max3A_367, %gather3A_372 : vector<16xf32>
      %add3A_374 = arith.constant 48 : i32
      %add3A_375 = arith.addi %add3A_357, %add3A_374 : i32
      %add3A_376 = vector.broadcast %add3A_375 : i32 to vector<16xi32>
      %add3A_377 = arith.addi %add3A_376, %iota3A : vector<16xi32>
      %gather3A_378 = tpu.vector_load_idx %arg9[%add3A_377] : memref<16384xf32, #tpu.memory_space<vmem>>[vector<16xi32>], vector<16xf32>,
      %max3A_379 = arith.maximumf %max3A_373, %gather3A_378 : vector<16xf32>
      scf.yield %max3A_379 : vector<16xf32>
    }
    %scan3A_275 = arith.constant 16 : i32
    %swap3A_276 = arith.constant 192 : index
    %swap3A_277 = tpu.vector_load %arg12[%swap3A_276] {strides = array<i32>} : memref<272xf32, #tpu.memory_space<vmem>>, vector<16xf32>,
    tpu.vector_store %arg12[%swap3A_276], %scan3A_274 {strides = array<i32>} : memref<272xf32, #tpu.memory_space<vmem>>, vector<16xf32>,
    %eq3A_278 = arith.constant 12 : i32
    %eq3A_279 = vector.broadcast %eq3A_278 : i32 to vector<16xi32>
    %eq3A_280 = arith.cmpi eq, %iota3A, %eq3A_279 : vector<16xi32>
    %reduce_max3A_281 = arith.constant true
    %reduce_max3A_282 = vector.broadcast %reduce_max3A_281 : i1 to vector<16xi1>
    %reduce_max3A_283 = tpu.scan <max>, %scan3A_274 masked %reduce_max3A_282 : vector<16xf32>, vector<16xi1> -> vector<16xf32>
    %reduce_max3A_284 = vector.extract %reduce_max3A_283[15] : f32 from vector<16xf32>
    %broadcast_in_dim3A_285 = vector.broadcast %reduce_max3A_284 : f32 to vector<16xf32>
    %select_n3A_286 = arith.select %eq3A_280, %broadcast_in_dim3A_285, %select_n3A_267 : vector<16xi1>, vector<16xf32>
    %broadcast_in_dim3A_287 = arith.constant -3.000000e+38 : f32
    %broadcast_in_dim3A_288 = vector.broadcast %broadcast_in_dim3A_287 : f32 to vector<16xf32>
    %scan3A_289 = arith.constant 0 : i32
    %scan3A_290 = arith.constant 16 : i32
    %scan3A_291 = arith.addi %scan3A_289, %scan3A_290 : i32
    %scan3A_292 = arith.constant 1 : i32
    %scan3A_293 = scf.for %scan3A_352 = %scan3A_289 to %scan3A_291 step %scan3A_292 iter_args(%scan3A_353 = %broadcast_in_dim3A_288) -> (vector<16xf32>)  : i32 {
      %mul3A_354 = arith.constant 64 : i32
      %mul3A_355 = arith.muli %scan3A_352, %mul3A_354 : i32
      %add3A_356 = arith.constant 13312 : i32
      %add3A_357 = arith.addi %add3A_356, %mul3A_355 : i32
      %add3A_358 = arith.constant 0 : i32
      %add3A_359 = arith.addi %add3A_357, %add3A_358 : i32
      %add3A_360 = vector.broadcast %add3A_359 : i32 to vector<16xi32>
      %add3A_361 = arith.addi %add3A_360, %iota3A : vector<16xi32>
      %gather3A = tpu.vector_load_idx %arg9[%add3A_361] : memref<16384xf32, #tpu.memory_space<vmem>>[vector<16xi32>], vector<16xf32>,
      %max3A = arith.maximumf %scan3A_353, %gather3A : vector<16xf32>
      %add3A_362 = arith.constant 16 : i32
      %add3A_363 = arith.addi %add3A_357, %add3A_362 : i32
      %add3A_364 = vector.broadcast %add3A_363 : i32 to vector<16xi32>
      %add3A_365 = arith.addi %add3A_364, %iota3A : vector<16xi32>
      %gather3A_366 = tpu.vector_load_idx %arg9[%add3A_365] : memref<16384xf32, #tpu.memory_space<vmem>>[vector<16xi32>], vector<16xf32>,
      %max3A_367 = arith.maximumf %max3A, %gather3A_366 : vector<16xf32>
      %add3A_368 = arith.constant 32 : i32
      %add3A_369 = arith.addi %add3A_357, %add3A_368 : i32
      %add3A_370 = vector.broadcast %add3A_369 : i32 to vector<16xi32>
      %add3A_371 = arith.addi %add3A_370, %iota3A : vector<16xi32>
      %gather3A_372 = tpu.vector_load_idx %arg9[%add3A_371] : memref<16384xf32, #tpu.memory_space<vmem>>[vector<16xi32>], vector<16xf32>,
      %max3A_373 = arith.maximumf %max3A_367, %gather3A_372 : vector<16xf32>
      %add3A_374 = arith.constant 48 : i32
      %add3A_375 = arith.addi %add3A_357, %add3A_374 : i32
      %add3A_376 = vector.broadcast %add3A_375 : i32 to vector<16xi32>
      %add3A_377 = arith.addi %add3A_376, %iota3A : vector<16xi32>
      %gather3A_378 = tpu.vector_load_idx %arg9[%add3A_377] : memref<16384xf32, #tpu.memory_space<vmem>>[vector<16xi32>], vector<16xf32>,
      %max3A_379 = arith.maximumf %max3A_373, %gather3A_378 : vector<16xf32>
      scf.yield %max3A_379 : vector<16xf32>
    }
    %scan3A_294 = arith.constant 16 : i32
    %swap3A_295 = arith.constant 208 : index
    %swap3A_296 = tpu.vector_load %arg12[%swap3A_295] {strides = array<i32>} : memref<272xf32, #tpu.memory_space<vmem>>, vector<16xf32>,
    tpu.vector_store %arg12[%swap3A_295], %scan3A_293 {strides = array<i32>} : memref<272xf32, #tpu.memory_space<vmem>>, vector<16xf32>,
    %eq3A_297 = arith.constant 13 : i32
    %eq3A_298 = vector.broadcast %eq3A_297 : i32 to vector<16xi32>
    %eq3A_299 = arith.cmpi eq, %iota3A, %eq3A_298 : vector<16xi32>
    %reduce_max3A_300 = arith.constant true
    %reduce_max3A_301 = vector.broadcast %reduce_max3A_300 : i1 to vector<16xi1>
    %reduce_max3A_302 = tpu.scan <max>, %scan3A_293 masked %reduce_max3A_301 : vector<16xf32>, vector<16xi1> -> vector<16xf32>
    %reduce_max3A_303 = vector.extract %reduce_max3A_302[15] : f32 from vector<16xf32>
    %broadcast_in_dim3A_304 = vector.broadcast %reduce_max3A_303 : f32 to vector<16xf32>
    %select_n3A_305 = arith.select %eq3A_299, %broadcast_in_dim3A_304, %select_n3A_286 : vector<16xi1>, vector<16xf32>
    %broadcast_in_dim3A_306 = arith.constant -3.000000e+38 : f32
    %broadcast_in_dim3A_307 = vector.broadcast %broadcast_in_dim3A_306 : f32 to vector<16xf32>
    %scan3A_308 = arith.constant 0 : i32
    %scan3A_309 = arith.constant 16 : i32
    %scan3A_310 = arith.addi %scan3A_308, %scan3A_309 : i32
    %scan3A_311 = arith.constant 1 : i32
    %scan3A_312 = scf.for %scan3A_352 = %scan3A_308 to %scan3A_310 step %scan3A_311 iter_args(%scan3A_353 = %broadcast_in_dim3A_307) -> (vector<16xf32>)  : i32 {
      %mul3A_354 = arith.constant 64 : i32
      %mul3A_355 = arith.muli %scan3A_352, %mul3A_354 : i32
      %add3A_356 = arith.constant 14336 : i32
      %add3A_357 = arith.addi %add3A_356, %mul3A_355 : i32
      %add3A_358 = arith.constant 0 : i32
      %add3A_359 = arith.addi %add3A_357, %add3A_358 : i32
      %add3A_360 = vector.broadcast %add3A_359 : i32 to vector<16xi32>
      %add3A_361 = arith.addi %add3A_360, %iota3A : vector<16xi32>
      %gather3A = tpu.vector_load_idx %arg9[%add3A_361] : memref<16384xf32, #tpu.memory_space<vmem>>[vector<16xi32>], vector<16xf32>,
      %max3A = arith.maximumf %scan3A_353, %gather3A : vector<16xf32>
      %add3A_362 = arith.constant 16 : i32
      %add3A_363 = arith.addi %add3A_357, %add3A_362 : i32
      %add3A_364 = vector.broadcast %add3A_363 : i32 to vector<16xi32>
      %add3A_365 = arith.addi %add3A_364, %iota3A : vector<16xi32>
      %gather3A_366 = tpu.vector_load_idx %arg9[%add3A_365] : memref<16384xf32, #tpu.memory_space<vmem>>[vector<16xi32>], vector<16xf32>,
      %max3A_367 = arith.maximumf %max3A, %gather3A_366 : vector<16xf32>
      %add3A_368 = arith.constant 32 : i32
      %add3A_369 = arith.addi %add3A_357, %add3A_368 : i32
      %add3A_370 = vector.broadcast %add3A_369 : i32 to vector<16xi32>
      %add3A_371 = arith.addi %add3A_370, %iota3A : vector<16xi32>
      %gather3A_372 = tpu.vector_load_idx %arg9[%add3A_371] : memref<16384xf32, #tpu.memory_space<vmem>>[vector<16xi32>], vector<16xf32>,
      %max3A_373 = arith.maximumf %max3A_367, %gather3A_372 : vector<16xf32>
      %add3A_374 = arith.constant 48 : i32
      %add3A_375 = arith.addi %add3A_357, %add3A_374 : i32
      %add3A_376 = vector.broadcast %add3A_375 : i32 to vector<16xi32>
      %add3A_377 = arith.addi %add3A_376, %iota3A : vector<16xi32>
      %gather3A_378 = tpu.vector_load_idx %arg9[%add3A_377] : memref<16384xf32, #tpu.memory_space<vmem>>[vector<16xi32>], vector<16xf32>,
      %max3A_379 = arith.maximumf %max3A_373, %gather3A_378 : vector<16xf32>
      scf.yield %max3A_379 : vector<16xf32>
    }
    %scan3A_313 = arith.constant 16 : i32
    %swap3A_314 = arith.constant 224 : index
    %swap3A_315 = tpu.vector_load %arg12[%swap3A_314] {strides = array<i32>} : memref<272xf32, #tpu.memory_space<vmem>>, vector<16xf32>,
    tpu.vector_store %arg12[%swap3A_314], %scan3A_312 {strides = array<i32>} : memref<272xf32, #tpu.memory_space<vmem>>, vector<16xf32>,
    %eq3A_316 = arith.constant 14 : i32
    %eq3A_317 = vector.broadcast %eq3A_316 : i32 to vector<16xi32>
    %eq3A_318 = arith.cmpi eq, %iota3A, %eq3A_317 : vector<16xi32>
    %reduce_max3A_319 = arith.constant true
    %reduce_max3A_320 = vector.broadcast %reduce_max3A_319 : i1 to vector<16xi1>
    %reduce_max3A_321 = tpu.scan <max>, %scan3A_312 masked %reduce_max3A_320 : vector<16xf32>, vector<16xi1> -> vector<16xf32>
    %reduce_max3A_322 = vector.extract %reduce_max3A_321[15] : f32 from vector<16xf32>
    %broadcast_in_dim3A_323 = vector.broadcast %reduce_max3A_322 : f32 to vector<16xf32>
    %select_n3A_324 = arith.select %eq3A_318, %broadcast_in_dim3A_323, %select_n3A_305 : vector<16xi1>, vector<16xf32>
    %broadcast_in_dim3A_325 = arith.constant -3.000000e+38 : f32
    %broadcast_in_dim3A_326 = vector.broadcast %broadcast_in_dim3A_325 : f32 to vector<16xf32>
    %scan3A_327 = arith.constant 0 : i32
    %scan3A_328 = arith.constant 16 : i32
    %scan3A_329 = arith.addi %scan3A_327, %scan3A_328 : i32
    %scan3A_330 = arith.constant 1 : i32
    %scan3A_331 = scf.for %scan3A_352 = %scan3A_327 to %scan3A_329 step %scan3A_330 iter_args(%scan3A_353 = %broadcast_in_dim3A_326) -> (vector<16xf32>)  : i32 {
      %mul3A_354 = arith.constant 64 : i32
      %mul3A_355 = arith.muli %scan3A_352, %mul3A_354 : i32
      %add3A_356 = arith.constant 15360 : i32
      %add3A_357 = arith.addi %add3A_356, %mul3A_355 : i32
      %add3A_358 = arith.constant 0 : i32
      %add3A_359 = arith.addi %add3A_357, %add3A_358 : i32
      %add3A_360 = vector.broadcast %add3A_359 : i32 to vector<16xi32>
      %add3A_361 = arith.addi %add3A_360, %iota3A : vector<16xi32>
      %gather3A = tpu.vector_load_idx %arg9[%add3A_361] : memref<16384xf32, #tpu.memory_space<vmem>>[vector<16xi32>], vector<16xf32>,
      %max3A = arith.maximumf %scan3A_353, %gather3A : vector<16xf32>
      %add3A_362 = arith.constant 16 : i32
      %add3A_363 = arith.addi %add3A_357, %add3A_362 : i32
      %add3A_364 = vector.broadcast %add3A_363 : i32 to vector<16xi32>
      %add3A_365 = arith.addi %add3A_364, %iota3A : vector<16xi32>
      %gather3A_366 = tpu.vector_load_idx %arg9[%add3A_365] : memref<16384xf32, #tpu.memory_space<vmem>>[vector<16xi32>], vector<16xf32>,
      %max3A_367 = arith.maximumf %max3A, %gather3A_366 : vector<16xf32>
      %add3A_368 = arith.constant 32 : i32
      %add3A_369 = arith.addi %add3A_357, %add3A_368 : i32
      %add3A_370 = vector.broadcast %add3A_369 : i32 to vector<16xi32>
      %add3A_371 = arith.addi %add3A_370, %iota3A : vector<16xi32>
      %gather3A_372 = tpu.vector_load_idx %arg9[%add3A_371] : memref<16384xf32, #tpu.memory_space<vmem>>[vector<16xi32>], vector<16xf32>,
      %max3A_373 = arith.maximumf %max3A_367, %gather3A_372 : vector<16xf32>
      %add3A_374 = arith.constant 48 : i32
      %add3A_375 = arith.addi %add3A_357, %add3A_374 : i32
      %add3A_376 = vector.broadcast %add3A_375 : i32 to vector<16xi32>
      %add3A_377 = arith.addi %add3A_376, %iota3A : vector<16xi32>
      %gather3A_378 = tpu.vector_load_idx %arg9[%add3A_377] : memref<16384xf32, #tpu.memory_space<vmem>>[vector<16xi32>], vector<16xf32>,
      %max3A_379 = arith.maximumf %max3A_373, %gather3A_378 : vector<16xf32>
      scf.yield %max3A_379 : vector<16xf32>
    }
    %scan3A_332 = arith.constant 16 : i32
    %swap3A_333 = arith.constant 240 : index
    %swap3A_334 = tpu.vector_load %arg12[%swap3A_333] {strides = array<i32>} : memref<272xf32, #tpu.memory_space<vmem>>, vector<16xf32>,
    tpu.vector_store %arg12[%swap3A_333], %scan3A_331 {strides = array<i32>} : memref<272xf32, #tpu.memory_space<vmem>>, vector<16xf32>,
    %eq3A_335 = arith.constant 15 : i32
    %eq3A_336 = vector.broadcast %eq3A_335 : i32 to vector<16xi32>
    %eq3A_337 = arith.cmpi eq, %iota3A, %eq3A_336 : vector<16xi32>
    %reduce_max3A_338 = arith.constant true
    %reduce_max3A_339 = vector.broadcast %reduce_max3A_338 : i1 to vector<16xi1>
    %reduce_max3A_340 = tpu.scan <max>, %scan3A_331 masked %reduce_max3A_339 : vector<16xf32>, vector<16xi1> -> vector<16xf32>
    %reduce_max3A_341 = vector.extract %reduce_max3A_340[15] : f32 from vector<16xf32>
    %broadcast_in_dim3A_342 = vector.broadcast %reduce_max3A_341 : f32 to vector<16xf32>
    %select_n3A_343 = arith.select %eq3A_337, %broadcast_in_dim3A_342, %select_n3A_324 : vector<16xi1>, vector<16xf32>
    %swap3A_344 = arith.constant 256 : index
    %swap3A_345 = tpu.vector_load %arg12[%swap3A_344] {strides = array<i32>} : memref<272xf32, #tpu.memory_space<vmem>>, vector<16xf32>,
    tpu.vector_store %arg12[%swap3A_344], %select_n3A_343 {strides = array<i32>} : memref<272xf32, #tpu.memory_space<vmem>>, vector<16xf32>,
    "tpu.region"() ({
      %run_scoped3A = tpu.sem_alloc : memref<!tpu.dma_semaphore, #tpu.memory_space<semaphore_mem>>
      %dma_start3A = arith.constant 0 : i32
      %dma_start3A_352 = tpu.memref_slice %arg13[%arg1, %dma_start3A] : memref<16x272xf32, #tpu.memory_space<vmem_shared>> -> memref<1x272xf32, #tpu.memory_space<vmem_shared>>
      %dma_start3A_353 = tpu.memref_squeeze %dma_start3A_352 : memref<1x272xf32, #tpu.memory_space<vmem_shared>> -> memref<272xf32, #tpu.memory_space<vmem_shared>>
      %dma_start3A_354 = arith.constant 0 : i32
      %dma_start3A_355 = tpu.memref_slice %arg13[%arg1, %dma_start3A_354] : memref<16x272xf32, #tpu.memory_space<vmem_shared>> -> memref<1x272xf32, #tpu.memory_space<vmem_shared>>
      %dma_start3A_356 = tpu.memref_squeeze %dma_start3A_355 : memref<1x272xf32, #tpu.memory_space<vmem_shared>> -> memref<272xf32, #tpu.memory_space<vmem_shared>>
      tpu.enqueue_dma source(%arg12 : memref<272xf32, #tpu.memory_space<vmem>>) target(%dma_start3A_356 : memref<272xf32, #tpu.memory_space<vmem_shared>>) target_semaphore(%run_scoped3A : memref<!tpu.dma_semaphore, #tpu.memory_space<semaphore_mem>>)
      %dma_wait3A = arith.constant 0 : i32
      %dma_wait3A_357 = tpu.memref_slice %arg13[%arg1, %dma_wait3A] : memref<16x272xf32, #tpu.memory_space<vmem_shared>> -> memref<1x272xf32, #tpu.memory_space<vmem_shared>>
      %dma_wait3A_358 = tpu.memref_squeeze %dma_wait3A_357 : memref<1x272xf32, #tpu.memory_space<vmem_shared>> -> memref<272xf32, #tpu.memory_space<vmem_shared>>
      %dma_wait3A_359 = arith.constant 0 : i32
      %dma_wait3A_360 = tpu.memref_slice %arg13[%arg1, %dma_wait3A_359] : memref<16x272xf32, #tpu.memory_space<vmem_shared>> -> memref<1x272xf32, #tpu.memory_space<vmem_shared>>
      %dma_wait3A_361 = tpu.memref_squeeze %dma_wait3A_360 : memref<1x272xf32, #tpu.memory_space<vmem_shared>> -> memref<272xf32, #tpu.memory_space<vmem_shared>>
      tpu.wait_dma2 semaphore(%run_scoped3A : memref<!tpu.dma_semaphore, #tpu.memory_space<semaphore_mem>>) src(%arg12 : memref<272xf32, #tpu.memory_space<vmem>>) dst(%dma_wait3A_361 : memref<272xf32, #tpu.memory_space<vmem_shared>>)
      tpu.yield
    }) : () -> ()
    %barrier3A = arith.constant 0 : index
    tpu.barrier barrier_id(%barrier3A)
    %eq3A_346 = arith.constant 0 : i32
    %eq3A_347 = arith.cmpi eq, %select_n3A_7, %eq3A_346 : i32
    %convert_element_type3A_348 = arith.extui %eq3A_347 : i1 to i32
    %cond3A_349 = arith.constant 1073741824 : i32
    %cond3A_350 = arith.constant 0 : i32
    %cond3A_351 = arith.cmpi ne, %convert_element_type3A_348, %cond3A_350 : i32
    scf.if %cond3A_351 {
      %mul3A_352 = arith.constant 4 : i32
      %mul3A_353 = arith.muli %select_n3A_28, %mul3A_352 : i32
      "tpu.region"() ({
        %run_scoped3A = tpu.sem_alloc : memref<!tpu.dma_semaphore, #tpu.memory_space<semaphore_mem>>
        %dma_start3A_1294 = arith.constant 0 : i32
        %dma_start3A_1295 = tpu.memref_slice %arg13[%mul3A_353, %dma_start3A_1294] : memref<16x272xf32, #tpu.memory_space<vmem_shared>> -> memref<4x272xf32, #tpu.memory_space<vmem_shared>>
        %dma_start3A_1296 = arith.constant 0 : i32
        %dma_start3A_1297 = tpu.memref_slice %arg13[%mul3A_353, %dma_start3A_1296] : memref<16x272xf32, #tpu.memory_space<vmem_shared>> -> memref<4x272xf32, #tpu.memory_space<vmem_shared>>
        tpu.enqueue_dma source(%dma_start3A_1297 : memref<4x272xf32, #tpu.memory_space<vmem_shared>>) target(%arg14 : memref<4x272xf32, #tpu.memory_space<vmem>>) target_semaphore(%run_scoped3A : memref<!tpu.dma_semaphore, #tpu.memory_space<semaphore_mem>>)
        %dma_wait3A_1298 = arith.constant 0 : i32
        %dma_wait3A_1299 = tpu.memref_slice %arg13[%mul3A_353, %dma_wait3A_1298] : memref<16x272xf32, #tpu.memory_space<vmem_shared>> -> memref<4x272xf32, #tpu.memory_space<vmem_shared>>
        %dma_wait3A_1300 = arith.constant 0 : i32
        %dma_wait3A_1301 = tpu.memref_slice %arg13[%mul3A_353, %dma_wait3A_1300] : memref<16x272xf32, #tpu.memory_space<vmem_shared>> -> memref<4x272xf32, #tpu.memory_space<vmem_shared>>
        tpu.wait_dma2 semaphore(%run_scoped3A : memref<!tpu.dma_semaphore, #tpu.memory_space<semaphore_mem>>) src(%dma_wait3A_1301 : memref<4x272xf32, #tpu.memory_space<vmem_shared>>) dst(%arg14 : memref<4x272xf32, #tpu.memory_space<vmem>>)
        tpu.yield
      }) : () -> ()
      %get3A = arith.constant 0 : i32
      %get3A_354 = arith.index_cast %get3A : i32 to index
      %get3A_355 = arith.constant 0 : index
      %get3A_356 = tpu.vector_load %arg14[%get3A_354, %get3A_355] {strides = array<i32>} : memref<4x272xf32, #tpu.memory_space<vmem>>, vector<16xf32>,
      %swap3A_357 = arith.constant 0 : index
      %swap3A_358 = tpu.vector_load %arg10[%swap3A_357] {strides = array<i32>} : memref<1024xf32, #tpu.memory_space<vmem>>, vector<16xf32>,
      tpu.vector_store %arg10[%swap3A_357], %get3A_356 {strides = array<i32>} : memref<1024xf32, #tpu.memory_space<vmem>>, vector<16xf32>,
      %get3A_359 = arith.constant 0 : i32
      %get3A_360 = arith.index_cast %get3A_359 : i32 to index
      %get3A_361 = arith.constant 16 : index
      %get3A_362 = tpu.vector_load %arg14[%get3A_360, %get3A_361] {strides = array<i32>} : memref<4x272xf32, #tpu.memory_space<vmem>>, vector<16xf32>,
      %swap3A_363 = arith.constant 16 : index
      %swap3A_364 = tpu.vector_load %arg10[%swap3A_363] {strides = array<i32>} : memref<1024xf32, #tpu.memory_space<vmem>>, vector<16xf32>,
      tpu.vector_store %arg10[%swap3A_363], %get3A_362 {strides = array<i32>} : memref<1024xf32, #tpu.memory_space<vmem>>, vector<16xf32>,
      %get3A_365 = arith.constant 0 : i32
      %get3A_366 = arith.index_cast %get3A_365 : i32 to index
      %get3A_367 = arith.constant 32 : index
      %get3A_368 = tpu.vector_load %arg14[%get3A_366, %get3A_367] {strides = array<i32>} : memref<4x272xf32, #tpu.memory_space<vmem>>, vector<16xf32>,
      %swap3A_369 = arith.constant 32 : index
      %swap3A_370 = tpu.vector_load %arg10[%swap3A_369] {strides = array<i32>} : memref<1024xf32, #tpu.memory_space<vmem>>, vector<16xf32>,
      tpu.vector_store %arg10[%swap3A_369], %get3A_368 {strides = array<i32>} : memref<1024xf32, #tpu.memory_space<vmem>>, vector<16xf32>,
      %get3A_371 = arith.constant 0 : i32
      %get3A_372 = arith.index_cast %get3A_371 : i32 to index
      %get3A_373 = arith.constant 48 : index
      %get3A_374 = tpu.vector_load %arg14[%get3A_372, %get3A_373] {strides = array<i32>} : memref<4x272xf32, #tpu.memory_space<vmem>>, vector<16xf32>,
      %swap3A_375 = arith.constant 48 : index
      %swap3A_376 = tpu.vector_load %arg10[%swap3A_375] {strides = array<i32>} : memref<1024xf32, #tpu.memory_space<vmem>>, vector<16xf32>,
      tpu.vector_store %arg10[%swap3A_375], %get3A_374 {strides = array<i32>} : memref<1024xf32, #tpu.memory_space<vmem>>, vector<16xf32>,
      %get3A_377 = arith.constant 0 : i32
      %get3A_378 = arith.index_cast %get3A_377 : i32 to index
      %get3A_379 = arith.constant 64 : index
      %get3A_380 = tpu.vector_load %arg14[%get3A_378, %get3A_379] {strides = array<i32>} : memref<4x272xf32, #tpu.memory_space<vmem>>, vector<16xf32>,
      %swap3A_381 = arith.constant 64 : index
      %swap3A_382 = tpu.vector_load %arg10[%swap3A_381] {strides = array<i32>} : memref<1024xf32, #tpu.memory_space<vmem>>, vector<16xf32>,
      tpu.vector_store %arg10[%swap3A_381], %get3A_380 {strides = array<i32>} : memref<1024xf32, #tpu.memory_space<vmem>>, vector<16xf32>,
      %get3A_383 = arith.constant 0 : i32
      %get3A_384 = arith.index_cast %get3A_383 : i32 to index
      %get3A_385 = arith.constant 80 : index
      %get3A_386 = tpu.vector_load %arg14[%get3A_384, %get3A_385] {strides = array<i32>} : memref<4x272xf32, #tpu.memory_space<vmem>>, vector<16xf32>,
      %swap3A_387 = arith.constant 80 : index
      %swap3A_388 = tpu.vector_load %arg10[%swap3A_387] {strides = array<i32>} : memref<1024xf32, #tpu.memory_space<vmem>>, vector<16xf32>,
      tpu.vector_store %arg10[%swap3A_387], %get3A_386 {strides = array<i32>} : memref<1024xf32, #tpu.memory_space<vmem>>, vector<16xf32>,
      %get3A_389 = arith.constant 0 : i32
      %get3A_390 = arith.index_cast %get3A_389 : i32 to index
      %get3A_391 = arith.constant 96 : index
      %get3A_392 = tpu.vector_load %arg14[%get3A_390, %get3A_391] {strides = array<i32>} : memref<4x272xf32, #tpu.memory_space<vmem>>, vector<16xf32>,
      %swap3A_393 = arith.constant 96 : index
      %swap3A_394 = tpu.vector_load %arg10[%swap3A_393] {strides = array<i32>} : memref<1024xf32, #tpu.memory_space<vmem>>, vector<16xf32>,
      tpu.vector_store %arg10[%swap3A_393], %get3A_392 {strides = array<i32>} : memref<1024xf32, #tpu.memory_space<vmem>>, vector<16xf32>,
      %get3A_395 = arith.constant 0 : i32
      %get3A_396 = arith.index_cast %get3A_395 : i32 to index
      %get3A_397 = arith.constant 112 : index
      %get3A_398 = tpu.vector_load %arg14[%get3A_396, %get3A_397] {strides = array<i32>} : memref<4x272xf32, #tpu.memory_space<vmem>>, vector<16xf32>,
      %swap3A_399 = arith.constant 112 : index
      %swap3A_400 = tpu.vector_load %arg10[%swap3A_399] {strides = array<i32>} : memref<1024xf32, #tpu.memory_space<vmem>>, vector<16xf32>,
      tpu.vector_store %arg10[%swap3A_399], %get3A_398 {strides = array<i32>} : memref<1024xf32, #tpu.memory_space<vmem>>, vector<16xf32>,
      %get3A_401 = arith.constant 0 : i32
      %get3A_402 = arith.index_cast %get3A_401 : i32 to index
      %get3A_403 = arith.constant 128 : index
      %get3A_404 = tpu.vector_load %arg14[%get3A_402, %get3A_403] {strides = array<i32>} : memref<4x272xf32, #tpu.memory_space<vmem>>, vector<16xf32>,
      %swap3A_405 = arith.constant 128 : index
      %swap3A_406 = tpu.vector_load %arg10[%swap3A_405] {strides = array<i32>} : memref<1024xf32, #tpu.memory_space<vmem>>, vector<16xf32>,
      tpu.vector_store %arg10[%swap3A_405], %get3A_404 {strides = array<i32>} : memref<1024xf32, #tpu.memory_space<vmem>>, vector<16xf32>,
      %get3A_407 = arith.constant 0 : i32
      %get3A_408 = arith.index_cast %get3A_407 : i32 to index
      %get3A_409 = arith.constant 144 : index
      %get3A_410 = tpu.vector_load %arg14[%get3A_408, %get3A_409] {strides = array<i32>} : memref<4x272xf32, #tpu.memory_space<vmem>>, vector<16xf32>,
      %swap3A_411 = arith.constant 144 : index
      %swap3A_412 = tpu.vector_load %arg10[%swap3A_411] {strides = array<i32>} : memref<1024xf32, #tpu.memory_space<vmem>>, vector<16xf32>,
      tpu.vector_store %arg10[%swap3A_411], %get3A_410 {strides = array<i32>} : memref<1024xf32, #tpu.memory_space<vmem>>, vector<16xf32>,
      %get3A_413 = arith.constant 0 : i32
      %get3A_414 = arith.index_cast %get3A_413 : i32 to index
      %get3A_415 = arith.constant 160 : index
      %get3A_416 = tpu.vector_load %arg14[%get3A_414, %get3A_415] {strides = array<i32>} : memref<4x272xf32, #tpu.memory_space<vmem>>, vector<16xf32>,
      %swap3A_417 = arith.constant 160 : index
      %swap3A_418 = tpu.vector_load %arg10[%swap3A_417] {strides = array<i32>} : memref<1024xf32, #tpu.memory_space<vmem>>, vector<16xf32>,
      tpu.vector_store %arg10[%swap3A_417], %get3A_416 {strides = array<i32>} : memref<1024xf32, #tpu.memory_space<vmem>>, vector<16xf32>,
      %get3A_419 = arith.constant 0 : i32
      %get3A_420 = arith.index_cast %get3A_419 : i32 to index
      %get3A_421 = arith.constant 176 : index
      %get3A_422 = tpu.vector_load %arg14[%get3A_420, %get3A_421] {strides = array<i32>} : memref<4x272xf32, #tpu.memory_space<vmem>>, vector<16xf32>,
      %swap3A_423 = arith.constant 176 : index
      %swap3A_424 = tpu.vector_load %arg10[%swap3A_423] {strides = array<i32>} : memref<1024xf32, #tpu.memory_space<vmem>>, vector<16xf32>,
      tpu.vector_store %arg10[%swap3A_423], %get3A_422 {strides = array<i32>} : memref<1024xf32, #tpu.memory_space<vmem>>, vector<16xf32>,
      %get3A_425 = arith.constant 0 : i32
      %get3A_426 = arith.index_cast %get3A_425 : i32 to index
      %get3A_427 = arith.constant 192 : index
      %get3A_428 = tpu.vector_load %arg14[%get3A_426, %get3A_427] {strides = array<i32>} : memref<4x272xf32, #tpu.memory_space<vmem>>, vector<16xf32>,
      %swap3A_429 = arith.constant 192 : index
      %swap3A_430 = tpu.vector_load %arg10[%swap3A_429] {strides = array<i32>} : memref<1024xf32, #tpu.memory_space<vmem>>, vector<16xf32>,
      tpu.vector_store %arg10[%swap3A_429], %get3A_428 {strides = array<i32>} : memref<1024xf32, #tpu.memory_space<vmem>>, vector<16xf32>,
      %get3A_431 = arith.constant 0 : i32
      %get3A_432 = arith.index_cast %get3A_431 : i32 to index
      %get3A_433 = arith.constant 208 : index
      %get3A_434 = tpu.vector_load %arg14[%get3A_432, %get3A_433] {strides = array<i32>} : memref<4x272xf32, #tpu.memory_space<vmem>>, vector<16xf32>,
      %swap3A_435 = arith.constant 208 : index
      %swap3A_436 = tpu.vector_load %arg10[%swap3A_435] {strides = array<i32>} : memref<1024xf32, #tpu.memory_space<vmem>>, vector<16xf32>,
      tpu.vector_store %arg10[%swap3A_435], %get3A_434 {strides = array<i32>} : memref<1024xf32, #tpu.memory_space<vmem>>, vector<16xf32>,
      %get3A_437 = arith.constant 0 : i32
      %get3A_438 = arith.index_cast %get3A_437 : i32 to index
      %get3A_439 = arith.constant 224 : index
      %get3A_440 = tpu.vector_load %arg14[%get3A_438, %get3A_439] {strides = array<i32>} : memref<4x272xf32, #tpu.memory_space<vmem>>, vector<16xf32>,
      %swap3A_441 = arith.constant 224 : index
      %swap3A_442 = tpu.vector_load %arg10[%swap3A_441] {strides = array<i32>} : memref<1024xf32, #tpu.memory_space<vmem>>, vector<16xf32>,
      tpu.vector_store %arg10[%swap3A_441], %get3A_440 {strides = array<i32>} : memref<1024xf32, #tpu.memory_space<vmem>>, vector<16xf32>,
      %get3A_443 = arith.constant 0 : i32
      %get3A_444 = arith.index_cast %get3A_443 : i32 to index
      %get3A_445 = arith.constant 240 : index
      %get3A_446 = tpu.vector_load %arg14[%get3A_444, %get3A_445] {strides = array<i32>} : memref<4x272xf32, #tpu.memory_space<vmem>>, vector<16xf32>,
      %swap3A_447 = arith.constant 240 : index
      %swap3A_448 = tpu.vector_load %arg10[%swap3A_447] {strides = array<i32>} : memref<1024xf32, #tpu.memory_space<vmem>>, vector<16xf32>,
      tpu.vector_store %arg10[%swap3A_447], %get3A_446 {strides = array<i32>} : memref<1024xf32, #tpu.memory_space<vmem>>, vector<16xf32>,
      %get3A_449 = arith.constant 0 : i32
      %get3A_450 = arith.index_cast %get3A_449 : i32 to index
      %get3A_451 = arith.constant 256 : index
      %get3A_452 = tpu.vector_load %arg14[%get3A_450, %get3A_451] {strides = array<i32>} : memref<4x272xf32, #tpu.memory_space<vmem>>, vector<16xf32>,
      %swap3A_453 = arith.constant 0 : index
      %swap3A_454 = tpu.vector_load %arg11[%swap3A_453] {strides = array<i32>} : memref<64xf32, #tpu.memory_space<vmem>>, vector<16xf32>,
      tpu.vector_store %arg11[%swap3A_453], %get3A_452 {strides = array<i32>} : memref<64xf32, #tpu.memory_space<vmem>>, vector<16xf32>,
      %get3A_455 = arith.constant 1 : i32
      %get3A_456 = arith.index_cast %get3A_455 : i32 to index
      %get3A_457 = arith.constant 0 : index
      %get3A_458 = tpu.vector_load %arg14[%get3A_456, %get3A_457] {strides = array<i32>} : memref<4x272xf32, #tpu.memory_space<vmem>>, vector<16xf32>,
      %swap3A_459 = arith.constant 256 : index
      %swap3A_460 = tpu.vector_load %arg10[%swap3A_459] {strides = array<i32>} : memref<1024xf32, #tpu.memory_space<vmem>>, vector<16xf32>,
      tpu.vector_store %arg10[%swap3A_459], %get3A_458 {strides = array<i32>} : memref<1024xf32, #tpu.memory_space<vmem>>, vector<16xf32>,
      %get3A_461 = arith.constant 1 : i32
      %get3A_462 = arith.index_cast %get3A_461 : i32 to index
      %get3A_463 = arith.constant 16 : index
      %get3A_464 = tpu.vector_load %arg14[%get3A_462, %get3A_463] {strides = array<i32>} : memref<4x272xf32, #tpu.memory_space<vmem>>, vector<16xf32>,
      %swap3A_465 = arith.constant 272 : index
      %swap3A_466 = tpu.vector_load %arg10[%swap3A_465] {strides = array<i32>} : memref<1024xf32, #tpu.memory_space<vmem>>, vector<16xf32>,
      tpu.vector_store %arg10[%swap3A_465], %get3A_464 {strides = array<i32>} : memref<1024xf32, #tpu.memory_space<vmem>>, vector<16xf32>,
      %get3A_467 = arith.constant 1 : i32
      %get3A_468 = arith.index_cast %get3A_467 : i32 to index
      %get3A_469 = arith.constant 32 : index
      %get3A_470 = tpu.vector_load %arg14[%get3A_468, %get3A_469] {strides = array<i32>} : memref<4x272xf32, #tpu.memory_space<vmem>>, vector<16xf32>,
      %swap3A_471 = arith.constant 288 : index
      %swap3A_472 = tpu.vector_load %arg10[%swap3A_471] {strides = array<i32>} : memref<1024xf32, #tpu.memory_space<vmem>>, vector<16xf32>,
      tpu.vector_store %arg10[%swap3A_471], %get3A_470 {strides = array<i32>} : memref<1024xf32, #tpu.memory_space<vmem>>, vector<16xf32>,
      %get3A_473 = arith.constant 1 : i32
      %get3A_474 = arith.index_cast %get3A_473 : i32 to index
      %get3A_475 = arith.constant 48 : index
      %get3A_476 = tpu.vector_load %arg14[%get3A_474, %get3A_475] {strides = array<i32>} : memref<4x272xf32, #tpu.memory_space<vmem>>, vector<16xf32>,
      %swap3A_477 = arith.constant 304 : index
      %swap3A_478 = tpu.vector_load %arg10[%swap3A_477] {strides = array<i32>} : memref<1024xf32, #tpu.memory_space<vmem>>, vector<16xf32>,
      tpu.vector_store %arg10[%swap3A_477], %get3A_476 {strides = array<i32>} : memref<1024xf32, #tpu.memory_space<vmem>>, vector<16xf32>,
      %get3A_479 = arith.constant 1 : i32
      %get3A_480 = arith.index_cast %get3A_479 : i32 to index
      %get3A_481 = arith.constant 64 : index
      %get3A_482 = tpu.vector_load %arg14[%get3A_480, %get3A_481] {strides = array<i32>} : memref<4x272xf32, #tpu.memory_space<vmem>>, vector<16xf32>,
      %swap3A_483 = arith.constant 320 : index
      %swap3A_484 = tpu.vector_load %arg10[%swap3A_483] {strides = array<i32>} : memref<1024xf32, #tpu.memory_space<vmem>>, vector<16xf32>,
      tpu.vector_store %arg10[%swap3A_483], %get3A_482 {strides = array<i32>} : memref<1024xf32, #tpu.memory_space<vmem>>, vector<16xf32>,
      %get3A_485 = arith.constant 1 : i32
      %get3A_486 = arith.index_cast %get3A_485 : i32 to index
      %get3A_487 = arith.constant 80 : index
      %get3A_488 = tpu.vector_load %arg14[%get3A_486, %get3A_487] {strides = array<i32>} : memref<4x272xf32, #tpu.memory_space<vmem>>, vector<16xf32>,
      %swap3A_489 = arith.constant 336 : index
      %swap3A_490 = tpu.vector_load %arg10[%swap3A_489] {strides = array<i32>} : memref<1024xf32, #tpu.memory_space<vmem>>, vector<16xf32>,
      tpu.vector_store %arg10[%swap3A_489], %get3A_488 {strides = array<i32>} : memref<1024xf32, #tpu.memory_space<vmem>>, vector<16xf32>,
      %get3A_491 = arith.constant 1 : i32
      %get3A_492 = arith.index_cast %get3A_491 : i32 to index
      %get3A_493 = arith.constant 96 : index
      %get3A_494 = tpu.vector_load %arg14[%get3A_492, %get3A_493] {strides = array<i32>} : memref<4x272xf32, #tpu.memory_space<vmem>>, vector<16xf32>,
      %swap3A_495 = arith.constant 352 : index
      %swap3A_496 = tpu.vector_load %arg10[%swap3A_495] {strides = array<i32>} : memref<1024xf32, #tpu.memory_space<vmem>>, vector<16xf32>,
      tpu.vector_store %arg10[%swap3A_495], %get3A_494 {strides = array<i32>} : memref<1024xf32, #tpu.memory_space<vmem>>, vector<16xf32>,
      %get3A_497 = arith.constant 1 : i32
      %get3A_498 = arith.index_cast %get3A_497 : i32 to index
      %get3A_499 = arith.constant 112 : index
      %get3A_500 = tpu.vector_load %arg14[%get3A_498, %get3A_499] {strides = array<i32>} : memref<4x272xf32, #tpu.memory_space<vmem>>, vector<16xf32>,
      %swap3A_501 = arith.constant 368 : index
      %swap3A_502 = tpu.vector_load %arg10[%swap3A_501] {strides = array<i32>} : memref<1024xf32, #tpu.memory_space<vmem>>, vector<16xf32>,
      tpu.vector_store %arg10[%swap3A_501], %get3A_500 {strides = array<i32>} : memref<1024xf32, #tpu.memory_space<vmem>>, vector<16xf32>,
      %get3A_503 = arith.constant 1 : i32
      %get3A_504 = arith.index_cast %get3A_503 : i32 to index
      %get3A_505 = arith.constant 128 : index
      %get3A_506 = tpu.vector_load %arg14[%get3A_504, %get3A_505] {strides = array<i32>} : memref<4x272xf32, #tpu.memory_space<vmem>>, vector<16xf32>,
      %swap3A_507 = arith.constant 384 : index
      %swap3A_508 = tpu.vector_load %arg10[%swap3A_507] {strides = array<i32>} : memref<1024xf32, #tpu.memory_space<vmem>>, vector<16xf32>,
      tpu.vector_store %arg10[%swap3A_507], %get3A_506 {strides = array<i32>} : memref<1024xf32, #tpu.memory_space<vmem>>, vector<16xf32>,
      %get3A_509 = arith.constant 1 : i32
      %get3A_510 = arith.index_cast %get3A_509 : i32 to index
      %get3A_511 = arith.constant 144 : index
      %get3A_512 = tpu.vector_load %arg14[%get3A_510, %get3A_511] {strides = array<i32>} : memref<4x272xf32, #tpu.memory_space<vmem>>, vector<16xf32>,
      %swap3A_513 = arith.constant 400 : index
      %swap3A_514 = tpu.vector_load %arg10[%swap3A_513] {strides = array<i32>} : memref<1024xf32, #tpu.memory_space<vmem>>, vector<16xf32>,
      tpu.vector_store %arg10[%swap3A_513], %get3A_512 {strides = array<i32>} : memref<1024xf32, #tpu.memory_space<vmem>>, vector<16xf32>,
      %get3A_515 = arith.constant 1 : i32
      %get3A_516 = arith.index_cast %get3A_515 : i32 to index
      %get3A_517 = arith.constant 160 : index
      %get3A_518 = tpu.vector_load %arg14[%get3A_516, %get3A_517] {strides = array<i32>} : memref<4x272xf32, #tpu.memory_space<vmem>>, vector<16xf32>,
      %swap3A_519 = arith.constant 416 : index
      %swap3A_520 = tpu.vector_load %arg10[%swap3A_519] {strides = array<i32>} : memref<1024xf32, #tpu.memory_space<vmem>>, vector<16xf32>,
      tpu.vector_store %arg10[%swap3A_519], %get3A_518 {strides = array<i32>} : memref<1024xf32, #tpu.memory_space<vmem>>, vector<16xf32>,
      %get3A_521 = arith.constant 1 : i32
      %get3A_522 = arith.index_cast %get3A_521 : i32 to index
      %get3A_523 = arith.constant 176 : index
      %get3A_524 = tpu.vector_load %arg14[%get3A_522, %get3A_523] {strides = array<i32>} : memref<4x272xf32, #tpu.memory_space<vmem>>, vector<16xf32>,
      %swap3A_525 = arith.constant 432 : index
      %swap3A_526 = tpu.vector_load %arg10[%swap3A_525] {strides = array<i32>} : memref<1024xf32, #tpu.memory_space<vmem>>, vector<16xf32>,
      tpu.vector_store %arg10[%swap3A_525], %get3A_524 {strides = array<i32>} : memref<1024xf32, #tpu.memory_space<vmem>>, vector<16xf32>,
      %get3A_527 = arith.constant 1 : i32
      %get3A_528 = arith.index_cast %get3A_527 : i32 to index
      %get3A_529 = arith.constant 192 : index
      %get3A_530 = tpu.vector_load %arg14[%get3A_528, %get3A_529] {strides = array<i32>} : memref<4x272xf32, #tpu.memory_space<vmem>>, vector<16xf32>,
      %swap3A_531 = arith.constant 448 : index
      %swap3A_532 = tpu.vector_load %arg10[%swap3A_531] {strides = array<i32>} : memref<1024xf32, #tpu.memory_space<vmem>>, vector<16xf32>,
      tpu.vector_store %arg10[%swap3A_531], %get3A_530 {strides = array<i32>} : memref<1024xf32, #tpu.memory_space<vmem>>, vector<16xf32>,
      %get3A_533 = arith.constant 1 : i32
      %get3A_534 = arith.index_cast %get3A_533 : i32 to index
      %get3A_535 = arith.constant 208 : index
      %get3A_536 = tpu.vector_load %arg14[%get3A_534, %get3A_535] {strides = array<i32>} : memref<4x272xf32, #tpu.memory_space<vmem>>, vector<16xf32>,
      %swap3A_537 = arith.constant 464 : index
      %swap3A_538 = tpu.vector_load %arg10[%swap3A_537] {strides = array<i32>} : memref<1024xf32, #tpu.memory_space<vmem>>, vector<16xf32>,
      tpu.vector_store %arg10[%swap3A_537], %get3A_536 {strides = array<i32>} : memref<1024xf32, #tpu.memory_space<vmem>>, vector<16xf32>,
      %get3A_539 = arith.constant 1 : i32
      %get3A_540 = arith.index_cast %get3A_539 : i32 to index
      %get3A_541 = arith.constant 224 : index
      %get3A_542 = tpu.vector_load %arg14[%get3A_540, %get3A_541] {strides = array<i32>} : memref<4x272xf32, #tpu.memory_space<vmem>>, vector<16xf32>,
      %swap3A_543 = arith.constant 480 : index
      %swap3A_544 = tpu.vector_load %arg10[%swap3A_543] {strides = array<i32>} : memref<1024xf32, #tpu.memory_space<vmem>>, vector<16xf32>,
      tpu.vector_store %arg10[%swap3A_543], %get3A_542 {strides = array<i32>} : memref<1024xf32, #tpu.memory_space<vmem>>, vector<16xf32>,
      %get3A_545 = arith.constant 1 : i32
      %get3A_546 = arith.index_cast %get3A_545 : i32 to index
      %get3A_547 = arith.constant 240 : index
      %get3A_548 = tpu.vector_load %arg14[%get3A_546, %get3A_547] {strides = array<i32>} : memref<4x272xf32, #tpu.memory_space<vmem>>, vector<16xf32>,
      %swap3A_549 = arith.constant 496 : index
      %swap3A_550 = tpu.vector_load %arg10[%swap3A_549] {strides = array<i32>} : memref<1024xf32, #tpu.memory_space<vmem>>, vector<16xf32>,
      tpu.vector_store %arg10[%swap3A_549], %get3A_548 {strides = array<i32>} : memref<1024xf32, #tpu.memory_space<vmem>>, vector<16xf32>,
      %get3A_551 = arith.constant 1 : i32
      %get3A_552 = arith.index_cast %get3A_551 : i32 to index
      %get3A_553 = arith.constant 256 : index
      %get3A_554 = tpu.vector_load %arg14[%get3A_552, %get3A_553] {strides = array<i32>} : memref<4x272xf32, #tpu.memory_space<vmem>>, vector<16xf32>,
      %swap3A_555 = arith.constant 16 : index
      %swap3A_556 = tpu.vector_load %arg11[%swap3A_555] {strides = array<i32>} : memref<64xf32, #tpu.memory_space<vmem>>, vector<16xf32>,
      tpu.vector_store %arg11[%swap3A_555], %get3A_554 {strides = array<i32>} : memref<64xf32, #tpu.memory_space<vmem>>, vector<16xf32>,
      %get3A_557 = arith.constant 2 : i32
      %get3A_558 = arith.index_cast %get3A_557 : i32 to index
      %get3A_559 = arith.constant 0 : index
      %get3A_560 = tpu.vector_load %arg14[%get3A_558, %get3A_559] {strides = array<i32>} : memref<4x272xf32, #tpu.memory_space<vmem>>, vector<16xf32>,
      %swap3A_561 = arith.constant 512 : index
      %swap3A_562 = tpu.vector_load %arg10[%swap3A_561] {strides = array<i32>} : memref<1024xf32, #tpu.memory_space<vmem>>, vector<16xf32>,
      tpu.vector_store %arg10[%swap3A_561], %get3A_560 {strides = array<i32>} : memref<1024xf32, #tpu.memory_space<vmem>>, vector<16xf32>,
      %get3A_563 = arith.constant 2 : i32
      %get3A_564 = arith.index_cast %get3A_563 : i32 to index
      %get3A_565 = arith.constant 16 : index
      %get3A_566 = tpu.vector_load %arg14[%get3A_564, %get3A_565] {strides = array<i32>} : memref<4x272xf32, #tpu.memory_space<vmem>>, vector<16xf32>,
      %swap3A_567 = arith.constant 528 : index
      %swap3A_568 = tpu.vector_load %arg10[%swap3A_567] {strides = array<i32>} : memref<1024xf32, #tpu.memory_space<vmem>>, vector<16xf32>,
      tpu.vector_store %arg10[%swap3A_567], %get3A_566 {strides = array<i32>} : memref<1024xf32, #tpu.memory_space<vmem>>, vector<16xf32>,
      %get3A_569 = arith.constant 2 : i32
      %get3A_570 = arith.index_cast %get3A_569 : i32 to index
      %get3A_571 = arith.constant 32 : index
      %get3A_572 = tpu.vector_load %arg14[%get3A_570, %get3A_571] {strides = array<i32>} : memref<4x272xf32, #tpu.memory_space<vmem>>, vector<16xf32>,
      %swap3A_573 = arith.constant 544 : index
      %swap3A_574 = tpu.vector_load %arg10[%swap3A_573] {strides = array<i32>} : memref<1024xf32, #tpu.memory_space<vmem>>, vector<16xf32>,
      tpu.vector_store %arg10[%swap3A_573], %get3A_572 {strides = array<i32>} : memref<1024xf32, #tpu.memory_space<vmem>>, vector<16xf32>,
      %get3A_575 = arith.constant 2 : i32
      %get3A_576 = arith.index_cast %get3A_575 : i32 to index
      %get3A_577 = arith.constant 48 : index
      %get3A_578 = tpu.vector_load %arg14[%get3A_576, %get3A_577] {strides = array<i32>} : memref<4x272xf32, #tpu.memory_space<vmem>>, vector<16xf32>,
      %swap3A_579 = arith.constant 560 : index
      %swap3A_580 = tpu.vector_load %arg10[%swap3A_579] {strides = array<i32>} : memref<1024xf32, #tpu.memory_space<vmem>>, vector<16xf32>,
      tpu.vector_store %arg10[%swap3A_579], %get3A_578 {strides = array<i32>} : memref<1024xf32, #tpu.memory_space<vmem>>, vector<16xf32>,
      %get3A_581 = arith.constant 2 : i32
      %get3A_582 = arith.index_cast %get3A_581 : i32 to index
      %get3A_583 = arith.constant 64 : index
      %get3A_584 = tpu.vector_load %arg14[%get3A_582, %get3A_583] {strides = array<i32>} : memref<4x272xf32, #tpu.memory_space<vmem>>, vector<16xf32>,
      %swap3A_585 = arith.constant 576 : index
      %swap3A_586 = tpu.vector_load %arg10[%swap3A_585] {strides = array<i32>} : memref<1024xf32, #tpu.memory_space<vmem>>, vector<16xf32>,
      tpu.vector_store %arg10[%swap3A_585], %get3A_584 {strides = array<i32>} : memref<1024xf32, #tpu.memory_space<vmem>>, vector<16xf32>,
      %get3A_587 = arith.constant 2 : i32
      %get3A_588 = arith.index_cast %get3A_587 : i32 to index
      %get3A_589 = arith.constant 80 : index
      %get3A_590 = tpu.vector_load %arg14[%get3A_588, %get3A_589] {strides = array<i32>} : memref<4x272xf32, #tpu.memory_space<vmem>>, vector<16xf32>,
      %swap3A_591 = arith.constant 592 : index
      %swap3A_592 = tpu.vector_load %arg10[%swap3A_591] {strides = array<i32>} : memref<1024xf32, #tpu.memory_space<vmem>>, vector<16xf32>,
      tpu.vector_store %arg10[%swap3A_591], %get3A_590 {strides = array<i32>} : memref<1024xf32, #tpu.memory_space<vmem>>, vector<16xf32>,
      %get3A_593 = arith.constant 2 : i32
      %get3A_594 = arith.index_cast %get3A_593 : i32 to index
      %get3A_595 = arith.constant 96 : index
      %get3A_596 = tpu.vector_load %arg14[%get3A_594, %get3A_595] {strides = array<i32>} : memref<4x272xf32, #tpu.memory_space<vmem>>, vector<16xf32>,
      %swap3A_597 = arith.constant 608 : index
      %swap3A_598 = tpu.vector_load %arg10[%swap3A_597] {strides = array<i32>} : memref<1024xf32, #tpu.memory_space<vmem>>, vector<16xf32>,
      tpu.vector_store %arg10[%swap3A_597], %get3A_596 {strides = array<i32>} : memref<1024xf32, #tpu.memory_space<vmem>>, vector<16xf32>,
      %get3A_599 = arith.constant 2 : i32
      %get3A_600 = arith.index_cast %get3A_599 : i32 to index
      %get3A_601 = arith.constant 112 : index
      %get3A_602 = tpu.vector_load %arg14[%get3A_600, %get3A_601] {strides = array<i32>} : memref<4x272xf32, #tpu.memory_space<vmem>>, vector<16xf32>,
      %swap3A_603 = arith.constant 624 : index
      %swap3A_604 = tpu.vector_load %arg10[%swap3A_603] {strides = array<i32>} : memref<1024xf32, #tpu.memory_space<vmem>>, vector<16xf32>,
      tpu.vector_store %arg10[%swap3A_603], %get3A_602 {strides = array<i32>} : memref<1024xf32, #tpu.memory_space<vmem>>, vector<16xf32>,
      %get3A_605 = arith.constant 2 : i32
      %get3A_606 = arith.index_cast %get3A_605 : i32 to index
      %get3A_607 = arith.constant 128 : index
      %get3A_608 = tpu.vector_load %arg14[%get3A_606, %get3A_607] {strides = array<i32>} : memref<4x272xf32, #tpu.memory_space<vmem>>, vector<16xf32>,
      %swap3A_609 = arith.constant 640 : index
      %swap3A_610 = tpu.vector_load %arg10[%swap3A_609] {strides = array<i32>} : memref<1024xf32, #tpu.memory_space<vmem>>, vector<16xf32>,
      tpu.vector_store %arg10[%swap3A_609], %get3A_608 {strides = array<i32>} : memref<1024xf32, #tpu.memory_space<vmem>>, vector<16xf32>,
      %get3A_611 = arith.constant 2 : i32
      %get3A_612 = arith.index_cast %get3A_611 : i32 to index
      %get3A_613 = arith.constant 144 : index
      %get3A_614 = tpu.vector_load %arg14[%get3A_612, %get3A_613] {strides = array<i32>} : memref<4x272xf32, #tpu.memory_space<vmem>>, vector<16xf32>,
      %swap3A_615 = arith.constant 656 : index
      %swap3A_616 = tpu.vector_load %arg10[%swap3A_615] {strides = array<i32>} : memref<1024xf32, #tpu.memory_space<vmem>>, vector<16xf32>,
      tpu.vector_store %arg10[%swap3A_615], %get3A_614 {strides = array<i32>} : memref<1024xf32, #tpu.memory_space<vmem>>, vector<16xf32>,
      %get3A_617 = arith.constant 2 : i32
      %get3A_618 = arith.index_cast %get3A_617 : i32 to index
      %get3A_619 = arith.constant 160 : index
      %get3A_620 = tpu.vector_load %arg14[%get3A_618, %get3A_619] {strides = array<i32>} : memref<4x272xf32, #tpu.memory_space<vmem>>, vector<16xf32>,
      %swap3A_621 = arith.constant 672 : index
      %swap3A_622 = tpu.vector_load %arg10[%swap3A_621] {strides = array<i32>} : memref<1024xf32, #tpu.memory_space<vmem>>, vector<16xf32>,
      tpu.vector_store %arg10[%swap3A_621], %get3A_620 {strides = array<i32>} : memref<1024xf32, #tpu.memory_space<vmem>>, vector<16xf32>,
      %get3A_623 = arith.constant 2 : i32
      %get3A_624 = arith.index_cast %get3A_623 : i32 to index
      %get3A_625 = arith.constant 176 : index
      %get3A_626 = tpu.vector_load %arg14[%get3A_624, %get3A_625] {strides = array<i32>} : memref<4x272xf32, #tpu.memory_space<vmem>>, vector<16xf32>,
      %swap3A_627 = arith.constant 688 : index
      %swap3A_628 = tpu.vector_load %arg10[%swap3A_627] {strides = array<i32>} : memref<1024xf32, #tpu.memory_space<vmem>>, vector<16xf32>,
      tpu.vector_store %arg10[%swap3A_627], %get3A_626 {strides = array<i32>} : memref<1024xf32, #tpu.memory_space<vmem>>, vector<16xf32>,
      %get3A_629 = arith.constant 2 : i32
      %get3A_630 = arith.index_cast %get3A_629 : i32 to index
      %get3A_631 = arith.constant 192 : index
      %get3A_632 = tpu.vector_load %arg14[%get3A_630, %get3A_631] {strides = array<i32>} : memref<4x272xf32, #tpu.memory_space<vmem>>, vector<16xf32>,
      %swap3A_633 = arith.constant 704 : index
      %swap3A_634 = tpu.vector_load %arg10[%swap3A_633] {strides = array<i32>} : memref<1024xf32, #tpu.memory_space<vmem>>, vector<16xf32>,
      tpu.vector_store %arg10[%swap3A_633], %get3A_632 {strides = array<i32>} : memref<1024xf32, #tpu.memory_space<vmem>>, vector<16xf32>,
      %get3A_635 = arith.constant 2 : i32
      %get3A_636 = arith.index_cast %get3A_635 : i32 to index
      %get3A_637 = arith.constant 208 : index
      %get3A_638 = tpu.vector_load %arg14[%get3A_636, %get3A_637] {strides = array<i32>} : memref<4x272xf32, #tpu.memory_space<vmem>>, vector<16xf32>,
      %swap3A_639 = arith.constant 720 : index
      %swap3A_640 = tpu.vector_load %arg10[%swap3A_639] {strides = array<i32>} : memref<1024xf32, #tpu.memory_space<vmem>>, vector<16xf32>,
      tpu.vector_store %arg10[%swap3A_639], %get3A_638 {strides = array<i32>} : memref<1024xf32, #tpu.memory_space<vmem>>, vector<16xf32>,
      %get3A_641 = arith.constant 2 : i32
      %get3A_642 = arith.index_cast %get3A_641 : i32 to index
      %get3A_643 = arith.constant 224 : index
      %get3A_644 = tpu.vector_load %arg14[%get3A_642, %get3A_643] {strides = array<i32>} : memref<4x272xf32, #tpu.memory_space<vmem>>, vector<16xf32>,
      %swap3A_645 = arith.constant 736 : index
      %swap3A_646 = tpu.vector_load %arg10[%swap3A_645] {strides = array<i32>} : memref<1024xf32, #tpu.memory_space<vmem>>, vector<16xf32>,
      tpu.vector_store %arg10[%swap3A_645], %get3A_644 {strides = array<i32>} : memref<1024xf32, #tpu.memory_space<vmem>>, vector<16xf32>,
      %get3A_647 = arith.constant 2 : i32
      %get3A_648 = arith.index_cast %get3A_647 : i32 to index
      %get3A_649 = arith.constant 240 : index
      %get3A_650 = tpu.vector_load %arg14[%get3A_648, %get3A_649] {strides = array<i32>} : memref<4x272xf32, #tpu.memory_space<vmem>>, vector<16xf32>,
      %swap3A_651 = arith.constant 752 : index
      %swap3A_652 = tpu.vector_load %arg10[%swap3A_651] {strides = array<i32>} : memref<1024xf32, #tpu.memory_space<vmem>>, vector<16xf32>,
      tpu.vector_store %arg10[%swap3A_651], %get3A_650 {strides = array<i32>} : memref<1024xf32, #tpu.memory_space<vmem>>, vector<16xf32>,
      %get3A_653 = arith.constant 2 : i32
      %get3A_654 = arith.index_cast %get3A_653 : i32 to index
      %get3A_655 = arith.constant 256 : index
      %get3A_656 = tpu.vector_load %arg14[%get3A_654, %get3A_655] {strides = array<i32>} : memref<4x272xf32, #tpu.memory_space<vmem>>, vector<16xf32>,
      %swap3A_657 = arith.constant 32 : index
      %swap3A_658 = tpu.vector_load %arg11[%swap3A_657] {strides = array<i32>} : memref<64xf32, #tpu.memory_space<vmem>>, vector<16xf32>,
      tpu.vector_store %arg11[%swap3A_657], %get3A_656 {strides = array<i32>} : memref<64xf32, #tpu.memory_space<vmem>>, vector<16xf32>,
      %get3A_659 = arith.constant 3 : i32
      %get3A_660 = arith.index_cast %get3A_659 : i32 to index
      %get3A_661 = arith.constant 0 : index
      %get3A_662 = tpu.vector_load %arg14[%get3A_660, %get3A_661] {strides = array<i32>} : memref<4x272xf32, #tpu.memory_space<vmem>>, vector<16xf32>,
      %swap3A_663 = arith.constant 768 : index
      %swap3A_664 = tpu.vector_load %arg10[%swap3A_663] {strides = array<i32>} : memref<1024xf32, #tpu.memory_space<vmem>>, vector<16xf32>,
      tpu.vector_store %arg10[%swap3A_663], %get3A_662 {strides = array<i32>} : memref<1024xf32, #tpu.memory_space<vmem>>, vector<16xf32>,
      %get3A_665 = arith.constant 3 : i32
      %get3A_666 = arith.index_cast %get3A_665 : i32 to index
      %get3A_667 = arith.constant 16 : index
      %get3A_668 = tpu.vector_load %arg14[%get3A_666, %get3A_667] {strides = array<i32>} : memref<4x272xf32, #tpu.memory_space<vmem>>, vector<16xf32>,
      %swap3A_669 = arith.constant 784 : index
      %swap3A_670 = tpu.vector_load %arg10[%swap3A_669] {strides = array<i32>} : memref<1024xf32, #tpu.memory_space<vmem>>, vector<16xf32>,
      tpu.vector_store %arg10[%swap3A_669], %get3A_668 {strides = array<i32>} : memref<1024xf32, #tpu.memory_space<vmem>>, vector<16xf32>,
      %get3A_671 = arith.constant 3 : i32
      %get3A_672 = arith.index_cast %get3A_671 : i32 to index
      %get3A_673 = arith.constant 32 : index
      %get3A_674 = tpu.vector_load %arg14[%get3A_672, %get3A_673] {strides = array<i32>} : memref<4x272xf32, #tpu.memory_space<vmem>>, vector<16xf32>,
      %swap3A_675 = arith.constant 800 : index
      %swap3A_676 = tpu.vector_load %arg10[%swap3A_675] {strides = array<i32>} : memref<1024xf32, #tpu.memory_space<vmem>>, vector<16xf32>,
      tpu.vector_store %arg10[%swap3A_675], %get3A_674 {strides = array<i32>} : memref<1024xf32, #tpu.memory_space<vmem>>, vector<16xf32>,
      %get3A_677 = arith.constant 3 : i32
      %get3A_678 = arith.index_cast %get3A_677 : i32 to index
      %get3A_679 = arith.constant 48 : index
      %get3A_680 = tpu.vector_load %arg14[%get3A_678, %get3A_679] {strides = array<i32>} : memref<4x272xf32, #tpu.memory_space<vmem>>, vector<16xf32>,
      %swap3A_681 = arith.constant 816 : index
      %swap3A_682 = tpu.vector_load %arg10[%swap3A_681] {strides = array<i32>} : memref<1024xf32, #tpu.memory_space<vmem>>, vector<16xf32>,
      tpu.vector_store %arg10[%swap3A_681], %get3A_680 {strides = array<i32>} : memref<1024xf32, #tpu.memory_space<vmem>>, vector<16xf32>,
      %get3A_683 = arith.constant 3 : i32
      %get3A_684 = arith.index_cast %get3A_683 : i32 to index
      %get3A_685 = arith.constant 64 : index
      %get3A_686 = tpu.vector_load %arg14[%get3A_684, %get3A_685] {strides = array<i32>} : memref<4x272xf32, #tpu.memory_space<vmem>>, vector<16xf32>,
      %swap3A_687 = arith.constant 832 : index
      %swap3A_688 = tpu.vector_load %arg10[%swap3A_687] {strides = array<i32>} : memref<1024xf32, #tpu.memory_space<vmem>>, vector<16xf32>,
      tpu.vector_store %arg10[%swap3A_687], %get3A_686 {strides = array<i32>} : memref<1024xf32, #tpu.memory_space<vmem>>, vector<16xf32>,
      %get3A_689 = arith.constant 3 : i32
      %get3A_690 = arith.index_cast %get3A_689 : i32 to index
      %get3A_691 = arith.constant 80 : index
      %get3A_692 = tpu.vector_load %arg14[%get3A_690, %get3A_691] {strides = array<i32>} : memref<4x272xf32, #tpu.memory_space<vmem>>, vector<16xf32>,
      %swap3A_693 = arith.constant 848 : index
      %swap3A_694 = tpu.vector_load %arg10[%swap3A_693] {strides = array<i32>} : memref<1024xf32, #tpu.memory_space<vmem>>, vector<16xf32>,
      tpu.vector_store %arg10[%swap3A_693], %get3A_692 {strides = array<i32>} : memref<1024xf32, #tpu.memory_space<vmem>>, vector<16xf32>,
      %get3A_695 = arith.constant 3 : i32
      %get3A_696 = arith.index_cast %get3A_695 : i32 to index
      %get3A_697 = arith.constant 96 : index
      %get3A_698 = tpu.vector_load %arg14[%get3A_696, %get3A_697] {strides = array<i32>} : memref<4x272xf32, #tpu.memory_space<vmem>>, vector<16xf32>,
      %swap3A_699 = arith.constant 864 : index
      %swap3A_700 = tpu.vector_load %arg10[%swap3A_699] {strides = array<i32>} : memref<1024xf32, #tpu.memory_space<vmem>>, vector<16xf32>,
      tpu.vector_store %arg10[%swap3A_699], %get3A_698 {strides = array<i32>} : memref<1024xf32, #tpu.memory_space<vmem>>, vector<16xf32>,
      %get3A_701 = arith.constant 3 : i32
      %get3A_702 = arith.index_cast %get3A_701 : i32 to index
      %get3A_703 = arith.constant 112 : index
      %get3A_704 = tpu.vector_load %arg14[%get3A_702, %get3A_703] {strides = array<i32>} : memref<4x272xf32, #tpu.memory_space<vmem>>, vector<16xf32>,
      %swap3A_705 = arith.constant 880 : index
      %swap3A_706 = tpu.vector_load %arg10[%swap3A_705] {strides = array<i32>} : memref<1024xf32, #tpu.memory_space<vmem>>, vector<16xf32>,
      tpu.vector_store %arg10[%swap3A_705], %get3A_704 {strides = array<i32>} : memref<1024xf32, #tpu.memory_space<vmem>>, vector<16xf32>,
      %get3A_707 = arith.constant 3 : i32
      %get3A_708 = arith.index_cast %get3A_707 : i32 to index
      %get3A_709 = arith.constant 128 : index
      %get3A_710 = tpu.vector_load %arg14[%get3A_708, %get3A_709] {strides = array<i32>} : memref<4x272xf32, #tpu.memory_space<vmem>>, vector<16xf32>,
      %swap3A_711 = arith.constant 896 : index
      %swap3A_712 = tpu.vector_load %arg10[%swap3A_711] {strides = array<i32>} : memref<1024xf32, #tpu.memory_space<vmem>>, vector<16xf32>,
      tpu.vector_store %arg10[%swap3A_711], %get3A_710 {strides = array<i32>} : memref<1024xf32, #tpu.memory_space<vmem>>, vector<16xf32>,
      %get3A_713 = arith.constant 3 : i32
      %get3A_714 = arith.index_cast %get3A_713 : i32 to index
      %get3A_715 = arith.constant 144 : index
      %get3A_716 = tpu.vector_load %arg14[%get3A_714, %get3A_715] {strides = array<i32>} : memref<4x272xf32, #tpu.memory_space<vmem>>, vector<16xf32>,
      %swap3A_717 = arith.constant 912 : index
      %swap3A_718 = tpu.vector_load %arg10[%swap3A_717] {strides = array<i32>} : memref<1024xf32, #tpu.memory_space<vmem>>, vector<16xf32>,
      tpu.vector_store %arg10[%swap3A_717], %get3A_716 {strides = array<i32>} : memref<1024xf32, #tpu.memory_space<vmem>>, vector<16xf32>,
      %get3A_719 = arith.constant 3 : i32
      %get3A_720 = arith.index_cast %get3A_719 : i32 to index
      %get3A_721 = arith.constant 160 : index
      %get3A_722 = tpu.vector_load %arg14[%get3A_720, %get3A_721] {strides = array<i32>} : memref<4x272xf32, #tpu.memory_space<vmem>>, vector<16xf32>,
      %swap3A_723 = arith.constant 928 : index
      %swap3A_724 = tpu.vector_load %arg10[%swap3A_723] {strides = array<i32>} : memref<1024xf32, #tpu.memory_space<vmem>>, vector<16xf32>,
      tpu.vector_store %arg10[%swap3A_723], %get3A_722 {strides = array<i32>} : memref<1024xf32, #tpu.memory_space<vmem>>, vector<16xf32>,
      %get3A_725 = arith.constant 3 : i32
      %get3A_726 = arith.index_cast %get3A_725 : i32 to index
      %get3A_727 = arith.constant 176 : index
      %get3A_728 = tpu.vector_load %arg14[%get3A_726, %get3A_727] {strides = array<i32>} : memref<4x272xf32, #tpu.memory_space<vmem>>, vector<16xf32>,
      %swap3A_729 = arith.constant 944 : index
      %swap3A_730 = tpu.vector_load %arg10[%swap3A_729] {strides = array<i32>} : memref<1024xf32, #tpu.memory_space<vmem>>, vector<16xf32>,
      tpu.vector_store %arg10[%swap3A_729], %get3A_728 {strides = array<i32>} : memref<1024xf32, #tpu.memory_space<vmem>>, vector<16xf32>,
      %get3A_731 = arith.constant 3 : i32
      %get3A_732 = arith.index_cast %get3A_731 : i32 to index
      %get3A_733 = arith.constant 192 : index
      %get3A_734 = tpu.vector_load %arg14[%get3A_732, %get3A_733] {strides = array<i32>} : memref<4x272xf32, #tpu.memory_space<vmem>>, vector<16xf32>,
      %swap3A_735 = arith.constant 960 : index
      %swap3A_736 = tpu.vector_load %arg10[%swap3A_735] {strides = array<i32>} : memref<1024xf32, #tpu.memory_space<vmem>>, vector<16xf32>,
      tpu.vector_store %arg10[%swap3A_735], %get3A_734 {strides = array<i32>} : memref<1024xf32, #tpu.memory_space<vmem>>, vector<16xf32>,
      %get3A_737 = arith.constant 3 : i32
      %get3A_738 = arith.index_cast %get3A_737 : i32 to index
      %get3A_739 = arith.constant 208 : index
      %get3A_740 = tpu.vector_load %arg14[%get3A_738, %get3A_739] {strides = array<i32>} : memref<4x272xf32, #tpu.memory_space<vmem>>, vector<16xf32>,
      %swap3A_741 = arith.constant 976 : index
      %swap3A_742 = tpu.vector_load %arg10[%swap3A_741] {strides = array<i32>} : memref<1024xf32, #tpu.memory_space<vmem>>, vector<16xf32>,
      tpu.vector_store %arg10[%swap3A_741], %get3A_740 {strides = array<i32>} : memref<1024xf32, #tpu.memory_space<vmem>>, vector<16xf32>,
      %get3A_743 = arith.constant 3 : i32
      %get3A_744 = arith.index_cast %get3A_743 : i32 to index
      %get3A_745 = arith.constant 224 : index
      %get3A_746 = tpu.vector_load %arg14[%get3A_744, %get3A_745] {strides = array<i32>} : memref<4x272xf32, #tpu.memory_space<vmem>>, vector<16xf32>,
      %swap3A_747 = arith.constant 992 : index
      %swap3A_748 = tpu.vector_load %arg10[%swap3A_747] {strides = array<i32>} : memref<1024xf32, #tpu.memory_space<vmem>>, vector<16xf32>,
      tpu.vector_store %arg10[%swap3A_747], %get3A_746 {strides = array<i32>} : memref<1024xf32, #tpu.memory_space<vmem>>, vector<16xf32>,
      %get3A_749 = arith.constant 3 : i32
      %get3A_750 = arith.index_cast %get3A_749 : i32 to index
      %get3A_751 = arith.constant 240 : index
      %get3A_752 = tpu.vector_load %arg14[%get3A_750, %get3A_751] {strides = array<i32>} : memref<4x272xf32, #tpu.memory_space<vmem>>, vector<16xf32>,
      %swap3A_753 = arith.constant 1008 : index
      %swap3A_754 = tpu.vector_load %arg10[%swap3A_753] {strides = array<i32>} : memref<1024xf32, #tpu.memory_space<vmem>>, vector<16xf32>,
      tpu.vector_store %arg10[%swap3A_753], %get3A_752 {strides = array<i32>} : memref<1024xf32, #tpu.memory_space<vmem>>, vector<16xf32>,
      %get3A_755 = arith.constant 3 : i32
      %get3A_756 = arith.index_cast %get3A_755 : i32 to index
      %get3A_757 = arith.constant 256 : index
      %get3A_758 = tpu.vector_load %arg14[%get3A_756, %get3A_757] {strides = array<i32>} : memref<4x272xf32, #tpu.memory_space<vmem>>, vector<16xf32>,
      %swap3A_759 = arith.constant 48 : index
      %swap3A_760 = tpu.vector_load %arg11[%swap3A_759] {strides = array<i32>} : memref<64xf32, #tpu.memory_space<vmem>>, vector<16xf32>,
      tpu.vector_store %arg11[%swap3A_759], %get3A_758 {strides = array<i32>} : memref<64xf32, #tpu.memory_space<vmem>>, vector<16xf32>,
      %dma_wait3A = arith.constant 0 : i32
      %dma_wait3A_761 = tpu.memref_slice %arg2[%add3A_30, %dma_wait3A] : memref<8x65536xf32, #tpu.memory_space<hbm>> -> memref<1x65536xf32, #tpu.memory_space<hbm>>
      %dma_wait3A_762 = tpu.memref_squeeze %dma_wait3A_761 : memref<1x65536xf32, #tpu.memory_space<hbm>> -> memref<65536xf32, #tpu.memory_space<hbm>>
      %dma_wait3A_763 = arith.constant 0 : i32
      %dma_wait3A_764 = tpu.memref_slice %arg2[%add3A_30, %dma_wait3A_763] : memref<8x65536xf32, #tpu.memory_space<hbm>> -> memref<1x65536xf32, #tpu.memory_space<hbm>>
      %dma_wait3A_765 = tpu.memref_squeeze %dma_wait3A_764 : memref<1x65536xf32, #tpu.memory_space<hbm>> -> memref<65536xf32, #tpu.memory_space<hbm>>
      tpu.wait_dma2 semaphore(%arg22 : memref<!tpu.dma_semaphore, #tpu.memory_space<semaphore_mem>>) src(%dma_wait3A_765 : memref<65536xf32, #tpu.memory_space<hbm>>) dst(%arg8 : memref<65536xf32, #tpu.memory_space<vmem>>)
      %scan3A_766 = arith.constant 0 : i32
      %scan3A_767 = arith.constant 0 : i32
      %scan3A_768 = arith.constant 64 : i32
      %scan3A_769 = arith.addi %scan3A_767, %scan3A_768 : i32
      %scan3A_770 = arith.constant 1 : i32
      scf.for %scan3A_1294 = %scan3A_767 to %scan3A_769 step %scan3A_770  : i32 {
        %get3A_1295 = arith.constant 0 : index
        %get3A_1296 = tpu.vector_load %arg11[%get3A_1295] {strides = array<i32>} : memref<64xf32, #tpu.memory_space<vmem>>, vector<16xf32>,
        %get3A_1297 = arith.constant 16 : index
        %get3A_1298 = tpu.vector_load %arg11[%get3A_1297] {strides = array<i32>} : memref<64xf32, #tpu.memory_space<vmem>>, vector<16xf32>,
        %get3A_1299 = arith.constant 32 : index
        %get3A_1300 = tpu.vector_load %arg11[%get3A_1299] {strides = array<i32>} : memref<64xf32, #tpu.memory_space<vmem>>, vector<16xf32>,
        %get3A_1301 = arith.constant 48 : index
        %get3A_1302 = tpu.vector_load %arg11[%get3A_1301] {strides = array<i32>} : memref<64xf32, #tpu.memory_space<vmem>>, vector<16xf32>,
        %max3A = arith.maximumf %get3A_1296, %get3A_1298 : vector<16xf32>
        %max3A_1303 = arith.maximumf %get3A_1300, %get3A_1302 : vector<16xf32>
        %max3A_1304 = arith.maximumf %max3A, %max3A_1303 : vector<16xf32>
        %reduce_max3A_1305 = arith.constant true
        %reduce_max3A_1306 = vector.broadcast %reduce_max3A_1305 : i1 to vector<16xi1>
        %reduce_max3A_1307 = tpu.scan <max>, %max3A_1304 masked %reduce_max3A_1306 : vector<16xf32>, vector<16xi1> -> vector<16xf32>
        %reduce_max3A_1308 = vector.extract %reduce_max3A_1307[15] : f32 from vector<16xf32>
        %eq3A_1309 = vector.broadcast %reduce_max3A_1308 : f32 to vector<16xf32>
        %eq3A_1310 = arith.cmpf oeq, %get3A_1296, %eq3A_1309 : vector<16xf32>
        %broadcast_in_dim3A_1311 = vector.broadcast %cond3A_349 : i32 to vector<16xi32>
        %select_n3A_1312 = arith.select %eq3A_1310, %iota3A, %broadcast_in_dim3A_1311 : vector<16xi1>, vector<16xi32>
        %eq3A_1313 = vector.broadcast %reduce_max3A_1308 : f32 to vector<16xf32>
        %eq3A_1314 = arith.cmpf oeq, %get3A_1298, %eq3A_1313 : vector<16xf32>
        %add3A_1315 = arith.constant 16 : i32
        %add3A_1316 = vector.broadcast %add3A_1315 : i32 to vector<16xi32>
        %add3A_1317 = arith.addi %iota3A, %add3A_1316 : vector<16xi32>
        %broadcast_in_dim3A_1318 = vector.broadcast %cond3A_349 : i32 to vector<16xi32>
        %select_n3A_1319 = arith.select %eq3A_1314, %add3A_1317, %broadcast_in_dim3A_1318 : vector<16xi1>, vector<16xi32>
        %min3A = arith.minsi %select_n3A_1312, %select_n3A_1319 : vector<16xi32>
        %eq3A_1320 = vector.broadcast %reduce_max3A_1308 : f32 to vector<16xf32>
        %eq3A_1321 = arith.cmpf oeq, %get3A_1300, %eq3A_1320 : vector<16xf32>
        %add3A_1322 = arith.constant 32 : i32
        %add3A_1323 = vector.broadcast %add3A_1322 : i32 to vector<16xi32>
        %add3A_1324 = arith.addi %iota3A, %add3A_1323 : vector<16xi32>
        %broadcast_in_dim3A_1325 = vector.broadcast %cond3A_349 : i32 to vector<16xi32>
        %select_n3A_1326 = arith.select %eq3A_1321, %add3A_1324, %broadcast_in_dim3A_1325 : vector<16xi1>, vector<16xi32>
        %eq3A_1327 = vector.broadcast %reduce_max3A_1308 : f32 to vector<16xf32>
        %eq3A_1328 = arith.cmpf oeq, %get3A_1302, %eq3A_1327 : vector<16xf32>
        %add3A_1329 = arith.constant 48 : i32
        %add3A_1330 = vector.broadcast %add3A_1329 : i32 to vector<16xi32>
        %add3A_1331 = arith.addi %iota3A, %add3A_1330 : vector<16xi32>
        %broadcast_in_dim3A_1332 = vector.broadcast %cond3A_349 : i32 to vector<16xi32>
        %select_n3A_1333 = arith.select %eq3A_1328, %add3A_1331, %broadcast_in_dim3A_1332 : vector<16xi1>, vector<16xi32>
        %min3A_1334 = arith.minsi %select_n3A_1326, %select_n3A_1333 : vector<16xi32>
        %min3A_1335 = arith.minsi %min3A, %min3A_1334 : vector<16xi32>
        %reduce_min3A = arith.constant true
        %reduce_min3A_1336 = vector.broadcast %reduce_min3A : i1 to vector<16xi1>
        %reduce_min3A_1337 = arith.constant -2147483648 : i32
        %reduce_min3A_1338 = vector.broadcast %reduce_min3A_1337 : i32 to vector<16xi32>
        %reduce_min3A_1339 = arith.xori %min3A_1335, %reduce_min3A_1338 : vector<16xi32>
        %reduce_min3A_1340 = tpu.scan <min>, %reduce_min3A_1339 masked %reduce_min3A_1336 : vector<16xi32>, vector<16xi1> -> vector<16xi32>
        %reduce_min3A_1341 = arith.xori %reduce_min3A_1340, %reduce_min3A_1338 : vector<16xi32>
        %reduce_min3A_1342 = vector.extract %reduce_min3A_1341[15] : i32 from vector<16xi32>
        %mul3A_1343 = arith.constant 16 : i32
        %mul3A_1344 = arith.muli %reduce_min3A_1342, %mul3A_1343 : i32
        %add3A_1345 = vector.broadcast %mul3A_1344 : i32 to vector<16xi32>
        %add3A_1346 = arith.addi %add3A_1345, %iota3A : vector<16xi32>
        %gather3A = tpu.vector_load_idx %arg10[%add3A_1346] : memref<1024xf32, #tpu.memory_space<vmem>>[vector<16xi32>], vector<16xf32>,
        %eq3A_1347 = vector.broadcast %reduce_max3A_1308 : f32 to vector<16xf32>
        %eq3A_1348 = arith.cmpf oeq, %gather3A, %eq3A_1347 : vector<16xf32>
        %broadcast_in_dim3A_1349 = vector.broadcast %cond3A_349 : i32 to vector<16xi32>
        %select_n3A_1350 = arith.select %eq3A_1348, %iota3A, %broadcast_in_dim3A_1349 : vector<16xi1>, vector<16xi32>
        %reduce_min3A_1351 = arith.constant true
        %reduce_min3A_1352 = vector.broadcast %reduce_min3A_1351 : i1 to vector<16xi1>
        %reduce_min3A_1353 = arith.constant -2147483648 : i32
        %reduce_min3A_1354 = vector.broadcast %reduce_min3A_1353 : i32 to vector<16xi32>
        %reduce_min3A_1355 = arith.xori %select_n3A_1350, %reduce_min3A_1354 : vector<16xi32>
        %reduce_min3A_1356 = tpu.scan <min>, %reduce_min3A_1355 masked %reduce_min3A_1352 : vector<16xi32>, vector<16xi1> -> vector<16xi32>
        %reduce_min3A_1357 = arith.xori %reduce_min3A_1356, %reduce_min3A_1354 : vector<16xi32>
        %reduce_min3A_1358 = vector.extract %reduce_min3A_1357[15] : i32 from vector<16xi32>
        %mul3A_1359 = arith.constant 1024 : i32
        %mul3A_1360 = arith.muli %reduce_min3A_1342, %mul3A_1359 : i32
        %add3A_1361 = arith.addi %mul3A_1360, %reduce_min3A_1358 : i32
        %broadcast_in_dim3A_1362 = vector.broadcast %cond3A_349 : i32 to vector<16xi32>
        %add3A_1363 = arith.constant 0 : i32
        %add3A_1364 = arith.addi %add3A_1361, %add3A_1363 : i32
        %add3A_1365 = vector.broadcast %add3A_1364 : i32 to vector<16xi32>
        %add3A_1366 = arith.addi %add3A_1365, %mul3A_33 : vector<16xi32>
        %gather3A_1367 = tpu.vector_load_idx %arg8[%add3A_1366] : memref<65536xf32, #tpu.memory_space<vmem>>[vector<16xi32>], vector<16xf32>,
        %eq3A_1368 = vector.broadcast %reduce_max3A_1308 : f32 to vector<16xf32>
        %eq3A_1369 = arith.cmpf oeq, %gather3A_1367, %eq3A_1368 : vector<16xf32>
        %broadcast_in_dim3A_1370 = vector.broadcast %cond3A_349 : i32 to vector<16xi32>
        %select_n3A_1371 = arith.select %eq3A_1369, %add3A_1366, %broadcast_in_dim3A_1370 : vector<16xi1>, vector<16xi32>
        %min3A_1372 = arith.minsi %broadcast_in_dim3A_1362, %select_n3A_1371 : vector<16xi32>
        %add3A_1373 = arith.constant 256 : i32
        %add3A_1374 = arith.addi %add3A_1361, %add3A_1373 : i32
        %add3A_1375 = vector.broadcast %add3A_1374 : i32 to vector<16xi32>
        %add3A_1376 = arith.addi %add3A_1375, %mul3A_33 : vector<16xi32>
        %gather3A_1377 = tpu.vector_load_idx %arg8[%add3A_1376] : memref<65536xf32, #tpu.memory_space<vmem>>[vector<16xi32>], vector<16xf32>,
        %eq3A_1378 = vector.broadcast %reduce_max3A_1308 : f32 to vector<16xf32>
        %eq3A_1379 = arith.cmpf oeq, %gather3A_1377, %eq3A_1378 : vector<16xf32>
        %broadcast_in_dim3A_1380 = vector.broadcast %cond3A_349 : i32 to vector<16xi32>
        %select_n3A_1381 = arith.select %eq3A_1379, %add3A_1376, %broadcast_in_dim3A_1380 : vector<16xi1>, vector<16xi32>
        %min3A_1382 = arith.minsi %min3A_1372, %select_n3A_1381 : vector<16xi32>
        %add3A_1383 = arith.constant 512 : i32
        %add3A_1384 = arith.addi %add3A_1361, %add3A_1383 : i32
        %add3A_1385 = vector.broadcast %add3A_1384 : i32 to vector<16xi32>
        %add3A_1386 = arith.addi %add3A_1385, %mul3A_33 : vector<16xi32>
        %gather3A_1387 = tpu.vector_load_idx %arg8[%add3A_1386] : memref<65536xf32, #tpu.memory_space<vmem>>[vector<16xi32>], vector<16xf32>,
        %eq3A_1388 = vector.broadcast %reduce_max3A_1308 : f32 to vector<16xf32>
        %eq3A_1389 = arith.cmpf oeq, %gather3A_1387, %eq3A_1388 : vector<16xf32>
        %broadcast_in_dim3A_1390 = vector.broadcast %cond3A_349 : i32 to vector<16xi32>
        %select_n3A_1391 = arith.select %eq3A_1389, %add3A_1386, %broadcast_in_dim3A_1390 : vector<16xi1>, vector<16xi32>
        %min3A_1392 = arith.minsi %min3A_1382, %select_n3A_1391 : vector<16xi32>
        %add3A_1393 = arith.constant 768 : i32
        %add3A_1394 = arith.addi %add3A_1361, %add3A_1393 : i32
        %add3A_1395 = vector.broadcast %add3A_1394 : i32 to vector<16xi32>
        %add3A_1396 = arith.addi %add3A_1395, %mul3A_33 : vector<16xi32>
        %gather3A_1397 = tpu.vector_load_idx %arg8[%add3A_1396] : memref<65536xf32, #tpu.memory_space<vmem>>[vector<16xi32>], vector<16xf32>,
        %eq3A_1398 = vector.broadcast %reduce_max3A_1308 : f32 to vector<16xf32>
        %eq3A_1399 = arith.cmpf oeq, %gather3A_1397, %eq3A_1398 : vector<16xf32>
        %broadcast_in_dim3A_1400 = vector.broadcast %cond3A_349 : i32 to vector<16xi32>
        %select_n3A_1401 = arith.select %eq3A_1399, %add3A_1396, %broadcast_in_dim3A_1400 : vector<16xi1>, vector<16xi32>
        %min3A_1402 = arith.minsi %min3A_1392, %select_n3A_1401 : vector<16xi32>
        %reduce_min3A_1403 = arith.constant true
        %reduce_min3A_1404 = vector.broadcast %reduce_min3A_1403 : i1 to vector<16xi1>
        %reduce_min3A_1405 = arith.constant -2147483648 : i32
        %reduce_min3A_1406 = vector.broadcast %reduce_min3A_1405 : i32 to vector<16xi32>
        %reduce_min3A_1407 = arith.xori %min3A_1402, %reduce_min3A_1406 : vector<16xi32>
        %reduce_min3A_1408 = tpu.scan <min>, %reduce_min3A_1407 masked %reduce_min3A_1404 : vector<16xi32>, vector<16xi1> -> vector<16xi32>
        %reduce_min3A_1409 = arith.xori %reduce_min3A_1408, %reduce_min3A_1406 : vector<16xi32>
        %reduce_min3A_1410 = vector.extract %reduce_min3A_1409[15] : i32 from vector<16xi32>
        %broadcast_in_dim3A_1411 = vector.broadcast %reduce_min3A_1410 : i32 to vector<16xi32>
        %broadcast_in_dim3A_1412 = arith.constant -3.000000e+38 : f32
        %broadcast_in_dim3A_1413 = vector.broadcast %broadcast_in_dim3A_1412 : f32 to vector<16xf32>
        tpu.vector_store_idx %arg8[%broadcast_in_dim3A_1411], %broadcast_in_dim3A_1413 masked %eq3A_36 : memref<65536xf32, #tpu.memory_space<vmem>>[vector<16xi32>], vector<16xf32>, vector<16xi1>
        %broadcast_in_dim3A_1414 = arith.constant -3.000000e+38 : f32
        %broadcast_in_dim3A_1415 = vector.broadcast %broadcast_in_dim3A_1414 : f32 to vector<16xf32>
        %eq3A_1416 = vector.broadcast %reduce_min3A_1410 : i32 to vector<16xi32>
        %eq3A_1417 = arith.cmpi eq, %add3A_1366, %eq3A_1416 : vector<16xi32>
        %broadcast_in_dim3A_1418 = arith.constant -3.000000e+38 : f32
        %broadcast_in_dim3A_1419 = vector.broadcast %broadcast_in_dim3A_1418 : f32 to vector<16xf32>
        %select_n3A_1420 = arith.select %eq3A_1417, %broadcast_in_dim3A_1419, %gather3A_1367 : vector<16xi1>, vector<16xf32>
        %max3A_1421 = arith.maximumf %broadcast_in_dim3A_1415, %select_n3A_1420 : vector<16xf32>
        %eq3A_1422 = vector.broadcast %reduce_min3A_1410 : i32 to vector<16xi32>
        %eq3A_1423 = arith.cmpi eq, %add3A_1376, %eq3A_1422 : vector<16xi32>
        %broadcast_in_dim3A_1424 = arith.constant -3.000000e+38 : f32
        %broadcast_in_dim3A_1425 = vector.broadcast %broadcast_in_dim3A_1424 : f32 to vector<16xf32>
        %select_n3A_1426 = arith.select %eq3A_1423, %broadcast_in_dim3A_1425, %gather3A_1377 : vector<16xi1>, vector<16xf32>
        %max3A_1427 = arith.maximumf %max3A_1421, %select_n3A_1426 : vector<16xf32>
        %eq3A_1428 = vector.broadcast %reduce_min3A_1410 : i32 to vector<16xi32>
        %eq3A_1429 = arith.cmpi eq, %add3A_1386, %eq3A_1428 : vector<16xi32>
        %broadcast_in_dim3A_1430 = arith.constant -3.000000e+38 : f32
        %broadcast_in_dim3A_1431 = vector.broadcast %broadcast_in_dim3A_1430 : f32 to vector<16xf32>
        %select_n3A_1432 = arith.select %eq3A_1429, %broadcast_in_dim3A_1431, %gather3A_1387 : vector<16xi1>, vector<16xf32>
        %max3A_1433 = arith.maximumf %max3A_1427, %select_n3A_1432 : vector<16xf32>
        %eq3A_1434 = vector.broadcast %reduce_min3A_1410 : i32 to vector<16xi32>
        %eq3A_1435 = arith.cmpi eq, %add3A_1396, %eq3A_1434 : vector<16xi32>
        %broadcast_in_dim3A_1436 = arith.constant -3.000000e+38 : f32
        %broadcast_in_dim3A_1437 = vector.broadcast %broadcast_in_dim3A_1436 : f32 to vector<16xf32>
        %select_n3A_1438 = arith.select %eq3A_1435, %broadcast_in_dim3A_1437, %gather3A_1397 : vector<16xi1>, vector<16xf32>
        %max3A_1439 = arith.maximumf %max3A_1433, %select_n3A_1438 : vector<16xf32>
        %reduce_max3A_1440 = arith.constant true
        %reduce_max3A_1441 = vector.broadcast %reduce_max3A_1440 : i1 to vector<16xi1>
        %reduce_max3A_1442 = tpu.scan <max>, %max3A_1439 masked %reduce_max3A_1441 : vector<16xf32>, vector<16xi1> -> vector<16xf32>
        %reduce_max3A_1443 = vector.extract %reduce_max3A_1442[15] : f32 from vector<16xf32>
        %mul3A_1444 = arith.constant 16 : i32
        %mul3A_1445 = arith.muli %reduce_min3A_1342, %mul3A_1444 : i32
        %add3A_1446 = arith.addi %mul3A_1445, %reduce_min3A_1358 : i32
        %broadcast_in_dim3A_1447 = vector.broadcast %add3A_1446 : i32 to vector<16xi32>
        %broadcast_in_dim3A_1448 = vector.broadcast %reduce_max3A_1443 : f32 to vector<16xf32>
        tpu.vector_store_idx %arg10[%broadcast_in_dim3A_1447], %broadcast_in_dim3A_1448 masked %eq3A_36 : memref<1024xf32, #tpu.memory_space<vmem>>[vector<16xi32>], vector<16xf32>, vector<16xi1>
        %eq3A_1449 = vector.broadcast %reduce_min3A_1358 : i32 to vector<16xi32>
        %eq3A_1450 = arith.cmpi eq, %iota3A, %eq3A_1449 : vector<16xi32>
        %broadcast_in_dim3A_1451 = vector.broadcast %reduce_max3A_1443 : f32 to vector<16xf32>
        %select_n3A_1452 = arith.select %eq3A_1450, %broadcast_in_dim3A_1451, %gather3A : vector<16xi1>, vector<16xf32>
        %broadcast_in_dim3A_1453 = vector.broadcast %reduce_min3A_1342 : i32 to vector<16xi32>
        %reduce_max3A_1454 = arith.constant true
        %reduce_max3A_1455 = vector.broadcast %reduce_max3A_1454 : i1 to vector<16xi1>
        %reduce_max3A_1456 = tpu.scan <max>, %select_n3A_1452 masked %reduce_max3A_1455 : vector<16xf32>, vector<16xi1> -> vector<16xf32>
        %reduce_max3A_1457 = vector.extract %reduce_max3A_1456[15] : f32 from vector<16xf32>
        %broadcast_in_dim3A_1458 = vector.broadcast %reduce_max3A_1457 : f32 to vector<16xf32>
        tpu.vector_store_idx %arg11[%broadcast_in_dim3A_1453], %broadcast_in_dim3A_1458 masked %eq3A_36 : memref<64xf32, #tpu.memory_space<vmem>>[vector<16xi32>], vector<16xf32>, vector<16xi1>
        %broadcast_in_dim3A_1459 = vector.broadcast %scan3A_1294 : i32 to vector<16xi32>
        %broadcast_in_dim3A_1460 = vector.broadcast %reduce_min3A_1410 : i32 to vector<16xi32>
        tpu.vector_store_idx %arg15[%broadcast_in_dim3A_1459], %broadcast_in_dim3A_1460 masked %eq3A_36 : memref<64xi32, #tpu.memory_space<vmem>>[vector<16xi32>], vector<16xi32>, vector<16xi1>
        %broadcast_in_dim3A_1461 = vector.broadcast %scan3A_1294 : i32 to vector<16xi32>
        %mul3A_1462 = arith.constant 65536 : i32
        %mul3A_1463 = arith.muli %add3A_30, %mul3A_1462 : i32
        %add3A_1464 = arith.addi %reduce_min3A_1410, %mul3A_1463 : i32
        %broadcast_in_dim3A_1465 = vector.broadcast %add3A_1464 : i32 to vector<16xi32>
        tpu.vector_store_idx %arg16[%broadcast_in_dim3A_1461], %broadcast_in_dim3A_1465 masked %eq3A_36 : memref<64xi32, #tpu.memory_space<vmem>>[vector<16xi32>], vector<16xi32>, vector<16xi1>
      }
      %scan3A_771 = arith.constant 64 : i32
      %dma_start3A = arith.constant 0 : i32
      %dma_start3A_772 = arith.constant 0 : i32
      %dma_start3A_773 = tpu.memref_slice %arg3[%dma_start3A, %dma_start3A_772] : memref<524288x128xf32, #tpu.memory_space<hbm>> -> memref<524288x128xf32, #tpu.memory_space<hbm>>
      tpu.enqueue_indirect_dma source(%dma_start3A_773 : memref<524288x128xf32, #tpu.memory_space<hbm>>) target(%arg17 : memref<64x128xf32, #tpu.memory_space<vmem>>) offsets(%arg16 : memref<64xi32, #tpu.memory_space<vmem>>) semaphore(%arg21 : memref<!tpu.dma_semaphore, #tpu.memory_space<semaphore_mem>>)
      %dma_wait3A_774 = arith.constant 0 : i32
      %dma_wait3A_775 = arith.constant 0 : i32
      %dma_wait3A_776 = tpu.memref_slice %arg3[%dma_wait3A_774, %dma_wait3A_775] : memref<524288x128xf32, #tpu.memory_space<hbm>> -> memref<524288x128xf32, #tpu.memory_space<hbm>>
      tpu.wait_indirect_dma semaphore(%arg21 : memref<!tpu.dma_semaphore, #tpu.memory_space<semaphore_mem>>) src(%dma_wait3A_776 : memref<524288x128xf32, #tpu.memory_space<hbm>>) dst(%arg17 : memref<64x128xf32, #tpu.memory_space<vmem>>)
      %broadcast_in_dim3A_777 = arith.constant 0.000000e+00 : f32
      %broadcast_in_dim3A_778 = vector.broadcast %broadcast_in_dim3A_777 : f32 to vector<16xf32>
      %broadcast_in_dim3A_779 = arith.constant 0.000000e+00 : f32
      %broadcast_in_dim3A_780 = vector.broadcast %broadcast_in_dim3A_779 : f32 to vector<16xf32>
      %broadcast_in_dim3A_781 = arith.constant 0.000000e+00 : f32
      %broadcast_in_dim3A_782 = vector.broadcast %broadcast_in_dim3A_781 : f32 to vector<16xf32>
      %broadcast_in_dim3A_783 = arith.constant 0.000000e+00 : f32
      %broadcast_in_dim3A_784 = vector.broadcast %broadcast_in_dim3A_783 : f32 to vector<16xf32>
      %broadcast_in_dim3A_785 = arith.constant 0.000000e+00 : f32
      %broadcast_in_dim3A_786 = vector.broadcast %broadcast_in_dim3A_785 : f32 to vector<16xf32>
      %broadcast_in_dim3A_787 = arith.constant 0.000000e+00 : f32
      %broadcast_in_dim3A_788 = vector.broadcast %broadcast_in_dim3A_787 : f32 to vector<16xf32>
      %broadcast_in_dim3A_789 = arith.constant 0.000000e+00 : f32
      %broadcast_in_dim3A_790 = vector.broadcast %broadcast_in_dim3A_789 : f32 to vector<16xf32>
      %broadcast_in_dim3A_791 = arith.constant 0.000000e+00 : f32
      %broadcast_in_dim3A_792 = vector.broadcast %broadcast_in_dim3A_791 : f32 to vector<16xf32>
      %scan3A_793 = arith.constant 0 : i32
      %scan3A_794 = arith.constant 64 : i32
      %scan3A_795 = arith.addi %scan3A_793, %scan3A_794 : i32
      %scan3A_796 = arith.constant 1 : i32
      %scan3A_797:8 = scf.for %scan3A_1294 = %scan3A_793 to %scan3A_795 step %scan3A_796 iter_args(%scan3A_1295 = %broadcast_in_dim3A_778, %scan3A_1296 = %broadcast_in_dim3A_780, %scan3A_1297 = %broadcast_in_dim3A_782, %scan3A_1298 = %broadcast_in_dim3A_784, %scan3A_1299 = %broadcast_in_dim3A_786, %scan3A_1300 = %broadcast_in_dim3A_788, %scan3A_1301 = %broadcast_in_dim3A_790, %scan3A_1302 = %broadcast_in_dim3A_792) -> (vector<16xf32>, vector<16xf32>, vector<16xf32>, vector<16xf32>, vector<16xf32>, vector<16xf32>, vector<16xf32>, vector<16xf32>)  : i32 {
        %broadcast_in_dim3A_1303 = vector.broadcast %scan3A_1294 : i32 to vector<16xi32>
        %add3A_1304 = arith.constant 0 : i32
        %add3A_1305 = vector.broadcast %add3A_1304 : i32 to vector<16xi32>
        %add3A_1306 = arith.addi %add3A_1305, %iota3A : vector<16xi32>
        %gather3A = tpu.vector_load_idx %arg17[%broadcast_in_dim3A_1303, %add3A_1306] : memref<64x128xf32, #tpu.memory_space<vmem>>[vector<16xi32>, vector<16xi32>], vector<16xf32>,
        %add3A_1307 = arith.addf %scan3A_1295, %gather3A : vector<16xf32>
        %add3A_1308 = arith.constant 16 : i32
        %add3A_1309 = vector.broadcast %add3A_1308 : i32 to vector<16xi32>
        %add3A_1310 = arith.addi %add3A_1309, %iota3A : vector<16xi32>
        %gather3A_1311 = tpu.vector_load_idx %arg17[%broadcast_in_dim3A_1303, %add3A_1310] : memref<64x128xf32, #tpu.memory_space<vmem>>[vector<16xi32>, vector<16xi32>], vector<16xf32>,
        %add3A_1312 = arith.addf %scan3A_1296, %gather3A_1311 : vector<16xf32>
        %add3A_1313 = arith.constant 32 : i32
        %add3A_1314 = vector.broadcast %add3A_1313 : i32 to vector<16xi32>
        %add3A_1315 = arith.addi %add3A_1314, %iota3A : vector<16xi32>
        %gather3A_1316 = tpu.vector_load_idx %arg17[%broadcast_in_dim3A_1303, %add3A_1315] : memref<64x128xf32, #tpu.memory_space<vmem>>[vector<16xi32>, vector<16xi32>], vector<16xf32>,
        %add3A_1317 = arith.addf %scan3A_1297, %gather3A_1316 : vector<16xf32>
        %add3A_1318 = arith.constant 48 : i32
        %add3A_1319 = vector.broadcast %add3A_1318 : i32 to vector<16xi32>
        %add3A_1320 = arith.addi %add3A_1319, %iota3A : vector<16xi32>
        %gather3A_1321 = tpu.vector_load_idx %arg17[%broadcast_in_dim3A_1303, %add3A_1320] : memref<64x128xf32, #tpu.memory_space<vmem>>[vector<16xi32>, vector<16xi32>], vector<16xf32>,
        %add3A_1322 = arith.addf %scan3A_1298, %gather3A_1321 : vector<16xf32>
        %add3A_1323 = arith.constant 64 : i32
        %add3A_1324 = vector.broadcast %add3A_1323 : i32 to vector<16xi32>
        %add3A_1325 = arith.addi %add3A_1324, %iota3A : vector<16xi32>
        %gather3A_1326 = tpu.vector_load_idx %arg17[%broadcast_in_dim3A_1303, %add3A_1325] : memref<64x128xf32, #tpu.memory_space<vmem>>[vector<16xi32>, vector<16xi32>], vector<16xf32>,
        %add3A_1327 = arith.addf %scan3A_1299, %gather3A_1326 : vector<16xf32>
        %add3A_1328 = arith.constant 80 : i32
        %add3A_1329 = vector.broadcast %add3A_1328 : i32 to vector<16xi32>
        %add3A_1330 = arith.addi %add3A_1329, %iota3A : vector<16xi32>
        %gather3A_1331 = tpu.vector_load_idx %arg17[%broadcast_in_dim3A_1303, %add3A_1330] : memref<64x128xf32, #tpu.memory_space<vmem>>[vector<16xi32>, vector<16xi32>], vector<16xf32>,
        %add3A_1332 = arith.addf %scan3A_1300, %gather3A_1331 : vector<16xf32>
        %add3A_1333 = arith.constant 96 : i32
        %add3A_1334 = vector.broadcast %add3A_1333 : i32 to vector<16xi32>
        %add3A_1335 = arith.addi %add3A_1334, %iota3A : vector<16xi32>
        %gather3A_1336 = tpu.vector_load_idx %arg17[%broadcast_in_dim3A_1303, %add3A_1335] : memref<64x128xf32, #tpu.memory_space<vmem>>[vector<16xi32>, vector<16xi32>], vector<16xf32>,
        %add3A_1337 = arith.addf %scan3A_1301, %gather3A_1336 : vector<16xf32>
        %add3A_1338 = arith.constant 112 : i32
        %add3A_1339 = vector.broadcast %add3A_1338 : i32 to vector<16xi32>
        %add3A_1340 = arith.addi %add3A_1339, %iota3A : vector<16xi32>
        %gather3A_1341 = tpu.vector_load_idx %arg17[%broadcast_in_dim3A_1303, %add3A_1340] : memref<64x128xf32, #tpu.memory_space<vmem>>[vector<16xi32>, vector<16xi32>], vector<16xf32>,
        %add3A_1342 = arith.addf %scan3A_1302, %gather3A_1341 : vector<16xf32>
        scf.yield %add3A_1307, %add3A_1312, %add3A_1317, %add3A_1322, %add3A_1327, %add3A_1332, %add3A_1337, %add3A_1342 : vector<16xf32>, vector<16xf32>, vector<16xf32>, vector<16xf32>, vector<16xf32>, vector<16xf32>, vector<16xf32>, vector<16xf32>
      }
      %scan3A_798 = arith.constant 64 : i32
      %mul3A_799 = arith.constant 1.562500e-02 : f32
      %mul3A_800 = vector.broadcast %mul3A_799 : f32 to vector<16xf32>
      %mul3A_801 = arith.mulf %scan3A_797#0, %mul3A_800 : vector<16xf32>
      %mul3A_802 = arith.constant 1.562500e-02 : f32
      %mul3A_803 = vector.broadcast %mul3A_802 : f32 to vector<16xf32>
      %mul3A_804 = arith.mulf %scan3A_797#1, %mul3A_803 : vector<16xf32>
      %mul3A_805 = arith.constant 1.562500e-02 : f32
      %mul3A_806 = vector.broadcast %mul3A_805 : f32 to vector<16xf32>
      %mul3A_807 = arith.mulf %scan3A_797#2, %mul3A_806 : vector<16xf32>
      %mul3A_808 = arith.constant 1.562500e-02 : f32
      %mul3A_809 = vector.broadcast %mul3A_808 : f32 to vector<16xf32>
      %mul3A_810 = arith.mulf %scan3A_797#3, %mul3A_809 : vector<16xf32>
      %mul3A_811 = arith.constant 1.562500e-02 : f32
      %mul3A_812 = vector.broadcast %mul3A_811 : f32 to vector<16xf32>
      %mul3A_813 = arith.mulf %scan3A_797#4, %mul3A_812 : vector<16xf32>
      %mul3A_814 = arith.constant 1.562500e-02 : f32
      %mul3A_815 = vector.broadcast %mul3A_814 : f32 to vector<16xf32>
      %mul3A_816 = arith.mulf %scan3A_797#5, %mul3A_815 : vector<16xf32>
      %mul3A_817 = arith.constant 1.562500e-02 : f32
      %mul3A_818 = vector.broadcast %mul3A_817 : f32 to vector<16xf32>
      %mul3A_819 = arith.mulf %scan3A_797#6, %mul3A_818 : vector<16xf32>
      %mul3A_820 = arith.constant 1.562500e-02 : f32
      %mul3A_821 = vector.broadcast %mul3A_820 : f32 to vector<16xf32>
      %mul3A_822 = arith.mulf %scan3A_797#7, %mul3A_821 : vector<16xf32>
      %swap3A_823 = arith.constant 0 : index
      %swap3A_824 = tpu.vector_load %arg18[%swap3A_823] {strides = array<i32>} : memref<128xf32, #tpu.memory_space<vmem>>, vector<16xf32>,
      tpu.vector_store %arg18[%swap3A_823], %mul3A_801 {strides = array<i32>} : memref<128xf32, #tpu.memory_space<vmem>>, vector<16xf32>,
      %swap3A_825 = arith.constant 16 : index
      %swap3A_826 = tpu.vector_load %arg18[%swap3A_825] {strides = array<i32>} : memref<128xf32, #tpu.memory_space<vmem>>, vector<16xf32>,
      tpu.vector_store %arg18[%swap3A_825], %mul3A_804 {strides = array<i32>} : memref<128xf32, #tpu.memory_space<vmem>>, vector<16xf32>,
      %swap3A_827 = arith.constant 32 : index
      %swap3A_828 = tpu.vector_load %arg18[%swap3A_827] {strides = array<i32>} : memref<128xf32, #tpu.memory_space<vmem>>, vector<16xf32>,
      tpu.vector_store %arg18[%swap3A_827], %mul3A_807 {strides = array<i32>} : memref<128xf32, #tpu.memory_space<vmem>>, vector<16xf32>,
      %swap3A_829 = arith.constant 48 : index
      %swap3A_830 = tpu.vector_load %arg18[%swap3A_829] {strides = array<i32>} : memref<128xf32, #tpu.memory_space<vmem>>, vector<16xf32>,
      tpu.vector_store %arg18[%swap3A_829], %mul3A_810 {strides = array<i32>} : memref<128xf32, #tpu.memory_space<vmem>>, vector<16xf32>,
      %swap3A_831 = arith.constant 64 : index
      %swap3A_832 = tpu.vector_load %arg18[%swap3A_831] {strides = array<i32>} : memref<128xf32, #tpu.memory_space<vmem>>, vector<16xf32>,
      tpu.vector_store %arg18[%swap3A_831], %mul3A_813 {strides = array<i32>} : memref<128xf32, #tpu.memory_space<vmem>>, vector<16xf32>,
      %swap3A_833 = arith.constant 80 : index
      %swap3A_834 = tpu.vector_load %arg18[%swap3A_833] {strides = array<i32>} : memref<128xf32, #tpu.memory_space<vmem>>, vector<16xf32>,
      tpu.vector_store %arg18[%swap3A_833], %mul3A_816 {strides = array<i32>} : memref<128xf32, #tpu.memory_space<vmem>>, vector<16xf32>,
      %swap3A_835 = arith.constant 96 : index
      %swap3A_836 = tpu.vector_load %arg18[%swap3A_835] {strides = array<i32>} : memref<128xf32, #tpu.memory_space<vmem>>, vector<16xf32>,
      tpu.vector_store %arg18[%swap3A_835], %mul3A_819 {strides = array<i32>} : memref<128xf32, #tpu.memory_space<vmem>>, vector<16xf32>,
      %swap3A_837 = arith.constant 112 : index
      %swap3A_838 = tpu.vector_load %arg18[%swap3A_837] {strides = array<i32>} : memref<128xf32, #tpu.memory_space<vmem>>, vector<16xf32>,
      tpu.vector_store %arg18[%swap3A_837], %mul3A_822 {strides = array<i32>} : memref<128xf32, #tpu.memory_space<vmem>>, vector<16xf32>,
      "tpu.region"() ({
        %run_scoped3A = tpu.sem_alloc : memref<!tpu.dma_semaphore, #tpu.memory_space<semaphore_mem>>
        tpu.enqueue_dma source(%arg4 : memref<272xf32, #tpu.memory_space<hbm>>) target(%arg19 : memref<272xf32, #tpu.memory_space<vmem>>) target_semaphore(%run_scoped3A : memref<!tpu.dma_semaphore, #tpu.memory_space<semaphore_mem>>)
        tpu.wait_dma2 semaphore(%run_scoped3A : memref<!tpu.dma_semaphore, #tpu.memory_space<semaphore_mem>>) src(%arg4 : memref<272xf32, #tpu.memory_space<hbm>>) dst(%arg19 : memref<272xf32, #tpu.memory_space<vmem>>)
        tpu.yield
      }) : () -> ()
      %broadcast_in_dim3A_839 = arith.constant 0.000000e+00 : f32
      %broadcast_in_dim3A_840 = vector.broadcast %broadcast_in_dim3A_839 : f32 to vector<16xf32>
      %broadcast_in_dim3A_841 = arith.constant 0.000000e+00 : f32
      %broadcast_in_dim3A_842 = vector.broadcast %broadcast_in_dim3A_841 : f32 to vector<16xf32>
      %bitcast3A = vector.bitcast %mul3A_801 : vector<16xf32> to vector<16xi32>
      %add3A_843 = arith.constant 32767 : i32
      %add3A_844 = vector.broadcast %add3A_843 : i32 to vector<16xi32>
      %add3A_845 = arith.addi %bitcast3A, %add3A_844 : vector<16xi32>
      %shift_right_arithmetic3A = arith.constant 16 : i32
      %shift_right_arithmetic3A_846 = vector.broadcast %shift_right_arithmetic3A : i32 to vector<16xi32>
      %shift_right_arithmetic3A_847 = arith.shrsi %bitcast3A, %shift_right_arithmetic3A_846 : vector<16xi32>
      %and3A_848 = arith.constant 1 : i32
      %and3A_849 = vector.broadcast %and3A_848 : i32 to vector<16xi32>
      %and3A_850 = arith.andi %shift_right_arithmetic3A_847, %and3A_849 : vector<16xi32>
      %add3A_851 = arith.addi %add3A_845, %and3A_850 : vector<16xi32>
      %and3A_852 = arith.constant -65536 : i32
      %and3A_853 = vector.broadcast %and3A_852 : i32 to vector<16xi32>
      %and3A_854 = arith.andi %add3A_851, %and3A_853 : vector<16xi32>
      %bitcast3A_855 = vector.bitcast %and3A_854 : vector<16xi32> to vector<16xf32>
      %get3A_856 = arith.constant 0 : index
      %get3A_857 = tpu.vector_load %arg19[%get3A_856] {strides = array<i32>} : memref<272xf32, #tpu.memory_space<vmem>>, vector<16xf32>,
      %bitcast3A_858 = vector.bitcast %get3A_857 : vector<16xf32> to vector<16xi32>
      %add3A_859 = arith.constant 32767 : i32
      %add3A_860 = vector.broadcast %add3A_859 : i32 to vector<16xi32>
      %add3A_861 = arith.addi %bitcast3A_858, %add3A_860 : vector<16xi32>
      %shift_right_arithmetic3A_862 = arith.constant 16 : i32
      %shift_right_arithmetic3A_863 = vector.broadcast %shift_right_arithmetic3A_862 : i32 to vector<16xi32>
      %shift_right_arithmetic3A_864 = arith.shrsi %bitcast3A_858, %shift_right_arithmetic3A_863 : vector<16xi32>
      %and3A_865 = arith.constant 1 : i32
      %and3A_866 = vector.broadcast %and3A_865 : i32 to vector<16xi32>
      %and3A_867 = arith.andi %shift_right_arithmetic3A_864, %and3A_866 : vector<16xi32>
      %add3A_868 = arith.addi %add3A_861, %and3A_867 : vector<16xi32>
      %and3A_869 = arith.constant -65536 : i32
      %and3A_870 = vector.broadcast %and3A_869 : i32 to vector<16xi32>
      %and3A_871 = arith.andi %add3A_868, %and3A_870 : vector<16xi32>
      %bitcast3A_872 = vector.bitcast %and3A_871 : vector<16xi32> to vector<16xf32>
      %mul3A_873 = arith.mulf %bitcast3A_855, %bitcast3A_872 : vector<16xf32>
      %add3A_874 = arith.addf %broadcast_in_dim3A_840, %mul3A_873 : vector<16xf32>
      %get3A_875 = arith.constant 128 : index
      %get3A_876 = tpu.vector_load %arg19[%get3A_875] {strides = array<i32>} : memref<272xf32, #tpu.memory_space<vmem>>, vector<16xf32>,
      %bitcast3A_877 = vector.bitcast %get3A_876 : vector<16xf32> to vector<16xi32>
      %add3A_878 = arith.constant 32767 : i32
      %add3A_879 = vector.broadcast %add3A_878 : i32 to vector<16xi32>
      %add3A_880 = arith.addi %bitcast3A_877, %add3A_879 : vector<16xi32>
      %shift_right_arithmetic3A_881 = arith.constant 16 : i32
      %shift_right_arithmetic3A_882 = vector.broadcast %shift_right_arithmetic3A_881 : i32 to vector<16xi32>
      %shift_right_arithmetic3A_883 = arith.shrsi %bitcast3A_877, %shift_right_arithmetic3A_882 : vector<16xi32>
      %and3A_884 = arith.constant 1 : i32
      %and3A_885 = vector.broadcast %and3A_884 : i32 to vector<16xi32>
      %and3A_886 = arith.andi %shift_right_arithmetic3A_883, %and3A_885 : vector<16xi32>
      %add3A_887 = arith.addi %add3A_880, %and3A_886 : vector<16xi32>
      %and3A_888 = arith.constant -65536 : i32
      %and3A_889 = vector.broadcast %and3A_888 : i32 to vector<16xi32>
      %and3A_890 = arith.andi %add3A_887, %and3A_889 : vector<16xi32>
      %bitcast3A_891 = vector.bitcast %and3A_890 : vector<16xi32> to vector<16xf32>
      %mul3A_892 = arith.mulf %bitcast3A_855, %bitcast3A_891 : vector<16xf32>
      %add3A_893 = arith.addf %broadcast_in_dim3A_842, %mul3A_892 : vector<16xf32>
      %bitcast3A_894 = vector.bitcast %mul3A_804 : vector<16xf32> to vector<16xi32>
      %add3A_895 = arith.constant 32767 : i32
      %add3A_896 = vector.broadcast %add3A_895 : i32 to vector<16xi32>
      %add3A_897 = arith.addi %bitcast3A_894, %add3A_896 : vector<16xi32>
      %shift_right_arithmetic3A_898 = arith.constant 16 : i32
      %shift_right_arithmetic3A_899 = vector.broadcast %shift_right_arithmetic3A_898 : i32 to vector<16xi32>
      %shift_right_arithmetic3A_900 = arith.shrsi %bitcast3A_894, %shift_right_arithmetic3A_899 : vector<16xi32>
      %and3A_901 = arith.constant 1 : i32
      %and3A_902 = vector.broadcast %and3A_901 : i32 to vector<16xi32>
      %and3A_903 = arith.andi %shift_right_arithmetic3A_900, %and3A_902 : vector<16xi32>
      %add3A_904 = arith.addi %add3A_897, %and3A_903 : vector<16xi32>
      %and3A_905 = arith.constant -65536 : i32
      %and3A_906 = vector.broadcast %and3A_905 : i32 to vector<16xi32>
      %and3A_907 = arith.andi %add3A_904, %and3A_906 : vector<16xi32>
      %bitcast3A_908 = vector.bitcast %and3A_907 : vector<16xi32> to vector<16xf32>
      %get3A_909 = arith.constant 16 : index
      %get3A_910 = tpu.vector_load %arg19[%get3A_909] {strides = array<i32>} : memref<272xf32, #tpu.memory_space<vmem>>, vector<16xf32>,
      %bitcast3A_911 = vector.bitcast %get3A_910 : vector<16xf32> to vector<16xi32>
      %add3A_912 = arith.constant 32767 : i32
      %add3A_913 = vector.broadcast %add3A_912 : i32 to vector<16xi32>
      %add3A_914 = arith.addi %bitcast3A_911, %add3A_913 : vector<16xi32>
      %shift_right_arithmetic3A_915 = arith.constant 16 : i32
      %shift_right_arithmetic3A_916 = vector.broadcast %shift_right_arithmetic3A_915 : i32 to vector<16xi32>
      %shift_right_arithmetic3A_917 = arith.shrsi %bitcast3A_911, %shift_right_arithmetic3A_916 : vector<16xi32>
      %and3A_918 = arith.constant 1 : i32
      %and3A_919 = vector.broadcast %and3A_918 : i32 to vector<16xi32>
      %and3A_920 = arith.andi %shift_right_arithmetic3A_917, %and3A_919 : vector<16xi32>
      %add3A_921 = arith.addi %add3A_914, %and3A_920 : vector<16xi32>
      %and3A_922 = arith.constant -65536 : i32
      %and3A_923 = vector.broadcast %and3A_922 : i32 to vector<16xi32>
      %and3A_924 = arith.andi %add3A_921, %and3A_923 : vector<16xi32>
      %bitcast3A_925 = vector.bitcast %and3A_924 : vector<16xi32> to vector<16xf32>
      %mul3A_926 = arith.mulf %bitcast3A_908, %bitcast3A_925 : vector<16xf32>
      %add3A_927 = arith.addf %add3A_874, %mul3A_926 : vector<16xf32>
      %get3A_928 = arith.constant 144 : index
      %get3A_929 = tpu.vector_load %arg19[%get3A_928] {strides = array<i32>} : memref<272xf32, #tpu.memory_space<vmem>>, vector<16xf32>,
      %bitcast3A_930 = vector.bitcast %get3A_929 : vector<16xf32> to vector<16xi32>
      %add3A_931 = arith.constant 32767 : i32
      %add3A_932 = vector.broadcast %add3A_931 : i32 to vector<16xi32>
      %add3A_933 = arith.addi %bitcast3A_930, %add3A_932 : vector<16xi32>
      %shift_right_arithmetic3A_934 = arith.constant 16 : i32
      %shift_right_arithmetic3A_935 = vector.broadcast %shift_right_arithmetic3A_934 : i32 to vector<16xi32>
      %shift_right_arithmetic3A_936 = arith.shrsi %bitcast3A_930, %shift_right_arithmetic3A_935 : vector<16xi32>
      %and3A_937 = arith.constant 1 : i32
      %and3A_938 = vector.broadcast %and3A_937 : i32 to vector<16xi32>
      %and3A_939 = arith.andi %shift_right_arithmetic3A_936, %and3A_938 : vector<16xi32>
      %add3A_940 = arith.addi %add3A_933, %and3A_939 : vector<16xi32>
      %and3A_941 = arith.constant -65536 : i32
      %and3A_942 = vector.broadcast %and3A_941 : i32 to vector<16xi32>
      %and3A_943 = arith.andi %add3A_940, %and3A_942 : vector<16xi32>
      %bitcast3A_944 = vector.bitcast %and3A_943 : vector<16xi32> to vector<16xf32>
      %mul3A_945 = arith.mulf %bitcast3A_908, %bitcast3A_944 : vector<16xf32>
      %add3A_946 = arith.addf %add3A_893, %mul3A_945 : vector<16xf32>
      %bitcast3A_947 = vector.bitcast %mul3A_807 : vector<16xf32> to vector<16xi32>
      %add3A_948 = arith.constant 32767 : i32
      %add3A_949 = vector.broadcast %add3A_948 : i32 to vector<16xi32>
      %add3A_950 = arith.addi %bitcast3A_947, %add3A_949 : vector<16xi32>
      %shift_right_arithmetic3A_951 = arith.constant 16 : i32
      %shift_right_arithmetic3A_952 = vector.broadcast %shift_right_arithmetic3A_951 : i32 to vector<16xi32>
      %shift_right_arithmetic3A_953 = arith.shrsi %bitcast3A_947, %shift_right_arithmetic3A_952 : vector<16xi32>
      %and3A_954 = arith.constant 1 : i32
      %and3A_955 = vector.broadcast %and3A_954 : i32 to vector<16xi32>
      %and3A_956 = arith.andi %shift_right_arithmetic3A_953, %and3A_955 : vector<16xi32>
      %add3A_957 = arith.addi %add3A_950, %and3A_956 : vector<16xi32>
      %and3A_958 = arith.constant -65536 : i32
      %and3A_959 = vector.broadcast %and3A_958 : i32 to vector<16xi32>
      %and3A_960 = arith.andi %add3A_957, %and3A_959 : vector<16xi32>
      %bitcast3A_961 = vector.bitcast %and3A_960 : vector<16xi32> to vector<16xf32>
      %get3A_962 = arith.constant 32 : index
      %get3A_963 = tpu.vector_load %arg19[%get3A_962] {strides = array<i32>} : memref<272xf32, #tpu.memory_space<vmem>>, vector<16xf32>,
      %bitcast3A_964 = vector.bitcast %get3A_963 : vector<16xf32> to vector<16xi32>
      %add3A_965 = arith.constant 32767 : i32
      %add3A_966 = vector.broadcast %add3A_965 : i32 to vector<16xi32>
      %add3A_967 = arith.addi %bitcast3A_964, %add3A_966 : vector<16xi32>
      %shift_right_arithmetic3A_968 = arith.constant 16 : i32
      %shift_right_arithmetic3A_969 = vector.broadcast %shift_right_arithmetic3A_968 : i32 to vector<16xi32>
      %shift_right_arithmetic3A_970 = arith.shrsi %bitcast3A_964, %shift_right_arithmetic3A_969 : vector<16xi32>
      %and3A_971 = arith.constant 1 : i32
      %and3A_972 = vector.broadcast %and3A_971 : i32 to vector<16xi32>
      %and3A_973 = arith.andi %shift_right_arithmetic3A_970, %and3A_972 : vector<16xi32>
      %add3A_974 = arith.addi %add3A_967, %and3A_973 : vector<16xi32>
      %and3A_975 = arith.constant -65536 : i32
      %and3A_976 = vector.broadcast %and3A_975 : i32 to vector<16xi32>
      %and3A_977 = arith.andi %add3A_974, %and3A_976 : vector<16xi32>
      %bitcast3A_978 = vector.bitcast %and3A_977 : vector<16xi32> to vector<16xf32>
      %mul3A_979 = arith.mulf %bitcast3A_961, %bitcast3A_978 : vector<16xf32>
      %add3A_980 = arith.addf %add3A_927, %mul3A_979 : vector<16xf32>
      %get3A_981 = arith.constant 160 : index
      %get3A_982 = tpu.vector_load %arg19[%get3A_981] {strides = array<i32>} : memref<272xf32, #tpu.memory_space<vmem>>, vector<16xf32>,
      %bitcast3A_983 = vector.bitcast %get3A_982 : vector<16xf32> to vector<16xi32>
      %add3A_984 = arith.constant 32767 : i32
      %add3A_985 = vector.broadcast %add3A_984 : i32 to vector<16xi32>
      %add3A_986 = arith.addi %bitcast3A_983, %add3A_985 : vector<16xi32>
      %shift_right_arithmetic3A_987 = arith.constant 16 : i32
      %shift_right_arithmetic3A_988 = vector.broadcast %shift_right_arithmetic3A_987 : i32 to vector<16xi32>
      %shift_right_arithmetic3A_989 = arith.shrsi %bitcast3A_983, %shift_right_arithmetic3A_988 : vector<16xi32>
      %and3A_990 = arith.constant 1 : i32
      %and3A_991 = vector.broadcast %and3A_990 : i32 to vector<16xi32>
      %and3A_992 = arith.andi %shift_right_arithmetic3A_989, %and3A_991 : vector<16xi32>
      %add3A_993 = arith.addi %add3A_986, %and3A_992 : vector<16xi32>
      %and3A_994 = arith.constant -65536 : i32
      %and3A_995 = vector.broadcast %and3A_994 : i32 to vector<16xi32>
      %and3A_996 = arith.andi %add3A_993, %and3A_995 : vector<16xi32>
      %bitcast3A_997 = vector.bitcast %and3A_996 : vector<16xi32> to vector<16xf32>
      %mul3A_998 = arith.mulf %bitcast3A_961, %bitcast3A_997 : vector<16xf32>
      %add3A_999 = arith.addf %add3A_946, %mul3A_998 : vector<16xf32>
      %bitcast3A_1000 = vector.bitcast %mul3A_810 : vector<16xf32> to vector<16xi32>
      %add3A_1001 = arith.constant 32767 : i32
      %add3A_1002 = vector.broadcast %add3A_1001 : i32 to vector<16xi32>
      %add3A_1003 = arith.addi %bitcast3A_1000, %add3A_1002 : vector<16xi32>
      %shift_right_arithmetic3A_1004 = arith.constant 16 : i32
      %shift_right_arithmetic3A_1005 = vector.broadcast %shift_right_arithmetic3A_1004 : i32 to vector<16xi32>
      %shift_right_arithmetic3A_1006 = arith.shrsi %bitcast3A_1000, %shift_right_arithmetic3A_1005 : vector<16xi32>
      %and3A_1007 = arith.constant 1 : i32
      %and3A_1008 = vector.broadcast %and3A_1007 : i32 to vector<16xi32>
      %and3A_1009 = arith.andi %shift_right_arithmetic3A_1006, %and3A_1008 : vector<16xi32>
      %add3A_1010 = arith.addi %add3A_1003, %and3A_1009 : vector<16xi32>
      %and3A_1011 = arith.constant -65536 : i32
      %and3A_1012 = vector.broadcast %and3A_1011 : i32 to vector<16xi32>
      %and3A_1013 = arith.andi %add3A_1010, %and3A_1012 : vector<16xi32>
      %bitcast3A_1014 = vector.bitcast %and3A_1013 : vector<16xi32> to vector<16xf32>
      %get3A_1015 = arith.constant 48 : index
      %get3A_1016 = tpu.vector_load %arg19[%get3A_1015] {strides = array<i32>} : memref<272xf32, #tpu.memory_space<vmem>>, vector<16xf32>,
      %bitcast3A_1017 = vector.bitcast %get3A_1016 : vector<16xf32> to vector<16xi32>
      %add3A_1018 = arith.constant 32767 : i32
      %add3A_1019 = vector.broadcast %add3A_1018 : i32 to vector<16xi32>
      %add3A_1020 = arith.addi %bitcast3A_1017, %add3A_1019 : vector<16xi32>
      %shift_right_arithmetic3A_1021 = arith.constant 16 : i32
      %shift_right_arithmetic3A_1022 = vector.broadcast %shift_right_arithmetic3A_1021 : i32 to vector<16xi32>
      %shift_right_arithmetic3A_1023 = arith.shrsi %bitcast3A_1017, %shift_right_arithmetic3A_1022 : vector<16xi32>
      %and3A_1024 = arith.constant 1 : i32
      %and3A_1025 = vector.broadcast %and3A_1024 : i32 to vector<16xi32>
      %and3A_1026 = arith.andi %shift_right_arithmetic3A_1023, %and3A_1025 : vector<16xi32>
      %add3A_1027 = arith.addi %add3A_1020, %and3A_1026 : vector<16xi32>
      %and3A_1028 = arith.constant -65536 : i32
      %and3A_1029 = vector.broadcast %and3A_1028 : i32 to vector<16xi32>
      %and3A_1030 = arith.andi %add3A_1027, %and3A_1029 : vector<16xi32>
      %bitcast3A_1031 = vector.bitcast %and3A_1030 : vector<16xi32> to vector<16xf32>
      %mul3A_1032 = arith.mulf %bitcast3A_1014, %bitcast3A_1031 : vector<16xf32>
      %add3A_1033 = arith.addf %add3A_980, %mul3A_1032 : vector<16xf32>
      %get3A_1034 = arith.constant 176 : index
      %get3A_1035 = tpu.vector_load %arg19[%get3A_1034] {strides = array<i32>} : memref<272xf32, #tpu.memory_space<vmem>>, vector<16xf32>,
      %bitcast3A_1036 = vector.bitcast %get3A_1035 : vector<16xf32> to vector<16xi32>
      %add3A_1037 = arith.constant 32767 : i32
      %add3A_1038 = vector.broadcast %add3A_1037 : i32 to vector<16xi32>
      %add3A_1039 = arith.addi %bitcast3A_1036, %add3A_1038 : vector<16xi32>
      %shift_right_arithmetic3A_1040 = arith.constant 16 : i32
      %shift_right_arithmetic3A_1041 = vector.broadcast %shift_right_arithmetic3A_1040 : i32 to vector<16xi32>
      %shift_right_arithmetic3A_1042 = arith.shrsi %bitcast3A_1036, %shift_right_arithmetic3A_1041 : vector<16xi32>
      %and3A_1043 = arith.constant 1 : i32
      %and3A_1044 = vector.broadcast %and3A_1043 : i32 to vector<16xi32>
      %and3A_1045 = arith.andi %shift_right_arithmetic3A_1042, %and3A_1044 : vector<16xi32>
      %add3A_1046 = arith.addi %add3A_1039, %and3A_1045 : vector<16xi32>
      %and3A_1047 = arith.constant -65536 : i32
      %and3A_1048 = vector.broadcast %and3A_1047 : i32 to vector<16xi32>
      %and3A_1049 = arith.andi %add3A_1046, %and3A_1048 : vector<16xi32>
      %bitcast3A_1050 = vector.bitcast %and3A_1049 : vector<16xi32> to vector<16xf32>
      %mul3A_1051 = arith.mulf %bitcast3A_1014, %bitcast3A_1050 : vector<16xf32>
      %add3A_1052 = arith.addf %add3A_999, %mul3A_1051 : vector<16xf32>
      %bitcast3A_1053 = vector.bitcast %mul3A_813 : vector<16xf32> to vector<16xi32>
      %add3A_1054 = arith.constant 32767 : i32
      %add3A_1055 = vector.broadcast %add3A_1054 : i32 to vector<16xi32>
      %add3A_1056 = arith.addi %bitcast3A_1053, %add3A_1055 : vector<16xi32>
      %shift_right_arithmetic3A_1057 = arith.constant 16 : i32
      %shift_right_arithmetic3A_1058 = vector.broadcast %shift_right_arithmetic3A_1057 : i32 to vector<16xi32>
      %shift_right_arithmetic3A_1059 = arith.shrsi %bitcast3A_1053, %shift_right_arithmetic3A_1058 : vector<16xi32>
      %and3A_1060 = arith.constant 1 : i32
      %and3A_1061 = vector.broadcast %and3A_1060 : i32 to vector<16xi32>
      %and3A_1062 = arith.andi %shift_right_arithmetic3A_1059, %and3A_1061 : vector<16xi32>
      %add3A_1063 = arith.addi %add3A_1056, %and3A_1062 : vector<16xi32>
      %and3A_1064 = arith.constant -65536 : i32
      %and3A_1065 = vector.broadcast %and3A_1064 : i32 to vector<16xi32>
      %and3A_1066 = arith.andi %add3A_1063, %and3A_1065 : vector<16xi32>
      %bitcast3A_1067 = vector.bitcast %and3A_1066 : vector<16xi32> to vector<16xf32>
      %get3A_1068 = arith.constant 64 : index
      %get3A_1069 = tpu.vector_load %arg19[%get3A_1068] {strides = array<i32>} : memref<272xf32, #tpu.memory_space<vmem>>, vector<16xf32>,
      %bitcast3A_1070 = vector.bitcast %get3A_1069 : vector<16xf32> to vector<16xi32>
      %add3A_1071 = arith.constant 32767 : i32
      %add3A_1072 = vector.broadcast %add3A_1071 : i32 to vector<16xi32>
      %add3A_1073 = arith.addi %bitcast3A_1070, %add3A_1072 : vector<16xi32>
      %shift_right_arithmetic3A_1074 = arith.constant 16 : i32
      %shift_right_arithmetic3A_1075 = vector.broadcast %shift_right_arithmetic3A_1074 : i32 to vector<16xi32>
      %shift_right_arithmetic3A_1076 = arith.shrsi %bitcast3A_1070, %shift_right_arithmetic3A_1075 : vector<16xi32>
      %and3A_1077 = arith.constant 1 : i32
      %and3A_1078 = vector.broadcast %and3A_1077 : i32 to vector<16xi32>
      %and3A_1079 = arith.andi %shift_right_arithmetic3A_1076, %and3A_1078 : vector<16xi32>
      %add3A_1080 = arith.addi %add3A_1073, %and3A_1079 : vector<16xi32>
      %and3A_1081 = arith.constant -65536 : i32
      %and3A_1082 = vector.broadcast %and3A_1081 : i32 to vector<16xi32>
      %and3A_1083 = arith.andi %add3A_1080, %and3A_1082 : vector<16xi32>
      %bitcast3A_1084 = vector.bitcast %and3A_1083 : vector<16xi32> to vector<16xf32>
      %mul3A_1085 = arith.mulf %bitcast3A_1067, %bitcast3A_1084 : vector<16xf32>
      %add3A_1086 = arith.addf %add3A_1033, %mul3A_1085 : vector<16xf32>
      %get3A_1087 = arith.constant 192 : index
      %get3A_1088 = tpu.vector_load %arg19[%get3A_1087] {strides = array<i32>} : memref<272xf32, #tpu.memory_space<vmem>>, vector<16xf32>,
      %bitcast3A_1089 = vector.bitcast %get3A_1088 : vector<16xf32> to vector<16xi32>
      %add3A_1090 = arith.constant 32767 : i32
      %add3A_1091 = vector.broadcast %add3A_1090 : i32 to vector<16xi32>
      %add3A_1092 = arith.addi %bitcast3A_1089, %add3A_1091 : vector<16xi32>
      %shift_right_arithmetic3A_1093 = arith.constant 16 : i32
      %shift_right_arithmetic3A_1094 = vector.broadcast %shift_right_arithmetic3A_1093 : i32 to vector<16xi32>
      %shift_right_arithmetic3A_1095 = arith.shrsi %bitcast3A_1089, %shift_right_arithmetic3A_1094 : vector<16xi32>
      %and3A_1096 = arith.constant 1 : i32
      %and3A_1097 = vector.broadcast %and3A_1096 : i32 to vector<16xi32>
      %and3A_1098 = arith.andi %shift_right_arithmetic3A_1095, %and3A_1097 : vector<16xi32>
      %add3A_1099 = arith.addi %add3A_1092, %and3A_1098 : vector<16xi32>
      %and3A_1100 = arith.constant -65536 : i32
      %and3A_1101 = vector.broadcast %and3A_1100 : i32 to vector<16xi32>
      %and3A_1102 = arith.andi %add3A_1099, %and3A_1101 : vector<16xi32>
      %bitcast3A_1103 = vector.bitcast %and3A_1102 : vector<16xi32> to vector<16xf32>
      %mul3A_1104 = arith.mulf %bitcast3A_1067, %bitcast3A_1103 : vector<16xf32>
      %add3A_1105 = arith.addf %add3A_1052, %mul3A_1104 : vector<16xf32>
      %bitcast3A_1106 = vector.bitcast %mul3A_816 : vector<16xf32> to vector<16xi32>
      %add3A_1107 = arith.constant 32767 : i32
      %add3A_1108 = vector.broadcast %add3A_1107 : i32 to vector<16xi32>
      %add3A_1109 = arith.addi %bitcast3A_1106, %add3A_1108 : vector<16xi32>
      %shift_right_arithmetic3A_1110 = arith.constant 16 : i32
      %shift_right_arithmetic3A_1111 = vector.broadcast %shift_right_arithmetic3A_1110 : i32 to vector<16xi32>
      %shift_right_arithmetic3A_1112 = arith.shrsi %bitcast3A_1106, %shift_right_arithmetic3A_1111 : vector<16xi32>
      %and3A_1113 = arith.constant 1 : i32
      %and3A_1114 = vector.broadcast %and3A_1113 : i32 to vector<16xi32>
      %and3A_1115 = arith.andi %shift_right_arithmetic3A_1112, %and3A_1114 : vector<16xi32>
      %add3A_1116 = arith.addi %add3A_1109, %and3A_1115 : vector<16xi32>
      %and3A_1117 = arith.constant -65536 : i32
      %and3A_1118 = vector.broadcast %and3A_1117 : i32 to vector<16xi32>
      %and3A_1119 = arith.andi %add3A_1116, %and3A_1118 : vector<16xi32>
      %bitcast3A_1120 = vector.bitcast %and3A_1119 : vector<16xi32> to vector<16xf32>
      %get3A_1121 = arith.constant 80 : index
      %get3A_1122 = tpu.vector_load %arg19[%get3A_1121] {strides = array<i32>} : memref<272xf32, #tpu.memory_space<vmem>>, vector<16xf32>,
      %bitcast3A_1123 = vector.bitcast %get3A_1122 : vector<16xf32> to vector<16xi32>
      %add3A_1124 = arith.constant 32767 : i32
      %add3A_1125 = vector.broadcast %add3A_1124 : i32 to vector<16xi32>
      %add3A_1126 = arith.addi %bitcast3A_1123, %add3A_1125 : vector<16xi32>
      %shift_right_arithmetic3A_1127 = arith.constant 16 : i32
      %shift_right_arithmetic3A_1128 = vector.broadcast %shift_right_arithmetic3A_1127 : i32 to vector<16xi32>
      %shift_right_arithmetic3A_1129 = arith.shrsi %bitcast3A_1123, %shift_right_arithmetic3A_1128 : vector<16xi32>
      %and3A_1130 = arith.constant 1 : i32
      %and3A_1131 = vector.broadcast %and3A_1130 : i32 to vector<16xi32>
      %and3A_1132 = arith.andi %shift_right_arithmetic3A_1129, %and3A_1131 : vector<16xi32>
      %add3A_1133 = arith.addi %add3A_1126, %and3A_1132 : vector<16xi32>
      %and3A_1134 = arith.constant -65536 : i32
      %and3A_1135 = vector.broadcast %and3A_1134 : i32 to vector<16xi32>
      %and3A_1136 = arith.andi %add3A_1133, %and3A_1135 : vector<16xi32>
      %bitcast3A_1137 = vector.bitcast %and3A_1136 : vector<16xi32> to vector<16xf32>
      %mul3A_1138 = arith.mulf %bitcast3A_1120, %bitcast3A_1137 : vector<16xf32>
      %add3A_1139 = arith.addf %add3A_1086, %mul3A_1138 : vector<16xf32>
      %get3A_1140 = arith.constant 208 : index
      %get3A_1141 = tpu.vector_load %arg19[%get3A_1140] {strides = array<i32>} : memref<272xf32, #tpu.memory_space<vmem>>, vector<16xf32>,
      %bitcast3A_1142 = vector.bitcast %get3A_1141 : vector<16xf32> to vector<16xi32>
      %add3A_1143 = arith.constant 32767 : i32
      %add3A_1144 = vector.broadcast %add3A_1143 : i32 to vector<16xi32>
      %add3A_1145 = arith.addi %bitcast3A_1142, %add3A_1144 : vector<16xi32>
      %shift_right_arithmetic3A_1146 = arith.constant 16 : i32
      %shift_right_arithmetic3A_1147 = vector.broadcast %shift_right_arithmetic3A_1146 : i32 to vector<16xi32>
      %shift_right_arithmetic3A_1148 = arith.shrsi %bitcast3A_1142, %shift_right_arithmetic3A_1147 : vector<16xi32>
      %and3A_1149 = arith.constant 1 : i32
      %and3A_1150 = vector.broadcast %and3A_1149 : i32 to vector<16xi32>
      %and3A_1151 = arith.andi %shift_right_arithmetic3A_1148, %and3A_1150 : vector<16xi32>
      %add3A_1152 = arith.addi %add3A_1145, %and3A_1151 : vector<16xi32>
      %and3A_1153 = arith.constant -65536 : i32
      %and3A_1154 = vector.broadcast %and3A_1153 : i32 to vector<16xi32>
      %and3A_1155 = arith.andi %add3A_1152, %and3A_1154 : vector<16xi32>
      %bitcast3A_1156 = vector.bitcast %and3A_1155 : vector<16xi32> to vector<16xf32>
      %mul3A_1157 = arith.mulf %bitcast3A_1120, %bitcast3A_1156 : vector<16xf32>
      %add3A_1158 = arith.addf %add3A_1105, %mul3A_1157 : vector<16xf32>
      %bitcast3A_1159 = vector.bitcast %mul3A_819 : vector<16xf32> to vector<16xi32>
      %add3A_1160 = arith.constant 32767 : i32
      %add3A_1161 = vector.broadcast %add3A_1160 : i32 to vector<16xi32>
      %add3A_1162 = arith.addi %bitcast3A_1159, %add3A_1161 : vector<16xi32>
      %shift_right_arithmetic3A_1163 = arith.constant 16 : i32
      %shift_right_arithmetic3A_1164 = vector.broadcast %shift_right_arithmetic3A_1163 : i32 to vector<16xi32>
      %shift_right_arithmetic3A_1165 = arith.shrsi %bitcast3A_1159, %shift_right_arithmetic3A_1164 : vector<16xi32>
      %and3A_1166 = arith.constant 1 : i32
      %and3A_1167 = vector.broadcast %and3A_1166 : i32 to vector<16xi32>
      %and3A_1168 = arith.andi %shift_right_arithmetic3A_1165, %and3A_1167 : vector<16xi32>
      %add3A_1169 = arith.addi %add3A_1162, %and3A_1168 : vector<16xi32>
      %and3A_1170 = arith.constant -65536 : i32
      %and3A_1171 = vector.broadcast %and3A_1170 : i32 to vector<16xi32>
      %and3A_1172 = arith.andi %add3A_1169, %and3A_1171 : vector<16xi32>
      %bitcast3A_1173 = vector.bitcast %and3A_1172 : vector<16xi32> to vector<16xf32>
      %get3A_1174 = arith.constant 96 : index
      %get3A_1175 = tpu.vector_load %arg19[%get3A_1174] {strides = array<i32>} : memref<272xf32, #tpu.memory_space<vmem>>, vector<16xf32>,
      %bitcast3A_1176 = vector.bitcast %get3A_1175 : vector<16xf32> to vector<16xi32>
      %add3A_1177 = arith.constant 32767 : i32
      %add3A_1178 = vector.broadcast %add3A_1177 : i32 to vector<16xi32>
      %add3A_1179 = arith.addi %bitcast3A_1176, %add3A_1178 : vector<16xi32>
      %shift_right_arithmetic3A_1180 = arith.constant 16 : i32
      %shift_right_arithmetic3A_1181 = vector.broadcast %shift_right_arithmetic3A_1180 : i32 to vector<16xi32>
      %shift_right_arithmetic3A_1182 = arith.shrsi %bitcast3A_1176, %shift_right_arithmetic3A_1181 : vector<16xi32>
      %and3A_1183 = arith.constant 1 : i32
      %and3A_1184 = vector.broadcast %and3A_1183 : i32 to vector<16xi32>
      %and3A_1185 = arith.andi %shift_right_arithmetic3A_1182, %and3A_1184 : vector<16xi32>
      %add3A_1186 = arith.addi %add3A_1179, %and3A_1185 : vector<16xi32>
      %and3A_1187 = arith.constant -65536 : i32
      %and3A_1188 = vector.broadcast %and3A_1187 : i32 to vector<16xi32>
      %and3A_1189 = arith.andi %add3A_1186, %and3A_1188 : vector<16xi32>
      %bitcast3A_1190 = vector.bitcast %and3A_1189 : vector<16xi32> to vector<16xf32>
      %mul3A_1191 = arith.mulf %bitcast3A_1173, %bitcast3A_1190 : vector<16xf32>
      %add3A_1192 = arith.addf %add3A_1139, %mul3A_1191 : vector<16xf32>
      %get3A_1193 = arith.constant 224 : index
      %get3A_1194 = tpu.vector_load %arg19[%get3A_1193] {strides = array<i32>} : memref<272xf32, #tpu.memory_space<vmem>>, vector<16xf32>,
      %bitcast3A_1195 = vector.bitcast %get3A_1194 : vector<16xf32> to vector<16xi32>
      %add3A_1196 = arith.constant 32767 : i32
      %add3A_1197 = vector.broadcast %add3A_1196 : i32 to vector<16xi32>
      %add3A_1198 = arith.addi %bitcast3A_1195, %add3A_1197 : vector<16xi32>
      %shift_right_arithmetic3A_1199 = arith.constant 16 : i32
      %shift_right_arithmetic3A_1200 = vector.broadcast %shift_right_arithmetic3A_1199 : i32 to vector<16xi32>
      %shift_right_arithmetic3A_1201 = arith.shrsi %bitcast3A_1195, %shift_right_arithmetic3A_1200 : vector<16xi32>
      %and3A_1202 = arith.constant 1 : i32
      %and3A_1203 = vector.broadcast %and3A_1202 : i32 to vector<16xi32>
      %and3A_1204 = arith.andi %shift_right_arithmetic3A_1201, %and3A_1203 : vector<16xi32>
      %add3A_1205 = arith.addi %add3A_1198, %and3A_1204 : vector<16xi32>
      %and3A_1206 = arith.constant -65536 : i32
      %and3A_1207 = vector.broadcast %and3A_1206 : i32 to vector<16xi32>
      %and3A_1208 = arith.andi %add3A_1205, %and3A_1207 : vector<16xi32>
      %bitcast3A_1209 = vector.bitcast %and3A_1208 : vector<16xi32> to vector<16xf32>
      %mul3A_1210 = arith.mulf %bitcast3A_1173, %bitcast3A_1209 : vector<16xf32>
      %add3A_1211 = arith.addf %add3A_1158, %mul3A_1210 : vector<16xf32>
      %bitcast3A_1212 = vector.bitcast %mul3A_822 : vector<16xf32> to vector<16xi32>
      %add3A_1213 = arith.constant 32767 : i32
      %add3A_1214 = vector.broadcast %add3A_1213 : i32 to vector<16xi32>
      %add3A_1215 = arith.addi %bitcast3A_1212, %add3A_1214 : vector<16xi32>
      %shift_right_arithmetic3A_1216 = arith.constant 16 : i32
      %shift_right_arithmetic3A_1217 = vector.broadcast %shift_right_arithmetic3A_1216 : i32 to vector<16xi32>
      %shift_right_arithmetic3A_1218 = arith.shrsi %bitcast3A_1212, %shift_right_arithmetic3A_1217 : vector<16xi32>
      %and3A_1219 = arith.constant 1 : i32
      %and3A_1220 = vector.broadcast %and3A_1219 : i32 to vector<16xi32>
      %and3A_1221 = arith.andi %shift_right_arithmetic3A_1218, %and3A_1220 : vector<16xi32>
      %add3A_1222 = arith.addi %add3A_1215, %and3A_1221 : vector<16xi32>
      %and3A_1223 = arith.constant -65536 : i32
      %and3A_1224 = vector.broadcast %and3A_1223 : i32 to vector<16xi32>
      %and3A_1225 = arith.andi %add3A_1222, %and3A_1224 : vector<16xi32>
      %bitcast3A_1226 = vector.bitcast %and3A_1225 : vector<16xi32> to vector<16xf32>
      %get3A_1227 = arith.constant 112 : index
      %get3A_1228 = tpu.vector_load %arg19[%get3A_1227] {strides = array<i32>} : memref<272xf32, #tpu.memory_space<vmem>>, vector<16xf32>,
      %bitcast3A_1229 = vector.bitcast %get3A_1228 : vector<16xf32> to vector<16xi32>
      %add3A_1230 = arith.constant 32767 : i32
      %add3A_1231 = vector.broadcast %add3A_1230 : i32 to vector<16xi32>
      %add3A_1232 = arith.addi %bitcast3A_1229, %add3A_1231 : vector<16xi32>
      %shift_right_arithmetic3A_1233 = arith.constant 16 : i32
      %shift_right_arithmetic3A_1234 = vector.broadcast %shift_right_arithmetic3A_1233 : i32 to vector<16xi32>
      %shift_right_arithmetic3A_1235 = arith.shrsi %bitcast3A_1229, %shift_right_arithmetic3A_1234 : vector<16xi32>
      %and3A_1236 = arith.constant 1 : i32
      %and3A_1237 = vector.broadcast %and3A_1236 : i32 to vector<16xi32>
      %and3A_1238 = arith.andi %shift_right_arithmetic3A_1235, %and3A_1237 : vector<16xi32>
      %add3A_1239 = arith.addi %add3A_1232, %and3A_1238 : vector<16xi32>
      %and3A_1240 = arith.constant -65536 : i32
      %and3A_1241 = vector.broadcast %and3A_1240 : i32 to vector<16xi32>
      %and3A_1242 = arith.andi %add3A_1239, %and3A_1241 : vector<16xi32>
      %bitcast3A_1243 = vector.bitcast %and3A_1242 : vector<16xi32> to vector<16xf32>
      %mul3A_1244 = arith.mulf %bitcast3A_1226, %bitcast3A_1243 : vector<16xf32>
      %add3A_1245 = arith.addf %add3A_1192, %mul3A_1244 : vector<16xf32>
      %get3A_1246 = arith.constant 240 : index
      %get3A_1247 = tpu.vector_load %arg19[%get3A_1246] {strides = array<i32>} : memref<272xf32, #tpu.memory_space<vmem>>, vector<16xf32>,
      %bitcast3A_1248 = vector.bitcast %get3A_1247 : vector<16xf32> to vector<16xi32>
      %add3A_1249 = arith.constant 32767 : i32
      %add3A_1250 = vector.broadcast %add3A_1249 : i32 to vector<16xi32>
      %add3A_1251 = arith.addi %bitcast3A_1248, %add3A_1250 : vector<16xi32>
      %shift_right_arithmetic3A_1252 = arith.constant 16 : i32
      %shift_right_arithmetic3A_1253 = vector.broadcast %shift_right_arithmetic3A_1252 : i32 to vector<16xi32>
      %shift_right_arithmetic3A_1254 = arith.shrsi %bitcast3A_1248, %shift_right_arithmetic3A_1253 : vector<16xi32>
      %and3A_1255 = arith.constant 1 : i32
      %and3A_1256 = vector.broadcast %and3A_1255 : i32 to vector<16xi32>
      %and3A_1257 = arith.andi %shift_right_arithmetic3A_1254, %and3A_1256 : vector<16xi32>
      %add3A_1258 = arith.addi %add3A_1251, %and3A_1257 : vector<16xi32>
      %and3A_1259 = arith.constant -65536 : i32
      %and3A_1260 = vector.broadcast %and3A_1259 : i32 to vector<16xi32>
      %and3A_1261 = arith.andi %add3A_1258, %and3A_1260 : vector<16xi32>
      %bitcast3A_1262 = vector.bitcast %and3A_1261 : vector<16xi32> to vector<16xf32>
      %mul3A_1263 = arith.mulf %bitcast3A_1226, %bitcast3A_1262 : vector<16xf32>
      %add3A_1264 = arith.addf %add3A_1211, %mul3A_1263 : vector<16xf32>
      %reduce_sum3A = arith.constant true
      %reduce_sum3A_1265 = vector.broadcast %reduce_sum3A : i1 to vector<16xi1>
      %reduce_sum3A_1266 = tpu.scan <sum>, %add3A_1245 masked %reduce_sum3A_1265 : vector<16xf32>, vector<16xi1> -> vector<16xf32>
      %reduce_sum3A_1267 = vector.extract %reduce_sum3A_1266[15] : f32 from vector<16xf32>
      %get3A_1268 = arith.constant 256 : index
      %get3A_1269 = tpu.vector_load %arg19[%get3A_1268] {strides = array<i32>} : memref<272xf32, #tpu.memory_space<vmem>>, vector<16xf32>,
      %slice3A = vector.extract_strided_slice %get3A_1269 {offsets = [0], sizes = [1], strides = [1]} : vector<16xf32> to vector<1xf32>
      %squeeze3A = vector.extract %slice3A[0] : f32 from vector<1xf32>
      %add3A_1270 = arith.addf %reduce_sum3A_1267, %squeeze3A : f32
      %reduce_sum3A_1271 = arith.constant true
      %reduce_sum3A_1272 = vector.broadcast %reduce_sum3A_1271 : i1 to vector<16xi1>
      %reduce_sum3A_1273 = tpu.scan <sum>, %add3A_1264 masked %reduce_sum3A_1272 : vector<16xf32>, vector<16xi1> -> vector<16xf32>
      %reduce_sum3A_1274 = vector.extract %reduce_sum3A_1273[15] : f32 from vector<16xf32>
      %get3A_1275 = arith.constant 256 : index
      %get3A_1276 = tpu.vector_load %arg19[%get3A_1275] {strides = array<i32>} : memref<272xf32, #tpu.memory_space<vmem>>, vector<16xf32>,
      %slice3A_1277 = vector.extract_strided_slice %get3A_1276 {offsets = [1], sizes = [1], strides = [1]} : vector<16xf32> to vector<1xf32>
      %squeeze3A_1278 = vector.extract %slice3A_1277[0] : f32 from vector<1xf32>
      %add3A_1279 = arith.addf %reduce_sum3A_1274, %squeeze3A_1278 : f32
      %eq3A_1280 = arith.constant 0 : i32
      %eq3A_1281 = vector.broadcast %eq3A_1280 : i32 to vector<16xi32>
      %eq3A_1282 = arith.cmpi eq, %iota3A, %eq3A_1281 : vector<16xi32>
      %broadcast_in_dim3A_1283 = vector.broadcast %add3A_1270 : f32 to vector<16xf32>
      %eq3A_1284 = arith.constant 1 : i32
      %eq3A_1285 = vector.broadcast %eq3A_1284 : i32 to vector<16xi32>
      %eq3A_1286 = arith.cmpi eq, %iota3A, %eq3A_1285 : vector<16xi32>
      %broadcast_in_dim3A_1287 = vector.broadcast %add3A_1279 : f32 to vector<16xf32>
      %broadcast_in_dim3A_1288 = arith.constant 0.000000e+00 : f32
      %broadcast_in_dim3A_1289 = vector.broadcast %broadcast_in_dim3A_1288 : f32 to vector<16xf32>
      %select_n3A_1290 = arith.select %eq3A_1286, %broadcast_in_dim3A_1287, %broadcast_in_dim3A_1289 : vector<16xi1>, vector<16xf32>
      %select_n3A_1291 = arith.select %eq3A_1282, %broadcast_in_dim3A_1283, %select_n3A_1290 : vector<16xi1>, vector<16xf32>
      %swap3A_1292 = arith.constant 0 : index
      %swap3A_1293 = tpu.vector_load %arg20[%swap3A_1292] {strides = array<i32>} : memref<16xf32, #tpu.memory_space<vmem>>, vector<16xf32>,
      tpu.vector_store %arg20[%swap3A_1292], %select_n3A_1291 {strides = array<i32>} : memref<16xf32, #tpu.memory_space<vmem>>, vector<16xf32>,
      "tpu.region"() ({
        %run_scoped3A = tpu.sem_alloc : memref<!tpu.dma_semaphore, #tpu.memory_space<semaphore_mem>>
        %dma_start3A_1294 = arith.constant 0 : i32
        %dma_start3A_1295 = tpu.memref_slice %arg5[%add3A_30, %dma_start3A_1294] : memref<8x64xi32, #tpu.memory_space<hbm>> -> memref<1x64xi32, #tpu.memory_space<hbm>>
        %dma_start3A_1296 = tpu.memref_squeeze %dma_start3A_1295 : memref<1x64xi32, #tpu.memory_space<hbm>> -> memref<64xi32, #tpu.memory_space<hbm>>
        %dma_start3A_1297 = arith.constant 0 : i32
        %dma_start3A_1298 = tpu.memref_slice %arg5[%add3A_30, %dma_start3A_1297] : memref<8x64xi32, #tpu.memory_space<hbm>> -> memref<1x64xi32, #tpu.memory_space<hbm>>
        %dma_start3A_1299 = tpu.memref_squeeze %dma_start3A_1298 : memref<1x64xi32, #tpu.memory_space<hbm>> -> memref<64xi32, #tpu.memory_space<hbm>>
        tpu.enqueue_dma source(%arg15 : memref<64xi32, #tpu.memory_space<vmem>>) target(%dma_start3A_1299 : memref<64xi32, #tpu.memory_space<hbm>>) target_semaphore(%run_scoped3A : memref<!tpu.dma_semaphore, #tpu.memory_space<semaphore_mem>>)
        %dma_wait3A_1300 = arith.constant 0 : i32
        %dma_wait3A_1301 = tpu.memref_slice %arg5[%add3A_30, %dma_wait3A_1300] : memref<8x64xi32, #tpu.memory_space<hbm>> -> memref<1x64xi32, #tpu.memory_space<hbm>>
        %dma_wait3A_1302 = tpu.memref_squeeze %dma_wait3A_1301 : memref<1x64xi32, #tpu.memory_space<hbm>> -> memref<64xi32, #tpu.memory_space<hbm>>
        %dma_wait3A_1303 = arith.constant 0 : i32
        %dma_wait3A_1304 = tpu.memref_slice %arg5[%add3A_30, %dma_wait3A_1303] : memref<8x64xi32, #tpu.memory_space<hbm>> -> memref<1x64xi32, #tpu.memory_space<hbm>>
        %dma_wait3A_1305 = tpu.memref_squeeze %dma_wait3A_1304 : memref<1x64xi32, #tpu.memory_space<hbm>> -> memref<64xi32, #tpu.memory_space<hbm>>
        tpu.wait_dma2 semaphore(%run_scoped3A : memref<!tpu.dma_semaphore, #tpu.memory_space<semaphore_mem>>) src(%arg15 : memref<64xi32, #tpu.memory_space<vmem>>) dst(%dma_wait3A_1305 : memref<64xi32, #tpu.memory_space<hbm>>)
        tpu.yield
      }) : () -> ()
      "tpu.region"() ({
        %run_scoped3A = tpu.sem_alloc : memref<!tpu.dma_semaphore, #tpu.memory_space<semaphore_mem>>
        %dma_start3A_1294 = arith.constant 0 : i32
        %dma_start3A_1295 = tpu.memref_slice %arg6[%add3A_30, %dma_start3A_1294] : memref<8x128xf32, #tpu.memory_space<hbm>> -> memref<1x128xf32, #tpu.memory_space<hbm>>
        %dma_start3A_1296 = tpu.memref_squeeze %dma_start3A_1295 : memref<1x128xf32, #tpu.memory_space<hbm>> -> memref<128xf32, #tpu.memory_space<hbm>>
        %dma_start3A_1297 = arith.constant 0 : i32
        %dma_start3A_1298 = tpu.memref_slice %arg6[%add3A_30, %dma_start3A_1297] : memref<8x128xf32, #tpu.memory_space<hbm>> -> memref<1x128xf32, #tpu.memory_space<hbm>>
        %dma_start3A_1299 = tpu.memref_squeeze %dma_start3A_1298 : memref<1x128xf32, #tpu.memory_space<hbm>> -> memref<128xf32, #tpu.memory_space<hbm>>
        tpu.enqueue_dma source(%arg18 : memref<128xf32, #tpu.memory_space<vmem>>) target(%dma_start3A_1299 : memref<128xf32, #tpu.memory_space<hbm>>) target_semaphore(%run_scoped3A : memref<!tpu.dma_semaphore, #tpu.memory_space<semaphore_mem>>)
        %dma_wait3A_1300 = arith.constant 0 : i32
        %dma_wait3A_1301 = tpu.memref_slice %arg6[%add3A_30, %dma_wait3A_1300] : memref<8x128xf32, #tpu.memory_space<hbm>> -> memref<1x128xf32, #tpu.memory_space<hbm>>
        %dma_wait3A_1302 = tpu.memref_squeeze %dma_wait3A_1301 : memref<1x128xf32, #tpu.memory_space<hbm>> -> memref<128xf32, #tpu.memory_space<hbm>>
        %dma_wait3A_1303 = arith.constant 0 : i32
        %dma_wait3A_1304 = tpu.memref_slice %arg6[%add3A_30, %dma_wait3A_1303] : memref<8x128xf32, #tpu.memory_space<hbm>> -> memref<1x128xf32, #tpu.memory_space<hbm>>
        %dma_wait3A_1305 = tpu.memref_squeeze %dma_wait3A_1304 : memref<1x128xf32, #tpu.memory_space<hbm>> -> memref<128xf32, #tpu.memory_space<hbm>>
        tpu.wait_dma2 semaphore(%run_scoped3A : memref<!tpu.dma_semaphore, #tpu.memory_space<semaphore_mem>>) src(%arg18 : memref<128xf32, #tpu.memory_space<vmem>>) dst(%dma_wait3A_1305 : memref<128xf32, #tpu.memory_space<hbm>>)
        tpu.yield
      }) : () -> ()
      "tpu.region"() ({
        %run_scoped3A = tpu.sem_alloc : memref<!tpu.dma_semaphore, #tpu.memory_space<semaphore_mem>>
        %dma_start3A_1294 = arith.constant 0 : i32
        %dma_start3A_1295 = tpu.memref_slice %arg7[%add3A_30, %dma_start3A_1294] : memref<8x16xf32, #tpu.memory_space<hbm>> -> memref<1x16xf32, #tpu.memory_space<hbm>>
        %dma_start3A_1296 = tpu.memref_squeeze %dma_start3A_1295 : memref<1x16xf32, #tpu.memory_space<hbm>> -> memref<16xf32, #tpu.memory_space<hbm>>
        %dma_start3A_1297 = arith.constant 0 : i32
        %dma_start3A_1298 = tpu.memref_slice %arg7[%add3A_30, %dma_start3A_1297] : memref<8x16xf32, #tpu.memory_space<hbm>> -> memref<1x16xf32, #tpu.memory_space<hbm>>
        %dma_start3A_1299 = tpu.memref_squeeze %dma_start3A_1298 : memref<1x16xf32, #tpu.memory_space<hbm>> -> memref<16xf32, #tpu.memory_space<hbm>>
        tpu.enqueue_dma source(%arg20 : memref<16xf32, #tpu.memory_space<vmem>>) target(%dma_start3A_1299 : memref<16xf32, #tpu.memory_space<hbm>>) target_semaphore(%run_scoped3A : memref<!tpu.dma_semaphore, #tpu.memory_space<semaphore_mem>>)
        %dma_wait3A_1300 = arith.constant 0 : i32
        %dma_wait3A_1301 = tpu.memref_slice %arg7[%add3A_30, %dma_wait3A_1300] : memref<8x16xf32, #tpu.memory_space<hbm>> -> memref<1x16xf32, #tpu.memory_space<hbm>>
        %dma_wait3A_1302 = tpu.memref_squeeze %dma_wait3A_1301 : memref<1x16xf32, #tpu.memory_space<hbm>> -> memref<16xf32, #tpu.memory_space<hbm>>
        %dma_wait3A_1303 = arith.constant 0 : i32
        %dma_wait3A_1304 = tpu.memref_slice %arg7[%add3A_30, %dma_wait3A_1303] : memref<8x16xf32, #tpu.memory_space<hbm>> -> memref<1x16xf32, #tpu.memory_space<hbm>>
        %dma_wait3A_1305 = tpu.memref_squeeze %dma_wait3A_1304 : memref<1x16xf32, #tpu.memory_space<hbm>> -> memref<16xf32, #tpu.memory_space<hbm>>
        tpu.wait_dma2 semaphore(%run_scoped3A : memref<!tpu.dma_semaphore, #tpu.memory_space<semaphore_mem>>) src(%arg20 : memref<16xf32, #tpu.memory_space<vmem>>) dst(%dma_wait3A_1305 : memref<16xf32, #tpu.memory_space<hbm>>)
        tpu.yield
      }) : () -> ()
    } else {
    }
    return
  }
}

module attributes {stable_mosaic.version = 14 : i64} {
  func.func @_finish_body(%arg0: i32, %arg1: memref<1x512x128xf32, #tpu.memory_space<vmem>>, %arg2: memref<1x512x128xf32, #tpu.memory_space<vmem>>) attributes {dimension_semantics = [#tpu.dimension_semantics<arbitrary>], iteration_bounds = array<i64: 8>, scalar_prefetch = 0 : i64, scratch_operands = 0 : i64, tpu.core_type = #tpu.core_type<tc>, window_params = [{transform_indices = @transform_0, window_bounds = array<i64: 1, 512, 128>}, {transform_indices = @transform_1, window_bounds = array<i64: 1, 512, 128>}]} {
    %get3A = arith.constant 0 : index
    %get3A_0 = arith.constant 0 : index
    %get3A_1 = arith.constant 0 : index
    %get3A_2 = vector.load %arg1[%get3A, %get3A_0, %get3A_1] : memref<1x512x128xf32, #tpu.memory_space<vmem>>, vector<1x512x128xf32>
    %get3A_3 = vector.shape_cast %get3A_2 : vector<1x512x128xf32> to vector<512x128xf32>
    %reduce_max3A = vector.shape_cast %get3A_3 : vector<512x128xf32> to vector<1x512x128xf32>
    %reduce_max3A_4 = arith.constant dense<0xFF800000> : vector<1xf32>
    %reduce_max3A_5 = vector.multi_reduction <maximumf>, %reduce_max3A, %reduce_max3A_4 [1, 2] : vector<1x512x128xf32> to vector<1xf32>
    %reduce_max3A_6 = vector.shape_cast %reduce_max3A_5 : vector<1xf32> to vector<1x1x1xf32>
    %reduce_max3A_7 = vector.extract %reduce_max3A_6[0, 0, 0] : f32 from vector<1x1x1xf32>
    %sub3A = vector.broadcast %reduce_max3A_7 : f32 to vector<512x128xf32>
    %sub3A_8 = arith.subf %get3A_3, %sub3A : vector<512x128xf32>
    %exp3A = math.exp %sub3A_8 : vector<512x128xf32>
    %reduce_sum3A = vector.shape_cast %exp3A : vector<512x128xf32> to vector<1x512x128xf32>
    %reduce_sum3A_9 = arith.constant dense<0.000000e+00> : vector<1xf32>
    %reduce_sum3A_10 = vector.multi_reduction <add>, %reduce_sum3A, %reduce_sum3A_9 [1, 2] : vector<1x512x128xf32> to vector<1xf32>
    %reduce_sum3A_11 = vector.shape_cast %reduce_sum3A_10 : vector<1xf32> to vector<1x1x1xf32>
    %reduce_sum3A_12 = vector.extract %reduce_sum3A_11[0, 0, 0] : f32 from vector<1x1x1xf32>
    %div3A = arith.constant 1.000000e+00 : f32
    %div3A_13 = arith.divf %div3A, %reduce_sum3A_12 : f32
    %mul3A = vector.broadcast %div3A_13 : f32 to vector<512x128xf32>
    %mul3A_14 = arith.mulf %exp3A, %mul3A : vector<512x128xf32>
    %swap3A = arith.constant 0 : index
    %swap3A_15 = arith.constant 0 : index
    %swap3A_16 = arith.constant 0 : index
    %swap3A_17 = vector.load %arg2[%swap3A, %swap3A_15, %swap3A_16] : memref<1x512x128xf32, #tpu.memory_space<vmem>>, vector<1x512x128xf32>
    %swap3A_18 = vector.shape_cast %swap3A_17 : vector<1x512x128xf32> to vector<512x128xf32>
    %swap3A_19 = vector.shape_cast %mul3A_14 : vector<512x128xf32> to vector<1x512x128xf32>
    tpu.vector_store %arg2[%swap3A, %swap3A_15, %swap3A_16], %swap3A_19 {strides = array<i32>} : memref<1x512x128xf32, #tpu.memory_space<vmem>>, vector<1x512x128xf32>,
    return
  }
  func.func @transform_0(%arg0: i32) -> (i32, i32, i32) {
    %c0_i32 = arith.constant 0 : i32
    %c0_i32_0 = arith.constant 0 : i32
    %c0_i32_1 = arith.constant 0 : i32
    return %arg0, %c0_i32, %c0_i32_0 : i32, i32, i32
  }
  func.func @transform_1(%arg0: i32) -> (i32, i32, i32) {
    %c0_i32 = arith.constant 0 : i32
    %c0_i32_0 = arith.constant 0 : i32
    %c0_i32_1 = arith.constant 0 : i32
    return %arg0, %c0_i32, %c0_i32_0 : i32, i32, i32
  }
}

module attributes {stable_mosaic.version = 14 : i64} {
  func.func @_scorer_body(%arg0: i32, %arg1: i32, %arg2: memref<1x32768x128xf32, #tpu.memory_space<vmem>>, %arg3: memref<1x1x1x32768xi32, #tpu.memory_space<vmem>>, %arg4: memref<128x64xf32, #tpu.memory_space<vmem>>, %arg5: memref<2x64xf32, #tpu.memory_space<vmem>>, %arg6: memref<1xf32, #tpu.memory_space<smem>>, %arg7: memref<1x1x1x32768xf32, #tpu.memory_space<vmem>>) attributes {dimension_semantics = [#tpu.dimension_semantics<arbitrary>, #tpu.dimension_semantics<arbitrary>], iteration_bounds = array<i64: 8, 2>, scalar_prefetch = 0 : i64, scratch_operands = 0 : i64, tpu.core_type = #tpu.core_type<tc>, window_params = [{transform_indices = @transform_0, window_bounds = array<i64: 1, 32768, 128>}, {transform_indices = @transform_1, window_bounds = array<i64: 1, 1, 1, 32768>}, {pipeline_mode = #tpu.pipeline_mode<synchronous>, transform_indices = @transform_2, window_bounds = array<i64: 128, 64>}, {pipeline_mode = #tpu.pipeline_mode<synchronous>, transform_indices = @transform_3, window_bounds = array<i64: 2, 64>}, {transform_indices = @transform_4, window_bounds = array<i64: 1>}, {transform_indices = @transform_5, window_bounds = array<i64: 1, 1, 1, 32768>}]} {
    %get3A = arith.constant 0 : index
    %get3A_0 = arith.constant 0 : index
    %get3A_1 = arith.constant 0 : index
    %get3A_2 = vector.load %arg2[%get3A, %get3A_0, %get3A_1] : memref<1x32768x128xf32, #tpu.memory_space<vmem>>, vector<1x32768x128xf32>
    %get3A_3 = vector.shape_cast %get3A_2 : vector<1x32768x128xf32> to vector<32768x128xf32>
    %get3A_4 = arith.constant 0 : index
    %get3A_5 = arith.constant 0 : index
    %get3A_6 = vector.load %arg4[%get3A_4, %get3A_5] : memref<128x64xf32, #tpu.memory_space<vmem>>, vector<128x64xf32>
    %dot_general3A = arith.constant dense<0.000000e+00> : vector<32768x64xf32>
    %dot_general3A_7 = tpu.matmul %get3A_3, %get3A_6, %dot_general3A {dimension_numbers = #tpu.dot_dimension_numbers<[1], [0], [0], [1], [0, 0, 1, 1], [], []>, transpose_lhs_hint = false} : vector<32768x128xf32>, vector<128x64xf32>, vector<32768x64xf32> -> vector<32768x64xf32>
    %get3A_8 = arith.constant 0 : index
    %get3A_9 = arith.constant 0 : index
    %get3A_10 = vector.load %arg5[%get3A_8, %get3A_9] : memref<2x64xf32, #tpu.memory_space<vmem>>, vector<1x64xf32>
    %get3A_11 = vector.shape_cast %get3A_10 : vector<1x64xf32> to vector<64xf32>
    %broadcast_in_dim3A = vector.shape_cast %get3A_11 : vector<64xf32> to vector<1x64xf32>
    %add3A = vector.broadcast %broadcast_in_dim3A : vector<1x64xf32> to vector<32768x64xf32>
    %add3A_12 = arith.addf %dot_general3A_7, %add3A : vector<32768x64xf32>
    %max3A = arith.constant 0.000000e+00 : f32
    %max3A_13 = vector.broadcast %max3A : f32 to vector<32768x64xf32>
    %max3A_14 = arith.maximumf %add3A_12, %max3A_13 : vector<32768x64xf32>
    %get3A_15 = arith.constant 1 : index
    %get3A_16 = arith.constant 0 : index
    %get3A_17 = vector.load %arg5[%get3A_15, %get3A_16] : memref<2x64xf32, #tpu.memory_space<vmem>>, vector<1x64xf32>
    %get3A_18 = vector.shape_cast %get3A_17 : vector<1x64xf32> to vector<64xf32>
    %broadcast_in_dim3A_19 = vector.shape_cast %get3A_18 : vector<64xf32> to vector<1x64xf32>
    %dot_general3A_20 = arith.constant dense<0.000000e+00> : vector<1x32768xf32>
    %dot_general3A_21 = tpu.matmul %broadcast_in_dim3A_19, %max3A_14, %dot_general3A_20 {dimension_numbers = #tpu.dot_dimension_numbers<[1], [1], [0], [0], [0, 0, 1, 0], [], []>, transpose_lhs_hint = false} : vector<1x64xf32>, vector<32768x64xf32>, vector<1x32768xf32> -> vector<1x32768xf32>
    %squeeze3A = vector.shape_cast %dot_general3A_21 : vector<1x32768xf32> to vector<32768xf32>
    %get3A_22 = arith.constant 0 : index
    %get3A_23 = memref.load %arg6[%get3A_22] : memref<1xf32, #tpu.memory_space<smem>>
    %add3A_24 = vector.broadcast %get3A_23 : f32 to vector<32768xf32>
    %add3A_25 = arith.addf %squeeze3A, %add3A_24 : vector<32768xf32>
    %get3A_26 = arith.constant 0 : index
    %get3A_27 = arith.constant 0 : index
    %get3A_28 = arith.constant 0 : index
    %get3A_29 = arith.constant 0 : index
    %get3A_30 = vector.load %arg3[%get3A_26, %get3A_27, %get3A_28, %get3A_29] : memref<1x1x1x32768xi32, #tpu.memory_space<vmem>>, vector<1x1x1x32768xi32>
    %get3A_31 = vector.shape_cast %get3A_30 : vector<1x1x1x32768xi32> to vector<32768xi32>
    %eq3A = arith.constant 0 : i32
    %eq3A_32 = vector.broadcast %eq3A : i32 to vector<32768xi32>
    %eq3A_33 = arith.cmpi eq, %get3A_31, %eq3A_32 : vector<32768xi32>
    %jit3A = arith.constant -1.000000e+09 : f32
    %broadcast_in_dim3A_34 = vector.broadcast %jit3A : f32 to vector<32768xf32>
    %select_n3A = arith.select %eq3A_33, %broadcast_in_dim3A_34, %add3A_25 : vector<32768xi1>, vector<32768xf32>
    %swap3A = arith.constant 0 : index
    %swap3A_35 = arith.constant 0 : index
    %swap3A_36 = arith.constant 0 : index
    %swap3A_37 = arith.constant 0 : index
    %swap3A_38 = vector.load %arg7[%swap3A, %swap3A_35, %swap3A_36, %swap3A_37] : memref<1x1x1x32768xf32, #tpu.memory_space<vmem>>, vector<1x1x1x32768xf32>
    %swap3A_39 = vector.shape_cast %swap3A_38 : vector<1x1x1x32768xf32> to vector<32768xf32>
    %swap3A_40 = vector.shape_cast %select_n3A : vector<32768xf32> to vector<1x1x1x32768xf32>
    tpu.vector_store %arg7[%swap3A, %swap3A_35, %swap3A_36, %swap3A_37], %swap3A_40 {strides = array<i32>} : memref<1x1x1x32768xf32, #tpu.memory_space<vmem>>, vector<1x1x1x32768xf32>,
    return
  }
  func.func @transform_0(%arg0: i32, %arg1: i32) -> (i32, i32, i32) {
    %c0_i32 = arith.constant 0 : i32
    %c0_i32_0 = arith.constant 0 : i32
    return %arg0, %arg1, %c0_i32 : i32, i32, i32
  }
  func.func @transform_1(%arg0: i32, %arg1: i32) -> (i32, i32, i32, i32) {
    %c0_i32 = arith.constant 0 : i32
    %c0_i32_0 = arith.constant 0 : i32
    %c0_i32_1 = arith.constant 0 : i32
    return %arg0, %arg1, %c0_i32, %c0_i32_0 : i32, i32, i32, i32
  }
  func.func @transform_2(%arg0: i32, %arg1: i32) -> (i32, i32) {
    %c0_i32 = arith.constant 0 : i32
    %c0_i32_0 = arith.constant 0 : i32
    %c0_i32_1 = arith.constant 0 : i32
    return %c0_i32, %c0_i32_0 : i32, i32
  }
  func.func @transform_3(%arg0: i32, %arg1: i32) -> (i32, i32) {
    %c0_i32 = arith.constant 0 : i32
    %c0_i32_0 = arith.constant 0 : i32
    %c0_i32_1 = arith.constant 0 : i32
    return %c0_i32, %c0_i32_0 : i32, i32
  }
  func.func @transform_4(%arg0: i32, %arg1: i32) -> i32 {
    %c0_i32 = arith.constant 0 : i32
    %c0_i32_0 = arith.constant 0 : i32
    return %c0_i32 : i32
  }
  func.func @transform_5(%arg0: i32, %arg1: i32) -> (i32, i32, i32, i32) {
    %c0_i32 = arith.constant 0 : i32
    %c0_i32_0 = arith.constant 0 : i32
    %c0_i32_1 = arith.constant 0 : i32
    return %arg0, %arg1, %c0_i32, %c0_i32_0 : i32, i32, i32, i32
  }
}

</mosaic_0001>

<sc_bundles>
// kernel: kernel.5.cloned.1.call-start
scs
__scs_entry_jumppad:
0x0: {  	(pc) =	sbr.rel $0x88, $3  }
0x1: {  	(tag) =	ssettag $0x0;
	lr =	simm.s32 $0x1  }
0x2: {  	[smem:$0x3F99] =	sst lr;
	_ =	strace $0xD0000000  }
0x3: {  	_ = 	snop  }
0x4: {  	_ = 	snop  }
0x5: {  	_ = 	snop  }
0x6: {  	_ = 	snop  }
0x7: {  	_ = 	snop  }
__scs_overlays_trampoline_lowered:
0x8: {  	[smem:$0x3FA8] =	sst s0  }
0x9: {  	[smem:$0x3FA9] =	sst s1  }
0xa: {  	[smem:$0x3FAA] =	sst s2  }
0xb: {  	[smem:$0x3FAB] =	sst s3  }
0xc: {  	[smem:$0x3FAC] =	sst s4  }
0xd: {  	[smem:$0x3FAD] =	sst s5  }
0xe: {  	[smem:$0x3FAE] =	sst s6  }
0xf: {  	[smem:$0x3FAF] =	sst s7  }
0x10: {  	[smem:$0x3FB0] =	sst s8  }
0x11: {  	[smem:$0x3FB1] =	sst s9;
	s0 =	simm.s32 @!p0 $0x0  }
0x12: {  	s1 =	sld [smem:$0x3F97];
	s0 =	simm.s32 @p0 $0x1  }
0x13: {  	[smem:$0x3FB2] =	sst s0;
	s0 =	simm.s32 @!p1 $0x0  }
0x14: {  	s2 =	sld [smem:$0x3F96];
	s0 =	simm.s32 @p1 $0x1  }
0x15: {  	[smem:$0x3FB3] =	sst s0;
	s0 =	simm.s32 @!p2 $0x0  }
0x16: {  	s3 =	sld [smem:$0x3FDB];
	s0 =	simm.s32 @p2 $0x1  }
0x17: {  	s4 =	simm.s32 $0x1BF5;
	[smem:$0x3FB5] =	sst s0  }
0x18: {  	s0 =	sld [smem:$0x3F98];
	_ =	swait.ge [sflag:s4], $0x0  }
0x19: {  	s7 =	sld [smem:$0x3F99]  }
0x1a: {  	s8 =	sadd.s32 $0xFFFFE003, lr  }
0x1b: {  	s9 =	sadd.s32 $0xFFFFFEF7, lr;
	s5 =	simm.s32 $0xFFFFFFFF;
	p2 =	slt.u32 s8, $0xFFFFF086  }
0x1c: {  	p1 =	slt.u32 s9, $0xF7A;
	s5 =	simm.s32 @!p2 $0x0  }
0x1d: {  	s5 =	simm.s32 @p1 $0x1;
	p0 =	seq.s32 s7, s2  }
0x1e: {  	s7 =	smul.u32 @!p0 $0xF7A, s2;
	p2 =	seq.s32 @!p0 s5, $0x0  }
0x1f: {  	s9 =	smul.u32 $0xF7A, s1;
	s8 =	simm.s32 @!p0 $0x1BF5;
	p2 =	por !p2, p0  }
0x20: {  	[sflag:s8] =	ssyncset.s32 @!p0 $0xFFFFF086;
	s6 =	sadd.s32 @!p0 s3, s7;
	s7 =	simm.s32 @!p0 $0x108  }
0x21: {  	s3 =	sadd.s32 s3, s9;
	s6 =	sadd.s32 @!p0 $0x88, s6;
	s7 =	simm.s32 @p2 $0x1082  }
0x22: {  	[simem:s7], [sflag:s8] =	dma.local @!p0 [hbm:s6], $0xF7A  }
0x23: {  	s9 =	sor.u32 $0xD0000000, s2;
	s6 =	simm.s32 $0x108;
	_ =	swait.ge @!p0 [sflag:s8], $0x0  }
0x24: {  	s3 =	sadd.s32 $0x88, s3;
	s6 =	simm.s32 @!p1 $0x1082;
	[sflag:s4] =	ssyncset.s32 $0xFFFFF086  }
0x25: {  	[simem:s6], [sflag:s4] =	dma.local [hbm:s3], $0xF7A  }
0x26: {  	[smem:$0x3F99] =	sst s1;
	(tag) =	ssettag s2;
	_ =	strace s9  }
0x27: {  	s1 =	sld [smem:$0x3FA9]  }
0x28: {  	s2 =	sld [smem:$0x3FAA]  }
0x29: {  	s4 =	sld [smem:$0x3FAC]  }
0x2a: {  	p0 =	seq.s32 s5, $0x0;
	s5 =	sld [smem:$0x3FAD]  }
0x2b: {  	s6 =	sld [smem:$0x3FAE]  }
0x2c: {  	s7 =	sld [smem:$0x3FAF]  }
0x2d: {  	s3 =	simm.s32 $0x108;
	s8 =	sld [smem:$0x3FB0]  }
0x2e: {  	s3 =	simm.s32 @!p0 $0x1082;
	s9 =	sld [smem:$0x3FB1]  }
0x2f: {  	lr =	sadd.s32 s0, s3;
	s0 =	sld [smem:$0x3FA8]  }
0x30: {  	s3 =	sld [smem:$0x3FAB]  }
0x31: {  	[smem:$0x3FB4] =	sst s10  }
0x32: {  	s10 =	sld [smem:$0x3FB2];
	_ =	sdelay $0x3  }
0x33: {  	p0 =	seq.s32 s10, $0x1;
	s10 =	sld [smem:$0x3FB4];
	_ =	sdelay $0x3  }
0x34: {  	[smem:$0x3FB4] =	sst s10  }
0x35: {  	s10 =	sld [smem:$0x3FB3];
	_ =	sdelay $0x3  }
0x36: {  	p1 =	seq.s32 s10, $0x1;
	s10 =	sld [smem:$0x3FB4];
	_ =	sdelay $0x3  }
0x37: {  	[smem:$0x3FB4] =	sst s10  }
0x38: {  	s10 =	sld [smem:$0x3FB5]  }
0x39: {  	_ = 	snop;
	(pc) =	sbr.ind lr, $3  }
0x3a: {  	_ = 	snop  }
0x3b: {  	_ = 	snop  }
0x3c: {  	p2 =	seq.s32 s10, $0x1;
	s10 =	sld [smem:$0x3FB4]  }
0x3d: {  	_ =	shalt  }
0x3e: {  	_ =	shalt  }
0x3f: {  	_ =	shalt  }
0x40: {  	_ =	shalt  }
0x41: {  	_ =	shalt  }
0x42: {  	_ =	shalt  }
0x43: {  	_ =	shalt  }
0x44: {  	_ =	shalt  }
0x45: {  	_ =	shalt  }
0x46: {  	_ =	shalt  }
0x47: {  	_ =	shalt  }
0x48: {  	_ =	shalt  }
0x49: {  	_ =	shalt  }
0x4a: {  	_ =	shalt  }
0x4b: {  	_ =	shalt  }
0x4c: {  	_ =	shalt  }
0x4d: {  	_ =	shalt  }
0x4e: {  	_ =	shalt  }
0x4f: {  	_ =	shalt  }
0x50: {  	_ =	shalt  }
0x51: {  	_ =	shalt  }
0x52: {  	_ =	shalt  }
0x53: {  	_ =	shalt  }
0x54: {  	_ =	shalt  }
0x55: {  	_ =	shalt  }
0x56: {  	_ =	shalt  }
0x57: {  	_ =	shalt  }
0x58: {  	_ =	shalt  }
0x59: {  	_ =	shalt  }
0x5a: {  	_ =	shalt  }
0x5b: {  	_ =	shalt  }
0x5c: {  	_ =	shalt  }
0x5d: {  	_ =	shalt  }
0x5e: {  	_ =	shalt  }
0x5f: {  	_ =	shalt  }
0x60: {  	_ =	shalt  }
0x61: {  	_ =	shalt  }
0x62: {  	_ =	shalt  }
0x63: {  	_ =	shalt  }
0x64: {  	_ =	shalt  }
0x65: {  	_ =	shalt  }
0x66: {  	_ =	shalt  }
0x67: {  	_ =	shalt  }
0x68: {  	_ =	shalt  }
0x69: {  	_ =	shalt  }
0x6a: {  	_ =	shalt  }
0x6b: {  	_ =	shalt  }
0x6c: {  	_ =	shalt  }
0x6d: {  	_ =	shalt  }
0x6e: {  	_ =	shalt  }
0x6f: {  	_ =	shalt  }
0x70: {  	_ =	shalt  }
0x71: {  	_ =	shalt  }
0x72: {  	_ =	shalt  }
0x73: {  	_ =	shalt  }
0x74: {  	_ =	shalt  }
0x75: {  	_ =	shalt  }
0x76: {  	_ =	shalt  }
0x77: {  	_ =	shalt  }
0x78: {  	_ =	shalt  }
0x79: {  	_ =	shalt  }
0x7a: {  	_ =	shalt  }
0x7b: {  	_ =	shalt  }
0x7c: {  	_ =	shalt  }
0x7d: {  	_ =	shalt  }
0x7e: {  	_ =	shalt  }
0x7f: {  	_ =	shalt  }
0x80: {  	_ =	shalt  }
0x81: {  	_ =	shalt  }
0x82: {  	_ =	shalt  }
0x83: {  	_ =	shalt  }
0x84: {  	_ =	shalt  }
0x85: {  	_ =	shalt  }
0x86: {  	_ =	shalt  }
0x87: {  	_ =	shalt  }
.Lfunc_end0:
.L_simem_size_0:
called_computation_lowered:
.L_overlay_start_0:
0x88: {  	s2 =	sld [smem:$0x3FD9]  }
0x89: {  	s3 =	sld [smem:$0x3FFE];
	_ =	sdelay $0x1  }
0x8a: {  	s1 =	srdreg.scid  }
0x8b: {  	s0 =	sand.u32 $0x1, s1  }
0x8c: {  	s14 =	sshll.u32 s0, $0xA;
	s2 =	sadd.s32 s3, s2  }
0x8d: {  	s2 =	sadd.s32 s2, s14  }
0x8e: {  	[smem:$0x3FC0] =	sst s2  }
0x8f: {  	_ = 	snop  }
0x90: {  	s2 =	sld [smem:$0x3FD0];
	_ =	sdelay $0x2  }
0x91: {  	s4 =	simm.s32 $0xA;
	s5 =	simm.s32 $0x10;
	s15 =	sld [smem:$0x3FC9]  }
0x92: {  	[smem:s5], [sflag:s4] =	dma.local [hbm:s2], $0x1  }
0x93: {  	_ =	swait.eq [sflag:s4], $0x1  }
0x94: {  	s16 =	sld [smem:$0x10];
	[sflag:s4] =	ssyncset.done $0x0  }
0x95: {  	s17 =	sld [smem:$0x12];
	[sflag:s4] =	ssyncadd.s32 $0xFFFFFFFF  }
0x96: {  	s18 =	sld [smem:$0x13];
	(tm) =	ssettm $0x1  }
0x97: {  	s6 =	sld [smem:$0x3FFB];
	_ =	sdelay $0x3  }
0x98: {  	_ =	strace s6  }
0x99: {  	s6 =	sld [smem:$0x3FFC];
	_ =	sdelay $0x3  }
0x9a: {  	_ =	strace s6  }
0x9b: {  	s6 =	sld [smem:$0x3FFD];
	_ =	sdelay $0x3  }
0x9c: {  	_ =	strace s6  }
0x9d: {  	_ =	strace $0x8FFFFFFF  }
0x9e: {  	s19 =	sld [smem:$0x3FDB];
	_ =	sdelay $0x1  }
0x9f: {  	s7 =	simm.s32 $_scs_section_size  }
0xa0: {  	s8 =	simm.s32 $_size__tile_overlayer_lowered;
	s9 =	simm.s32 $_tile_overlayer_lowered  }
0xa1: {  	s22 =	simm.s32 $0x1BFF;
	s21 =	sshll.u32 s9, $0x1;
	s6 =	sadd.s32 s7, s19  }
0xa2: {  	s10 =	simm.s32 $0x0;
	s20 =	sshll.u32 s8, $0x1;
	s8 =	sadd.s32 s21, s6  }
0xa3: {  	[timem:s10], [sflag:s22] =	dma.local [hbm:s8], s20  }
0xa4: {  	_ =	swait.ge [sflag:s22], s20  }
0xa5: {  	s7 =	ssub.s32 $0x0, s20;
	[sflag:s22] =	ssyncset.done $0x0  }
0xa6: {  	[sflag:s22] =	ssyncadd.s32 s7;
	_ =	sdelay $0x1  }
0xa7: {  	s23 =	simm.s32 $0x1B8B  }
0xa8: {  	_ =	swait.ge [sflag:s23], $0x1  }
0xa9: {  	[sflag:s23] =	ssyncset.done $0x0  }
0xaa: {  	s25 =	simm.s32 $0x1B8E;
	s24 =	sld [smem:$0x3FFE];
	[sflag:s23] =	ssyncadd.s32 $0xFFFFFFFF  }
0xab: {  	s26 =	simm.s32 $execute0_lowered;
	[smem:$0x3FD2] =	sst s25  }
0xac: {  	s8 =	sshll.u32 s26, $0x1;
	_ =	strace $0x80000046;
	[dreg:$0x1] =	wrdreg $0xFFFFFFFF  }
0xad: {  	s28 =	simm.s32 $_size_execute0_lowered;
	s6 =	sadd.s32 s6, s8;
	[dreg:$0x0] =	wrdreg $0x0  }
0xae: {  	s8 =	sshll.u32 s28, $0x1;
	[dreg:$0x2] =	wrdreg s6  }
0xaf: {  	[dreg:$0x3] =	wrdreg s8  }
0xb0: {  	[dreg:$0x4] =	wrdreg $0xC0  }
0xb1: {  	_ =	task [dreg:s10], $0x5FFFF  }
0xb2: {  	[dreg:$0x1] =	wrdreg $0xFFFFFFFF  }
0xb3: {  	[dreg:$0x0] =	wrdreg $0x60  }
0xb4: {  	[dreg:$0x2] =	wrdreg s24  }
0xb5: {  	[dreg:$0x3] =	wrdreg s15  }
0xb6: {  	[dreg:$0x4] =	wrdreg s17  }
0xb7: {  	[dreg:$0x5] =	wrdreg s18  }
0xb8: {  	[dreg:$0x6] =	wrdreg s16  }
0xb9: {  	[dreg:$0x7] =	wrdreg $0x145500  }
0xba: {  	[dreg:$0x8] =	wrdreg $0x9  }
0xbb: {  	_ =	task.clear_ibuf [dreg:s10], $0x9FFFF;
	_ =	strace $0x90000046  }
0xbc: {  	s29 =	simm.s32 $0x9;
	_ =	strace $0x80000048  }
0xbd: {  	_ =	swait.ge [sflag:s29], $0x1  }
0xbe: {  	[sflag:s29] =	ssyncadd.s32 $0xFFFFFFFF  }
0xbf: {  	_ =	strace $0x90000048  }
0xc0: {  	_ =	sfence  }
0xc1: {  	s30 =	sld [smem:$0x0];
	_ =	sdelay $0x2  }
0xc2: {  	s31 =	sshll.u32 s1, $0xD;
	s1 =	sshrl.u32 s1, $0x2  }
0xc3: {  	s3 =	sand.u32 $0x4000, s31;
	s1 =	sadd.s32 s1, s30  }
0xc4: {  	s0 =	sor.u32 s3, s0;
	s1 =	sshll.u32 s1, $0x11  }
0xc5: {  	s0 =	sor.u32 s1, s0  }
0xc6: {  	s0 =	sadd.s32 $0x8F2B, s0  }
0xc7: {  	[sflag:s0] =	ssyncadd.remote.s32 $0x1  }
0xc8: {  	_ =	sfence.sel $0xFFFF  }
0xc9: {  	[dreg:$0x0] =	wrdreg $0xFFFFFFFF;
	(pc) =	sbr.abs _section_cstart, $3  }
0xca: {  	[dreg:$0x1] =	wrdreg $0xFFFFFFFF  }
0xcb: {  	_ =	task.clear_ibuf [dreg:s10], $0x2FFFF;
	_ =	strace $0x9FFFFFFF  }
0xcc: {  	(tm) =	ssettm $0x7FFFFFFF  }
0xcd: {  	_ =	shalt  }
tec
execute0_lowered:
.L_overlay_start_1:
0x0: {  	(tag) =	ssettag $0x1  }
0x1: {  	s0 =	rddreg [dreg:$0x0]  }
0x2: {  	s3 =	rddreg [dreg:$0x3]  }
0x3: {  	s12 =	rddreg [dreg:$0x4]  }
0x4: {  	s9 =	rddreg [dreg:$0x5];
	s5 =	srdreg.scid  }
0x5: {  	s4 =	simm.s32 $0x0;
	s1 =	stileid.u32;
	s18 =	simm.s32 $0x2  }
0x6: {  	s19 =	simm.s32 $0x14000;
	s20 =	simm.s32 $0x14400;
	s21 =	simm.s32 $0x14AA0  }
0x7: {  	s28 =	simm.s32 $0x16B20;
	s29 =	simm.s32 $0x16CB0;
	s30 =	simm.s32 $0x0  }
0x8: {  	s5 =	sand.u32 $0x1, s5;
	[smem:$0x7FF] =	sst s4;
	s6 =	sshrl.u32 s1, $0x2  }
0x9: {  	s22 =	sadd.s32 $0x1600, s0;
	s14 =	sand.u32 $0x3, s1;
	s24 =	smul.u32 $0x440, s1  }
0xa: {  	s7 =	sshll.u32 s5, $0x2;
	_ =	strace $0x80000047;
	s5 =	ssub.s32 $0x2, s5  }
0xb: {  	s23 =	sshll.u32 s14, $0xE;
	s16 =	smul.u32 $0x1100, s6;
	p0 =	sne.s32 s14, $0x0  }
0xc: {  	s14 =	simm.s32 $0x10000;
	s10 =	sor.u32 s6, s7;
	s11 =	sshrl.u32 s5, $0x1  }
0xd: {  	s8 =	sshll.u32 s10, $0x3;
	s13 =	ssub.s32 s5, s11;
	s5 =	sshll.u32 s10, $0x10  }
0xe: {  	v0 =	vlaneseq.u32;
	vm0 =	vmmov $0x1;
	vm1 =	vmmov $0x3;
	s15 =	sshll.u32 s10, $0xD;
	s11 =	sshrl.u32 s24, $0x2;
	s25 =	sshrl.u32 s16, $0x2  }
0xf: {  	vm2 =	vmmov $0x7;
	vm3 =	vmmov $0xf;
	vm4 =	vmmov $0x1f;
	s26 =	sshll.u32 s10, $0x4;
	s31 =	sshll.u32 s10, $0x1;
	s16 =	simm.s32 $0x14440  }
0x10: {  	vm5 =	vmmov $0x3f;
	vm6 =	vmmov $0x7f;
	vm7 =	vmmov $0xff;
	s24 =	simm.s32 $0x14B20;
	s0 =	sadd.s32 s8, s0;
	s8 =	sor.u32 s23, s5  }
.Ltmp0:
0x11: {  	vm8 =	vmmov $0x1ff;
	vm9 =	vmmov $0x3ff;
	vm10 =	vmmov $0x7ff;
	s6 =	sadd.s32 s22, s15;
	s12 =	sadd.s32 s12, s31;
	(pc) =	sbr.rel .LBB2_1-.Ltmp0, $4  }
0x12: {  	vm11 =	vmmov $0xfff;
	vm12 =	vmmov $0x1fff;
	vm14 =	vmmov $0x7fff;
	s13 =	smax.u32 s13, $0x1;
	s15 =	simm.s32 $0x3;
	s8 =	sshrl.u32 s8, $0x3  }
0x13: {  	v6 =	vimm.f32 $-3.000000010e+38;
	v7 =	vimm.s32 $0x0;
	v1 =	vor.u32 $0x80000030, v0;
	s23 =	simm.s32 $0x40;
	s10 =	sadd.s32 $0x11600, s0;
	s7 =	sadd.s32 s22, s8  }
0x14: {  	v2 =	vor.u32 $0x80000020, v0;
	v3 =	vor.u32 $0x80000010, v0;
	v7 =	vsel vm14, $0xFFFFFFFF, v7;
	s8 =	sadd.s32 s11, s9;
	s9 =	sadd.s32 s25, s9;
	s11 =	sadd.s32 s3, s26  }
0x15: {  	vm13 =	vmmov $0x3fff;
	v4 =	vor.u32 $0x80000000, v0;
	v5 =	vmul.u32 $0x10, v0;
	[tilespmem:$0x1FFF0] =	vst v7;
	s22 =	simm.s32 $0x14AE0;
	s25 =	simm.s32 $0x1;
	s26 =	simm.s32 $0x16BA0  }
.LBB2_38:
0x16: {  	_ =	sdelay $0x3  }
0x17: {  	v33 =	vor.u32 s3, v0;
	v32 =	vld.idx.msk [tilespmem:v32+s24+$0x0], $0xffff  }
0x18: {  	v9 =	vor.u32 s3, v9;
	v27 =	vld.idx.msk [tilespmem:v27+s24+$0x0], $0xffff  }
0x19: {  	v10 =	vor.u32 s3, v10;
	v25 =	vld.idx.msk [tilespmem:v25+s24+$0x0], $0xffff  }
0x1a: {  	v11 =	vor.u32 s3, v11;
	v26 =	vld.idx.msk [tilespmem:v26+s24+$0x0], $0xffff  }
0x1b: {  	v12 =	vor.u32 s3, v12;
	v29 =	vld.idx.msk [tilespmem:v29+s24+$0x0], $0xffff  }
0x1c: {  	v13 =	vor.u32 s3, v13;
	v33 =	vld.idx.msk [tilespmem:v33+s24+$0x0], $0xffff  }
0x1d: {  	v14 =	vor.u32 s3, v14;
	v9 =	vld.idx.msk [tilespmem:v9+s24+$0x0], $0xffff  }
0x1e: {  	v7 =	vor.u32 s3, v7;
	v16 =	vadd.f32 v17, v16;
	v10 =	vld.idx.msk [tilespmem:v10+s24+$0x0], $0xffff  }
0x1f: {  	v41 =	vadd.f32 v18, v28;
	v42 =	vadd.f32 v30, v20;
	v11 =	vld.idx.msk [tilespmem:v11+s24+$0x0], $0xffff  }
0x20: {  	v19 =	vadd.f32 v19, v24;
	v43 =	vadd.f32 v31, v21;
	v12 =	vld.idx.msk [tilespmem:v12+s24+$0x0], $0xffff  }
0x21: {  	v44 =	vadd.f32 v32, v22;
	v13 =	vld.idx.msk [tilespmem:v13+s24+$0x0], $0xffff;
	v18 =	vadd.f32 v33, v42  }
0x22: {  	v45 =	vadd.f32 v27, v23;
	v14 =	vld.idx.msk [tilespmem:v14+s24+$0x0], $0xffff;
	v9 =	vadd.f32 v9, v43  }
0x23: {  	v7 =	vld.idx.msk [tilespmem:v7+s24+$0x0], $0xffff;
	v16 =	vadd.f32 v25, v16;
	v10 =	vadd.f32 v10, v44;
	v18 =	vmul.f32 $1.562500000e-02, v18  }
0x24: {  	v17 =	vadd.f32 v26, v41;
	v11 =	vadd.f32 v11, v45;
	v9 =	vmul.f32 $1.562500000e-02, v9  }
0x25: {  	v19 =	vadd.f32 v29, v19;
	v12 =	vadd.f32 v12, v16;
	v10 =	vmul.f32 $1.562500000e-02, v10;
	[tilespmem:$0x16B20] =	vst v18  }
0x26: {  	v8 =	vadd.f32 v15, v8;
	v13 =	vadd.f32 v13, v17;
	v11 =	vmul.f32 $1.562500000e-02, v11;
	[tilespmem:$0x16B30] =	vst v9  }
0x27: {  	v14 =	vadd.f32 v14, v19;
	v12 =	vmul.f32 $1.562500000e-02, v12;
	[tilespmem:$0x16B40] =	vst v10  }
0x28: {  	v7 =	vadd.f32 v7, v8;
	v13 =	vmul.f32 $1.562500000e-02, v13;
	[tilespmem:$0x16B50] =	vst v11  }
0x29: {  	v8 =	vmul.f32 $1.562500000e-02, v14;
	[tilespmem:$0x16B60] =	vst v12  }
0x2a: {  	v7 =	vmul.f32 $1.562500000e-02, v7;
	[tilespmem:$0x16B70] =	vst v13  }
0x2b: {  	[tilespmem:$0x16B80] =	vst v8  }
0x2c: {  	s0 =	rddreg [dreg:$0x2];
	[tilespmem:$0x16B90] =	vst v7  }
0x2d: {  	[tilespmem:s26], [sflag:$0x3] =	stream.linear.gather [hbm4b:s0+s4], $0x110, $0x38;
	[tilespmem:$0x16CC0] =	vst v63  }
0x2e: {  	_ =	swait.ge [sflag:s15], $0x110  }
0x2f: {  	[sflag:s15] =	ssyncset.done $0x0  }
0x30: {  	[sflag:s15] =	ssyncadd.s32 $0xFFFFFEF0  }
0x31: {  	v46 =	vld [tilespmem:$0x16BA0]  }
0x32: {  	v47 =	vld [tilespmem:$0x16C20]  }
0x33: {  	v50 =	vld [tilespmem:$0x16BB0]  }
0x34: {  	v54 =	vld [tilespmem:$0x16C30]  }
0x35: {  	v55 =	vld [tilespmem:$0x16BC0]  }
0x36: {  	v61 =	vld [tilespmem:$0x16C40]  }
0x37: {  	v63 =	vld [tilespmem:$0x16BD0]  }
0x38: {  	v24 =	vld [tilespmem:$0x16C50]  }
0x39: {  	v48 =	vshrl.u32 v18, $0x10;
	v27 =	vld [tilespmem:$0x16BE0]  }
0x3a: {  	v52 =	vshrl.u32 v9, $0x10;
	v16 =	vand.u32 $0x1, v48;
	v35 =	vld [tilespmem:$0x16C60]  }
0x3b: {  	v59 =	vshrl.u32 v10, $0x10;
	v25 =	vshrl.u32 v11, $0x10;
	v16 =	vadd.s32 v16, v18;
	v36 =	vld [tilespmem:$0x16BF0]  }
0x3c: {  	v33 =	vshrl.u32 v12, $0x10;
	v41 =	vshrl.u32 v13, $0x10;
	v16 =	vadd.s32 $0x7FFF, v16;
	v44 =	vld [tilespmem:$0x16C70]  }
0x3d: {  	v16 =	vand.u32 $0xFFFF0000, v16;
	v49 =	vshrl.u32 v46, $0x10;
	v51 =	vshrl.u32 v47, $0x10  }
0x3e: {  	v53 =	vshrl.u32 v50, $0x10;
	v58 =	vshrl.u32 v54, $0x10;
	v60 =	vshrl.u32 v55, $0x10  }
0x3f: {  	v21 =	vshrl.u32 v61, $0x10;
	v26 =	vshrl.u32 v63, $0x10;
	v30 =	vshrl.u32 v24, $0x10  }
0x40: {  	v45 =	vld [tilespmem:$0x16C00];
	v34 =	vshrl.u32 v27, $0x10;
	v40 =	vshrl.u32 v35, $0x10;
	v42 =	vshrl.u32 v36, $0x10  }
0x41: {  	v48 =	vshrl.u32 v44, $0x10;
	v17 =	vand.u32 $0x1, v49;
	v18 =	vand.u32 $0x1, v53  }
0x42: {  	v19 =	vand.u32 $0x1, v60;
	v23 =	vand.u32 $0x1, v21;
	v32 =	vand.u32 $0x1, v30  }
0x43: {  	v49 =	vshrl.u32 v8, $0x10;
	v14 =	vadd.s32 v17, v46;
	v17 =	vand.u32 $0x1, v51  }
0x44: {  	v56 =	vadd.s32 v18, v50;
	v18 =	vand.u32 $0x1, v59;
	v62 =	vadd.s32 v19, v55  }
0x45: {  	v50 =	vshrl.u32 v45, $0x10;
	v14 =	vadd.s32 $0x7FFF, v14;
	v15 =	vadd.s32 v17, v47  }
0x46: {  	v17 =	vand.u32 $0x1, v52;
	v57 =	vadd.s32 $0x7FFF, v56;
	v10 =	vadd.s32 v18, v10  }
0x47: {  	v18 =	vadd.s32 $0x7FFF, v62;
	v14 =	vand.u32 $0xFFFF0000, v14;
	v15 =	vadd.s32 $0x7FFF, v15  }
0x48: {  	v53 =	vld [tilespmem:$0x16C10];
	v9 =	vadd.s32 v17, v9;
	v17 =	vand.u32 $0x1, v58;
	v10 =	vadd.s32 $0x7FFF, v10  }
0x49: {  	v51 =	vld [tilespmem:$0x16C80];
	v18 =	vand.u32 $0xFFFF0000, v18;
	v14 =	vmul.f32 v14, v16;
	v15 =	vand.u32 $0xFFFF0000, v15  }
0x4a: {  	v55 =	vld [tilespmem:$0x16C90];
	v9 =	vadd.s32 $0x7FFF, v9;
	v17 =	vadd.s32 v17, v54;
	v10 =	vand.u32 $0xFFFF0000, v10  }
0x4b: {  	v15 =	vmul.f32 v15, v16;
	v9 =	vand.u32 $0xFFFF0000, v9;
	v16 =	vand.u32 $0xFFFF0000, v57  }
0x4c: {  	v17 =	vadd.s32 $0x7FFF, v17;
	v20 =	vmul.f32 v18, v10;
	v18 =	vand.u32 $0x1, v26  }
0x4d: {  	v57 =	vshrl.u32 v7, $0x10;
	v58 =	vshrl.u32 v53, $0x10;
	v14 =	vadd.f32 $0.0e+00, v14  }
0x4e: {  	v16 =	vmul.f32 v16, v9;
	v17 =	vand.u32 $0xFFFF0000, v17;
	v28 =	vadd.s32 v18, v63  }
0x4f: {  	v54 =	vshrl.u32 v51, $0x10;
	v60 =	vshrl.u32 v55, $0x10;
	v15 =	vadd.f32 $0.0e+00, v15  }
0x50: {  	v9 =	vmul.f32 v17, v9;
	v17 =	vand.u32 $0x1, v25;
	v29 =	vadd.s32 $0x7FFF, v28  }
0x51: {  	v14 =	vadd.f32 v16, v14;
	v11 =	vadd.s32 v17, v11;
	v16 =	vand.u32 $0x1, v33  }
0x52: {  	v17 =	vand.u32 $0x1, v34;
	v9 =	vadd.f32 v9, v15;
	v15 =	vadd.s32 v23, v61  }
0x53: {  	v11 =	vadd.s32 $0x7FFF, v11;
	v12 =	vadd.s32 v16, v12;
	v37 =	vadd.s32 v17, v27  }
0x54: {  	v16 =	vand.u32 $0x1, v42;
	v14 =	vadd.f32 v20, v14;
	v15 =	vadd.s32 $0x7FFF, v15  }
0x55: {  	v11 =	vand.u32 $0xFFFF0000, v11;
	v12 =	vadd.s32 $0x7FFF, v12;
	v15 =	vand.u32 $0xFFFF0000, v15  }
0x56: {  	v38 =	vadd.s32 $0x7FFF, v37;
	v10 =	vmul.f32 v15, v10;
	v15 =	vand.u32 $0xFFFF0000, v29  }
0x57: {  	v43 =	vadd.s32 v16, v36;
	v31 =	vmul.f32 v15, v11;
	v15 =	vadd.s32 v32, v24  }
0x58: {  	v12 =	vand.u32 $0xFFFF0000, v12;
	v9 =	vadd.f32 v10, v9;
	v15 =	vadd.s32 $0x7FFF, v15  }
0x59: {  	v15 =	vand.u32 $0xFFFF0000, v15;
	v10 =	vadd.f32 v31, v14;
	v14 =	vand.u32 $0x1, v40  }
0x5a: {  	v11 =	vmul.f32 v15, v11;
	v15 =	vand.u32 $0xFFFF0000, v38;
	v14 =	vadd.s32 v14, v35  }
0x5b: {  	v39 =	vmul.f32 v15, v12;
	v15 =	vand.u32 $0x1, v41;
	v14 =	vadd.s32 $0x7FFF, v14  }
0x5c: {  	v9 =	vadd.f32 v11, v9;
	v13 =	vadd.s32 v15, v13;
	v15 =	vadd.s32 $0x7FFF, v43  }
0x5d: {  	v14 =	vand.u32 $0xFFFF0000, v14;
	v11 =	vand.u32 $0x1, v48;
	v13 =	vadd.s32 $0x7FFF, v13  }
0x5e: {  	v15 =	vand.u32 $0xFFFF0000, v15;
	v10 =	vadd.f32 v39, v10;
	v46 =	vmul.f32 v14, v12  }
0x5f: {  	v12 =	vand.u32 $0x1, v49;
	v14 =	vand.u32 $0x1, v50;
	v11 =	vadd.s32 v11, v44  }
0x60: {  	v13 =	vand.u32 $0xFFFF0000, v13;
	v8 =	vadd.s32 v12, v8;
	v52 =	vadd.s32 v14, v45  }
0x61: {  	v11 =	vadd.s32 $0x7FFF, v11;
	v47 =	vmul.f32 v15, v13;
	v9 =	vadd.f32 v46, v9  }
0x62: {  	v8 =	vadd.s32 $0x7FFF, v8;
	v12 =	vadd.s32 $0x7FFF, v52;
	v11 =	vand.u32 $0xFFFF0000, v11  }
0x63: {  	v8 =	vand.u32 $0xFFFF0000, v8;
	v12 =	vand.u32 $0xFFFF0000, v12;
	v11 =	vmul.f32 v11, v13  }
0x64: {  	v13 =	vand.u32 $0x1, v54;
	v10 =	vadd.f32 v47, v10;
	v12 =	vmul.f32 v12, v8  }
0x65: {  	v56 =	vadd.s32 v13, v51;
	v13 =	vand.u32 $0x1, v58;
	v9 =	vadd.f32 v11, v9  }
0x66: {  	v11 =	vadd.s32 $0x7FFF, v56;
	v10 =	vadd.f32 v12, v10;
	v12 =	vand.u32 $0x1, v57  }
0x67: {  	v59 =	vadd.s32 v13, v53;
	v13 =	vand.u32 $0x1, v60;
	v7 =	vadd.s32 v12, v7  }
0x68: {  	v11 =	vand.u32 $0xFFFF0000, v11;
	v12 =	vadd.s32 $0x7FFF, v59;
	v7 =	vadd.s32 $0x7FFF, v7  }
0x69: {  	v13 =	vadd.s32 v13, v55;
	v12 =	vand.u32 $0xFFFF0000, v12;
	v7 =	vand.u32 $0xFFFF0000, v7  }
0x6a: {  	v8 =	vmul.f32 v11, v8;
	v62 =	vadd.s32 $0x7FFF, v13;
	v61 =	vmul.f32 v12, v7  }
0x6b: {  	v12 =	vand.u32 $0xFFFF0000, v62  }
0x6c: {  	v8 =	vadd.f32 v8, v9;
	v7 =	vmul.f32 v12, v7;
	v63 =	vadd.f32 v61, v10;
	_ =	sdelay $0x1  }
0x6d: {  	v7 =	vadd.f32 v7, v8;
	(xrf2) =	vadd.scan.msk.f32 $0xffff, v63;
	_ =	sdelay $0x1  }
0x6e: {  	(xrf2) =	vadd.scan.msk.f32 $0xffff, v7;
	_ =	sdelay $0x4  }
0x6f: {  	v7 =	vld [tilespmem:$0x16CA0];
	_ =	sdelay $0x2  }
0x70: {  	v8, _, _ =	vpop (xrf2)  }
0x71: {  	(v2sf) =	vpush v8, $0xF  }
0x72: {  	v8, _, _ =	vpop (xrf2);
	(v2sf) =	vpush v7, $0x0  }
0x73: {  	(v2sf) =	vpush v8, $0xF  }
0x74: {  	(v2sf) =	vpush v7, $0x1;
	_ =	sdelay $0xb  }
0x75: {  	s17 =	spop (v2sf)  }
0x76: {  	s1 =	spop (v2sf)  }
0x77: {  	s2 =	spop (v2sf);
	s0 =	sadd.f32 s17, s1  }
0x78: {  	s31 =	spop (v2sf)  }
0x79: {  	vm0 =	vcmask $0x300;
	s1 =	sadd.f32 s2, s31;
	v7 =	vmov s0  }
0x7a: {  	v7 =	vnsel vm0, $0x0, v7;
	vm0 =	vcmask $0x704  }
0x7b: {  	v7 =	vsel vm0, s1, v7  }
0x7c: {  	[tilespmem:$0x16CB0] =	vst v7  }
0x7d: {  	[hbm4b:s10+s4] =	stream.linear.scatter [tilespmem:s21], [sflag:$0x3], $0x40, $0x38;
	[tilespmem:$0x16CC0] =	vst v63  }
0x7e: {  	_ =	swait.ge [sflag:s15], $0x40  }
0x7f: {  	[sflag:s15] =	ssyncset.done $0x0  }
0x80: {  	[sflag:s15] =	ssyncadd.s32 $0xFFFFFFC0  }
0x81: {  	[hbm4b:s11+s4] =	stream.linear.scatter [tilespmem:s28], [sflag:$0x3], $0x80, $0x38;
	[tilespmem:$0x16CC0] =	vst v63  }
0x82: {  	_ =	swait.ge [sflag:s15], $0x80  }
0x83: {  	[sflag:s15] =	ssyncset.done $0x0  }
0x84: {  	[sflag:s15] =	ssyncadd.s32 $0xFFFFFF80  }
0x85: {  	[hbm4b:s12+s4] =	stream.linear.scatter [tilespmem:s29], [sflag:$0x3], $0x10, $0x38;
	[tilespmem:$0x16CC0] =	vst v63  }
0x86: {  	_ =	swait.ge [sflag:s15], $0x10  }
0x87: {  	v7 =	vld [tilespmem:$0x1FFF0]  }
0x88: {  	vm0 =	vmmov vm1;
	vm1 =	vmmov vm2;
	vm2 =	vmmov vm3  }
0x89: {  	vm3 =	vmmov vm4;
	vm4 =	vmmov vm5;
	vm5 =	vmmov vm6  }
0x8a: {  	vm6 =	vmmov vm7;
	vm7 =	vmmov vm8;
	vm8 =	vmmov vm9  }
0x8b: {  	vm9 =	vmmov vm10;
	vm10 =	vmmov vm11;
	vm11 =	vmmov vm12;
	[sflag:s15] =	ssyncset.done $0x0  }
0x8c: {  	vm12 =	vmmov vm13;
	vm13 =	vmmov vm14;
	[sflag:s15] =	ssyncadd.s32 $0xFFFFFFF0;
	vm14 =	vnez.u8 v7  }
.LBB2_39:
0x8d: {  	s30 =	sadd.s32 $0x1, s30  }
0x8e: {  	p1 =	sne.s32 s30, s13  }
.Ltmp1:
0x8f: {  	_ = 	snop;
	(pc) =	sbr.rel @!p1 .LBB2_40-.Ltmp1, $1  }
0x90: {  	_ =	sdelay $0x3  }
.LBB2_1:
0x91: {  	s0 =	simm.s32 @!p0 $0x0  }
0x92: {  	[tilespmem:s0], [sflag:$0x2] =	stream.linear.gather @!p0 [hbm4b:s6+s0], $0x10000, $0x38;
	[tilespmem:$0x16CC0] =	vst v63  }
0x93: {  	v7 =	vor.u32 s4, v0;
	s31 =	simm.s32 $0x10  }
0x94: {  	[tilespmem:s14], [sflag:$0x3] =	stream.linear.gather [hbm4b:s7+s4], $0x4000, $0x38;
	[tilespmem:$0x16CC0] =	vst v63  }
0x95: {  	s1 =	simm.s32 $0x20;
	v8 =	vor.u32 s31, v0;
	_ =	swait.ge [sflag:s15], $0x4000  }
0x96: {  	s2 =	simm.s32 $0x30;
	v9 =	vor.u32 s1, v0;
	[sflag:s15] =	ssyncset.done $0x0  }
0x97: {  	s3 =	simm.s32 $0x40;
	v10 =	vor.u32 s2, v0;
	[sflag:s15] =	ssyncadd.s32 $0xFFFFC000  }
0x98: {  	v15 =	vor.u32 s3, v0;
	v14 =	vld.idx.msk [tilespmem:v7+s14+$0x0], $0xffff  }
0x99: {  	s3 =	simm.s32 $0x50  }
0x9a: {  	s17 =	simm.s32 $0x60;
	v11 =	vor.u32 s3, v0;
	v7 =	vld.idx.msk [tilespmem:v8+s14+$0x0], $0xffff  }
0x9b: {  	s31 =	simm.s32 $0x70;
	v12 =	vor.u32 s17, v0;
	v8 =	vld.idx.msk [tilespmem:v9+s14+$0x0], $0xffff  }
0x9c: {  	v13 =	vor.u32 s31, v0;
	v9 =	vld.idx.msk [tilespmem:v10+s14+$0x0], $0xffff  }
0x9d: {  	s0 =	simm.s32 $0x80;
	v10 =	vld.idx.msk [tilespmem:v15+s14+$0x0], $0xffff;
	v14 =	vmax.f32 v6, v14  }
.LBB2_2:
0x9e: {  	s3 =	sadd.s32 $0x10, s0  }
0x9f: {  	v15 =	vor.u32 s0, v0;
	p1 =	sne.s32 s0, $0x3C0;
	v14 =	vmax.f32 v14, v7;
	v7 =	vld.idx.msk [tilespmem:v11+s14+$0x0], $0xffff;
	s31 =	smov.u32 s0;
	s0 =	sadd.s32 $0x40, s0  }
.Ltmp2:
0xa0: {  	v11 =	vor.u32 s3, v0;
	s3 =	sadd.s32 $0x20, s31;
	v14 =	vmax.f32 v14, v8;
	v8 =	vld.idx.msk [tilespmem:v12+s14+$0x0], $0xffff;
	(pc) =	sbr.rel @p1 .LBB2_2-.Ltmp2, $3  }
0xa1: {  	v12 =	vor.u32 s3, v0;
	s3 =	sadd.s32 $0x30, s31;
	v14 =	vmax.f32 v14, v9;
	v9 =	vld.idx.msk [tilespmem:v13+s14+$0x0], $0xffff  }
0xa2: {  	v13 =	vor.u32 s3, v0;
	_ =	sdelay $0x1  }
0xa3: {  	v14 =	vmax.f32 v14, v10;
	v10 =	vld.idx.msk [tilespmem:v15+s14+$0x0], $0xffff  }
0xa4: {  	_ =	sdelay $0x3  }
0xa5: {  	v11 =	vld.idx.msk [tilespmem:v11+s14+$0x0], $0xffff  }
0xa6: {  	v7 =	vmax.f32 v14, v7;
	v12 =	vld.idx.msk [tilespmem:v12+s14+$0x0], $0xffff  }
0xa7: {  	v7 =	vmax.f32 v7, v8;
	v8 =	vld.idx.msk [tilespmem:v13+s14+$0x0], $0xffff  }
0xa8: {  	s0 =	simm.s32 $0x400;
	v7 =	vmax.f32 v7, v9  }
0xa9: {  	s31 =	simm.s32 $0x410;
	v9 =	vor.u32 s0, v0;
	v7 =	vmax.f32 v7, v10  }
0xaa: {  	s2 =	simm.s32 $0x430;
	v10 =	vor.u32 s31, v0;
	v7 =	vmax.f32 v7, v11  }
0xab: {  	s1 =	simm.s32 $0x420;
	v13 =	vor.u32 s2, v0;
	v7 =	vmax.f32 v7, v12  }
0xac: {  	v11 =	vor.u32 s1, v0;
	v7 =	vmax.f32 v7, v8  }
0xad: {  	s3 =	simm.s32 $0x440;
	[tilespmem:$0x14440] =	vst v7  }
0xae: {  	v16 =	vor.u32 s3, v0;
	v15 =	vld.idx.msk [tilespmem:v9+s14+$0x0], $0xffff  }
0xaf: {  	s3 =	simm.s32 $0x450;
	v8 =	vld.idx.msk [tilespmem:v10+s14+$0x0], $0xffff  }
0xb0: {  	s17 =	simm.s32 $0x460;
	v12 =	vor.u32 s3, v0;
	v10 =	vld.idx.msk [tilespmem:v13+s14+$0x0], $0xffff  }
0xb1: {  	s31 =	simm.s32 $0x470;
	v13 =	vor.u32 s17, v0;
	v9 =	vld.idx.msk [tilespmem:v11+s14+$0x0], $0xffff  }
0xb2: {  	v17 =	vimm.f32 $-3.000000010e+38;
	v14 =	vor.u32 s31, v0  }
0xb3: {  	s0 =	simm.s32 $0x480;
	v11 =	vld.idx.msk [tilespmem:v16+s14+$0x0], $0xffff;
	v15 =	vmax.f32 v17, v15  }
.LBB2_4:
0xb4: {  	s3 =	sadd.s32 $0x10, s0  }
0xb5: {  	v16 =	vor.u32 s0, v0;
	p1 =	sne.s32 s0, $0x7C0;
	v15 =	vmax.f32 v15, v8;
	v8 =	vld.idx.msk [tilespmem:v12+s14+$0x0], $0xffff;
	s31 =	smov.u32 s0;
	s0 =	sadd.s32 $0x40, s0  }
.Ltmp3:
0xb6: {  	v12 =	vor.u32 s3, v0;
	s3 =	sadd.s32 $0x20, s31;
	v15 =	vmax.f32 v15, v9;
	v9 =	vld.idx.msk [tilespmem:v13+s14+$0x0], $0xffff;
	(pc) =	sbr.rel @p1 .LBB2_4-.Ltmp3, $3  }
0xb7: {  	v13 =	vor.u32 s3, v0;
	s3 =	sadd.s32 $0x30, s31;
	v15 =	vmax.f32 v15, v10;
	v10 =	vld.idx.msk [tilespmem:v14+s14+$0x0], $0xffff  }
0xb8: {  	v14 =	vor.u32 s3, v0;
	_ =	sdelay $0x1  }
0xb9: {  	v15 =	vmax.f32 v15, v11;
	v11 =	vld.idx.msk [tilespmem:v16+s14+$0x0], $0xffff  }
0xba: {  	_ =	sdelay $0x3  }
0xbb: {  	v12 =	vld.idx.msk [tilespmem:v12+s14+$0x0], $0xffff  }
0xbc: {  	v8 =	vmax.f32 v15, v8;
	v13 =	vld.idx.msk [tilespmem:v13+s14+$0x0], $0xffff  }
0xbd: {  	v8 =	vmax.f32 v8, v9;
	v9 =	vld.idx.msk [tilespmem:v14+s14+$0x0], $0xffff  }
0xbe: {  	s0 =	simm.s32 $0x800;
	v8 =	vmax.f32 v8, v10  }
0xbf: {  	s31 =	simm.s32 $0x810;
	v10 =	vor.u32 s0, v0;
	v8 =	vmax.f32 v8, v11  }
0xc0: {  	s2 =	simm.s32 $0x830;
	v11 =	vor.u32 s31, v0;
	v8 =	vmax.f32 v8, v12  }
0xc1: {  	s1 =	simm.s32 $0x820;
	v14 =	vor.u32 s2, v0;
	v8 =	vmax.f32 v8, v13  }
0xc2: {  	v12 =	vor.u32 s1, v0;
	v8 =	vmax.f32 v8, v9  }
0xc3: {  	s3 =	simm.s32 $0x840;
	[tilespmem:$0x14450] =	vst v8  }
0xc4: {  	v17 =	vor.u32 s3, v0;
	v16 =	vld.idx.msk [tilespmem:v10+s14+$0x0], $0xffff  }
0xc5: {  	s3 =	simm.s32 $0x850;
	v9 =	vld.idx.msk [tilespmem:v11+s14+$0x0], $0xffff  }
0xc6: {  	s17 =	simm.s32 $0x860;
	v13 =	vor.u32 s3, v0;
	v11 =	vld.idx.msk [tilespmem:v14+s14+$0x0], $0xffff  }
0xc7: {  	s31 =	simm.s32 $0x870;
	v14 =	vor.u32 s17, v0;
	v10 =	vld.idx.msk [tilespmem:v12+s14+$0x0], $0xffff  }
0xc8: {  	v18 =	vimm.f32 $-3.000000010e+38;
	v15 =	vor.u32 s31, v0  }
0xc9: {  	s0 =	simm.s32 $0x880;
	v12 =	vld.idx.msk [tilespmem:v17+s14+$0x0], $0xffff;
	v16 =	vmax.f32 v18, v16  }
.LBB2_6:
0xca: {  	s3 =	sadd.s32 $0x10, s0  }
0xcb: {  	v17 =	vor.u32 s0, v0;
	p1 =	sne.s32 s0, $0xBC0;
	v16 =	vmax.f32 v16, v9;
	v9 =	vld.idx.msk [tilespmem:v13+s14+$0x0], $0xffff;
	s31 =	smov.u32 s0;
	s0 =	sadd.s32 $0x40, s0  }
.Ltmp4:
0xcc: {  	v13 =	vor.u32 s3, v0;
	s3 =	sadd.s32 $0x20, s31;
	v16 =	vmax.f32 v16, v10;
	v10 =	vld.idx.msk [tilespmem:v14+s14+$0x0], $0xffff;
	(pc) =	sbr.rel @p1 .LBB2_6-.Ltmp4, $3  }
0xcd: {  	v14 =	vor.u32 s3, v0;
	s3 =	sadd.s32 $0x30, s31;
	v16 =	vmax.f32 v16, v11;
	v11 =	vld.idx.msk [tilespmem:v15+s14+$0x0], $0xffff  }
0xce: {  	v15 =	vor.u32 s3, v0;
	_ =	sdelay $0x1  }
0xcf: {  	v16 =	vmax.f32 v16, v12;
	v12 =	vld.idx.msk [tilespmem:v17+s14+$0x0], $0xffff  }
0xd0: {  	_ =	sdelay $0x3  }
0xd1: {  	v13 =	vld.idx.msk [tilespmem:v13+s14+$0x0], $0xffff  }
0xd2: {  	v9 =	vmax.f32 v16, v9;
	v14 =	vld.idx.msk [tilespmem:v14+s14+$0x0], $0xffff  }
0xd3: {  	v9 =	vmax.f32 v9, v10;
	v10 =	vld.idx.msk [tilespmem:v15+s14+$0x0], $0xffff  }
0xd4: {  	s0 =	simm.s32 $0xC00;
	v9 =	vmax.f32 v9, v11  }
0xd5: {  	s31 =	simm.s32 $0xC10;
	v11 =	vor.u32 s0, v0;
	v9 =	vmax.f32 v9, v12  }
0xd6: {  	s2 =	simm.s32 $0xC30;
	v12 =	vor.u32 s31, v0;
	v9 =	vmax.f32 v9, v13  }
0xd7: {  	s1 =	simm.s32 $0xC20;
	v15 =	vor.u32 s2, v0;
	v9 =	vmax.f32 v9, v14  }
0xd8: {  	v13 =	vor.u32 s1, v0;
	v9 =	vmax.f32 v9, v10  }
0xd9: {  	s3 =	simm.s32 $0xC40;
	[tilespmem:$0x14460] =	vst v9  }
0xda: {  	v18 =	vor.u32 s3, v0;
	v17 =	vld.idx.msk [tilespmem:v11+s14+$0x0], $0xffff  }
0xdb: {  	s3 =	simm.s32 $0xC50;
	v10 =	vld.idx.msk [tilespmem:v12+s14+$0x0], $0xffff  }
0xdc: {  	s17 =	simm.s32 $0xC60;
	v14 =	vor.u32 s3, v0;
	v12 =	vld.idx.msk [tilespmem:v15+s14+$0x0], $0xffff  }
0xdd: {  	s31 =	simm.s32 $0xC70;
	v15 =	vor.u32 s17, v0;
	v11 =	vld.idx.msk [tilespmem:v13+s14+$0x0], $0xffff  }
0xde: {  	v19 =	vimm.f32 $-3.000000010e+38;
	v16 =	vor.u32 s31, v0  }
0xdf: {  	s0 =	simm.s32 $0xC80;
	v13 =	vld.idx.msk [tilespmem:v18+s14+$0x0], $0xffff;
	v17 =	vmax.f32 v19, v17  }
.LBB2_8:
0xe0: {  	s3 =	sadd.s32 $0x10, s0  }
0xe1: {  	v18 =	vor.u32 s0, v0;
	p1 =	sne.s32 s0, $0xFC0;
	v17 =	vmax.f32 v17, v10;
	v10 =	vld.idx.msk [tilespmem:v14+s14+$0x0], $0xffff;
	s31 =	smov.u32 s0;
	s0 =	sadd.s32 $0x40, s0  }
.Ltmp5:
0xe2: {  	v14 =	vor.u32 s3, v0;
	s3 =	sadd.s32 $0x20, s31;
	v17 =	vmax.f32 v17, v11;
	v11 =	vld.idx.msk [tilespmem:v15+s14+$0x0], $0xffff;
	(pc) =	sbr.rel @p1 .LBB2_8-.Ltmp5, $3  }
0xe3: {  	v15 =	vor.u32 s3, v0;
	s3 =	sadd.s32 $0x30, s31;
	v17 =	vmax.f32 v17, v12;
	v12 =	vld.idx.msk [tilespmem:v16+s14+$0x0], $0xffff  }
0xe4: {  	v16 =	vor.u32 s3, v0;
	_ =	sdelay $0x1  }
0xe5: {  	v17 =	vmax.f32 v17, v13;
	v13 =	vld.idx.msk [tilespmem:v18+s14+$0x0], $0xffff  }
0xe6: {  	_ =	sdelay $0x3  }
0xe7: {  	v14 =	vld.idx.msk [tilespmem:v14+s14+$0x0], $0xffff  }
0xe8: {  	v10 =	vmax.f32 v17, v10;
	v15 =	vld.idx.msk [tilespmem:v15+s14+$0x0], $0xffff  }
0xe9: {  	v10 =	vmax.f32 v10, v11;
	v11 =	vld.idx.msk [tilespmem:v16+s14+$0x0], $0xffff  }
0xea: {  	s0 =	simm.s32 $0x1000;
	v10 =	vmax.f32 v10, v12  }
0xeb: {  	s31 =	simm.s32 $0x1010;
	v12 =	vor.u32 s0, v0;
	v10 =	vmax.f32 v10, v13  }
0xec: {  	s2 =	simm.s32 $0x1030;
	v13 =	vor.u32 s31, v0;
	v10 =	vmax.f32 v10, v14  }
0xed: {  	s1 =	simm.s32 $0x1020;
	v16 =	vor.u32 s2, v0;
	v10 =	vmax.f32 v10, v15  }
0xee: {  	v14 =	vor.u32 s1, v0;
	v10 =	vmax.f32 v10, v11  }
0xef: {  	s3 =	simm.s32 $0x1040;
	[tilespmem:$0x14470] =	vst v10  }
0xf0: {  	v19 =	vor.u32 s3, v0;
	v18 =	vld.idx.msk [tilespmem:v12+s14+$0x0], $0xffff  }
0xf1: {  	s3 =	simm.s32 $0x1050;
	v11 =	vld.idx.msk [tilespmem:v13+s14+$0x0], $0xffff  }
0xf2: {  	s17 =	simm.s32 $0x1060;
	v15 =	vor.u32 s3, v0;
	v13 =	vld.idx.msk [tilespmem:v16+s14+$0x0], $0xffff  }
0xf3: {  	s31 =	simm.s32 $0x1070;
	v16 =	vor.u32 s17, v0;
	v12 =	vld.idx.msk [tilespmem:v14+s14+$0x0], $0xffff  }
0xf4: {  	v20 =	vimm.f32 $-3.000000010e+38;
	v17 =	vor.u32 s31, v0  }
0xf5: {  	s0 =	simm.s32 $0x1080;
	v14 =	vld.idx.msk [tilespmem:v19+s14+$0x0], $0xffff;
	v18 =	vmax.f32 v20, v18  }
.LBB2_10:
0xf6: {  	s3 =	sadd.s32 $0x10, s0  }
0xf7: {  	v19 =	vor.u32 s0, v0;
	p1 =	sne.s32 s0, $0x13C0;
	v18 =	vmax.f32 v18, v11;
	v11 =	vld.idx.msk [tilespmem:v15+s14+$0x0], $0xffff;
	s31 =	smov.u32 s0;
	s0 =	sadd.s32 $0x40, s0  }
.Ltmp6:
0xf8: {  	v15 =	vor.u32 s3, v0;
	s3 =	sadd.s32 $0x20, s31;
	v18 =	vmax.f32 v18, v12;
	v12 =	vld.idx.msk [tilespmem:v16+s14+$0x0], $0xffff;
	(pc) =	sbr.rel @p1 .LBB2_10-.Ltmp6, $3  }
0xf9: {  	v16 =	vor.u32 s3, v0;
	s3 =	sadd.s32 $0x30, s31;
	v18 =	vmax.f32 v18, v13;
	v13 =	vld.idx.msk [tilespmem:v17+s14+$0x0], $0xffff  }
0xfa: {  	v17 =	vor.u32 s3, v0;
	_ =	sdelay $0x1  }
0xfb: {  	v18 =	vmax.f32 v18, v14;
	v14 =	vld.idx.msk [tilespmem:v19+s14+$0x0], $0xffff  }
0xfc: {  	_ =	sdelay $0x3  }
0xfd: {  	v15 =	vld.idx.msk [tilespmem:v15+s14+$0x0], $0xffff  }
0xfe: {  	v11 =	vmax.f32 v18, v11;
	v16 =	vld.idx.msk [tilespmem:v16+s14+$0x0], $0xffff  }
0xff: {  	v11 =	vmax.f32 v11, v12;
	v12 =	vld.idx.msk [tilespmem:v17+s14+$0x0], $0xffff  }
0x100: {  	s0 =	simm.s32 $0x1400;
	v11 =	vmax.f32 v11, v13  }
0x101: {  	s31 =	simm.s32 $0x1410;
	v13 =	vor.u32 s0, v0;
	v11 =	vmax.f32 v11, v14  }
0x102: {  	s2 =	simm.s32 $0x1430;
	v14 =	vor.u32 s31, v0;
	v11 =	vmax.f32 v11, v15  }
0x103: {  	s1 =	simm.s32 $0x1420;
	v17 =	vor.u32 s2, v0;
	v11 =	vmax.f32 v11, v16  }
0x104: {  	v15 =	vor.u32 s1, v0;
	v11 =	vmax.f32 v11, v12  }
0x105: {  	s3 =	simm.s32 $0x1440;
	[tilespmem:$0x14480] =	vst v11  }
0x106: {  	v20 =	vor.u32 s3, v0;
	v19 =	vld.idx.msk [tilespmem:v13+s14+$0x0], $0xffff  }
0x107: {  	s3 =	simm.s32 $0x1450;
	v12 =	vld.idx.msk [tilespmem:v14+s14+$0x0], $0xffff  }
0x108: {  	s17 =	simm.s32 $0x1460;
	v16 =	vor.u32 s3, v0;
	v14 =	vld.idx.msk [tilespmem:v17+s14+$0x0], $0xffff  }
0x109: {  	s31 =	simm.s32 $0x1470;
	v17 =	vor.u32 s17, v0;
	v13 =	vld.idx.msk [tilespmem:v15+s14+$0x0], $0xffff  }
0x10a: {  	v21 =	vimm.f32 $-3.000000010e+38;
	v18 =	vor.u32 s31, v0  }
0x10b: {  	s0 =	simm.s32 $0x1480;
	v15 =	vld.idx.msk [tilespmem:v20+s14+$0x0], $0xffff;
	v19 =	vmax.f32 v21, v19  }
.LBB2_12:
0x10c: {  	s3 =	sadd.s32 $0x10, s0  }
0x10d: {  	v20 =	vor.u32 s0, v0;
	p1 =	sne.s32 s0, $0x17C0;
	v19 =	vmax.f32 v19, v12;
	v12 =	vld.idx.msk [tilespmem:v16+s14+$0x0], $0xffff;
	s31 =	smov.u32 s0;
	s0 =	sadd.s32 $0x40, s0  }
.Ltmp7:
0x10e: {  	v16 =	vor.u32 s3, v0;
	s3 =	sadd.s32 $0x20, s31;
	v19 =	vmax.f32 v19, v13;
	v13 =	vld.idx.msk [tilespmem:v17+s14+$0x0], $0xffff;
	(pc) =	sbr.rel @p1 .LBB2_12-.Ltmp7, $3  }
0x10f: {  	v17 =	vor.u32 s3, v0;
	s3 =	sadd.s32 $0x30, s31;
	v19 =	vmax.f32 v19, v14;
	v14 =	vld.idx.msk [tilespmem:v18+s14+$0x0], $0xffff  }
0x110: {  	v18 =	vor.u32 s3, v0;
	_ =	sdelay $0x1  }
0x111: {  	v19 =	vmax.f32 v19, v15;
	v15 =	vld.idx.msk [tilespmem:v20+s14+$0x0], $0xffff  }
0x112: {  	_ =	sdelay $0x3  }
0x113: {  	v16 =	vld.idx.msk [tilespmem:v16+s14+$0x0], $0xffff  }
0x114: {  	v12 =	vmax.f32 v19, v12;
	v17 =	vld.idx.msk [tilespmem:v17+s14+$0x0], $0xffff  }
0x115: {  	v12 =	vmax.f32 v12, v13;
	v13 =	vld.idx.msk [tilespmem:v18+s14+$0x0], $0xffff  }
0x116: {  	s0 =	simm.s32 $0x1800;
	v12 =	vmax.f32 v12, v14  }
0x117: {  	s31 =	simm.s32 $0x1810;
	v14 =	vor.u32 s0, v0;
	v12 =	vmax.f32 v12, v15  }
0x118: {  	s2 =	simm.s32 $0x1830;
	v15 =	vor.u32 s31, v0;
	v12 =	vmax.f32 v12, v16  }
0x119: {  	s1 =	simm.s32 $0x1820;
	v18 =	vor.u32 s2, v0;
	v12 =	vmax.f32 v12, v17  }
0x11a: {  	v16 =	vor.u32 s1, v0;
	v12 =	vmax.f32 v12, v13  }
0x11b: {  	s3 =	simm.s32 $0x1840;
	[tilespmem:$0x14490] =	vst v12  }
0x11c: {  	v21 =	vor.u32 s3, v0;
	v20 =	vld.idx.msk [tilespmem:v14+s14+$0x0], $0xffff  }
0x11d: {  	s3 =	simm.s32 $0x1850;
	v13 =	vld.idx.msk [tilespmem:v15+s14+$0x0], $0xffff  }
0x11e: {  	s17 =	simm.s32 $0x1860;
	v17 =	vor.u32 s3, v0;
	v15 =	vld.idx.msk [tilespmem:v18+s14+$0x0], $0xffff  }
0x11f: {  	s31 =	simm.s32 $0x1870;
	v18 =	vor.u32 s17, v0;
	v14 =	vld.idx.msk [tilespmem:v16+s14+$0x0], $0xffff  }
0x120: {  	v22 =	vimm.f32 $-3.000000010e+38;
	v19 =	vor.u32 s31, v0  }
0x121: {  	s0 =	simm.s32 $0x1880;
	v16 =	vld.idx.msk [tilespmem:v21+s14+$0x0], $0xffff;
	v20 =	vmax.f32 v22, v20  }
.LBB2_14:
0x122: {  	s3 =	sadd.s32 $0x10, s0  }
0x123: {  	v21 =	vor.u32 s0, v0;
	p1 =	sne.s32 s0, $0x1BC0;
	v20 =	vmax.f32 v20, v13;
	v13 =	vld.idx.msk [tilespmem:v17+s14+$0x0], $0xffff;
	s31 =	smov.u32 s0;
	s0 =	sadd.s32 $0x40, s0  }
.Ltmp8:
0x124: {  	v17 =	vor.u32 s3, v0;
	s3 =	sadd.s32 $0x20, s31;
	v20 =	vmax.f32 v20, v14;
	v14 =	vld.idx.msk [tilespmem:v18+s14+$0x0], $0xffff;
	(pc) =	sbr.rel @p1 .LBB2_14-.Ltmp8, $3  }
0x125: {  	v18 =	vor.u32 s3, v0;
	s3 =	sadd.s32 $0x30, s31;
	v20 =	vmax.f32 v20, v15;
	v15 =	vld.idx.msk [tilespmem:v19+s14+$0x0], $0xffff  }
0x126: {  	v19 =	vor.u32 s3, v0;
	_ =	sdelay $0x1  }
0x127: {  	v20 =	vmax.f32 v20, v16;
	v16 =	vld.idx.msk [tilespmem:v21+s14+$0x0], $0xffff  }
0x128: {  	_ =	sdelay $0x3  }
0x129: {  	v17 =	vld.idx.msk [tilespmem:v17+s14+$0x0], $0xffff  }
0x12a: {  	v13 =	vmax.f32 v20, v13;
	v18 =	vld.idx.msk [tilespmem:v18+s14+$0x0], $0xffff  }
0x12b: {  	v13 =	vmax.f32 v13, v14;
	v14 =	vld.idx.msk [tilespmem:v19+s14+$0x0], $0xffff  }
0x12c: {  	s0 =	simm.s32 $0x1C00;
	v13 =	vmax.f32 v13, v15  }
0x12d: {  	s31 =	simm.s32 $0x1C10;
	v15 =	vor.u32 s0, v0;
	v13 =	vmax.f32 v13, v16  }
0x12e: {  	s2 =	simm.s32 $0x1C30;
	v16 =	vor.u32 s31, v0;
	v13 =	vmax.f32 v13, v17  }
0x12f: {  	s1 =	simm.s32 $0x1C20;
	v19 =	vor.u32 s2, v0;
	v13 =	vmax.f32 v13, v18  }
0x130: {  	v17 =	vor.u32 s1, v0;
	v13 =	vmax.f32 v13, v14  }
0x131: {  	s3 =	simm.s32 $0x1C40;
	[tilespmem:$0x144A0] =	vst v13  }
0x132: {  	v22 =	vor.u32 s3, v0;
	v21 =	vld.idx.msk [tilespmem:v15+s14+$0x0], $0xffff  }
0x133: {  	s3 =	simm.s32 $0x1C50;
	v14 =	vld.idx.msk [tilespmem:v16+s14+$0x0], $0xffff  }
0x134: {  	s17 =	simm.s32 $0x1C60;
	v18 =	vor.u32 s3, v0;
	v16 =	vld.idx.msk [tilespmem:v19+s14+$0x0], $0xffff  }
0x135: {  	s31 =	simm.s32 $0x1C70;
	v19 =	vor.u32 s17, v0;
	v15 =	vld.idx.msk [tilespmem:v17+s14+$0x0], $0xffff  }
0x136: {  	v23 =	vimm.f32 $-3.000000010e+38;
	v20 =	vor.u32 s31, v0  }
0x137: {  	s0 =	simm.s32 $0x1C80;
	v17 =	vld.idx.msk [tilespmem:v22+s14+$0x0], $0xffff;
	v21 =	vmax.f32 v23, v21  }
.LBB2_16:
0x138: {  	s3 =	sadd.s32 $0x10, s0  }
0x139: {  	v22 =	vor.u32 s0, v0;
	p1 =	sne.s32 s0, $0x1FC0;
	v21 =	vmax.f32 v21, v14;
	v14 =	vld.idx.msk [tilespmem:v18+s14+$0x0], $0xffff;
	s31 =	smov.u32 s0;
	s0 =	sadd.s32 $0x40, s0  }
.Ltmp9:
0x13a: {  	v18 =	vor.u32 s3, v0;
	s3 =	sadd.s32 $0x20, s31;
	v21 =	vmax.f32 v21, v15;
	v15 =	vld.idx.msk [tilespmem:v19+s14+$0x0], $0xffff;
	(pc) =	sbr.rel @p1 .LBB2_16-.Ltmp9, $3  }
0x13b: {  	v19 =	vor.u32 s3, v0;
	s3 =	sadd.s32 $0x30, s31;
	v21 =	vmax.f32 v21, v16;
	v16 =	vld.idx.msk [tilespmem:v20+s14+$0x0], $0xffff  }
0x13c: {  	v20 =	vor.u32 s3, v0;
	_ =	sdelay $0x1  }
0x13d: {  	v21 =	vmax.f32 v21, v17;
	v17 =	vld.idx.msk [tilespmem:v22+s14+$0x0], $0xffff  }
0x13e: {  	_ =	sdelay $0x3  }
0x13f: {  	v18 =	vld.idx.msk [tilespmem:v18+s14+$0x0], $0xffff  }
0x140: {  	v14 =	vmax.f32 v21, v14;
	v19 =	vld.idx.msk [tilespmem:v19+s14+$0x0], $0xffff  }
0x141: {  	v14 =	vmax.f32 v14, v15;
	v15 =	vld.idx.msk [tilespmem:v20+s14+$0x0], $0xffff  }
0x142: {  	s0 =	simm.s32 $0x2000;
	v14 =	vmax.f32 v14, v16  }
0x143: {  	s31 =	simm.s32 $0x2010;
	v16 =	vor.u32 s0, v0;
	v14 =	vmax.f32 v14, v17  }
0x144: {  	s2 =	simm.s32 $0x2030;
	v17 =	vor.u32 s31, v0;
	v14 =	vmax.f32 v14, v18  }
0x145: {  	s1 =	simm.s32 $0x2020;
	v20 =	vor.u32 s2, v0;
	v14 =	vmax.f32 v14, v19  }
0x146: {  	v18 =	vor.u32 s1, v0;
	v14 =	vmax.f32 v14, v15  }
0x147: {  	s3 =	simm.s32 $0x2040;
	[tilespmem:$0x144B0] =	vst v14  }
0x148: {  	v23 =	vor.u32 s3, v0;
	v22 =	vld.idx.msk [tilespmem:v16+s14+$0x0], $0xffff  }
0x149: {  	s3 =	simm.s32 $0x2050;
	v15 =	vld.idx.msk [tilespmem:v17+s14+$0x0], $0xffff  }
0x14a: {  	s17 =	simm.s32 $0x2060;
	v19 =	vor.u32 s3, v0;
	v17 =	vld.idx.msk [tilespmem:v20+s14+$0x0], $0xffff  }
0x14b: {  	s31 =	simm.s32 $0x2070;
	v20 =	vor.u32 s17, v0;
	v16 =	vld.idx.msk [tilespmem:v18+s14+$0x0], $0xffff  }
0x14c: {  	v24 =	vimm.f32 $-3.000000010e+38;
	v21 =	vor.u32 s31, v0  }
0x14d: {  	s0 =	simm.s32 $0x2080;
	v18 =	vld.idx.msk [tilespmem:v23+s14+$0x0], $0xffff;
	v22 =	vmax.f32 v24, v22  }
.LBB2_18:
0x14e: {  	s3 =	sadd.s32 $0x10, s0  }
0x14f: {  	v23 =	vor.u32 s0, v0;
	p1 =	sne.s32 s0, $0x23C0;
	v22 =	vmax.f32 v22, v15;
	v15 =	vld.idx.msk [tilespmem:v19+s14+$0x0], $0xffff;
	s31 =	smov.u32 s0;
	s0 =	sadd.s32 $0x40, s0  }
.Ltmp10:
0x150: {  	v19 =	vor.u32 s3, v0;
	s3 =	sadd.s32 $0x20, s31;
	v22 =	vmax.f32 v22, v16;
	v16 =	vld.idx.msk [tilespmem:v20+s14+$0x0], $0xffff;
	(pc) =	sbr.rel @p1 .LBB2_18-.Ltmp10, $3  }
0x151: {  	v20 =	vor.u32 s3, v0;
	s3 =	sadd.s32 $0x30, s31;
	v22 =	vmax.f32 v22, v17;
	v17 =	vld.idx.msk [tilespmem:v21+s14+$0x0], $0xffff  }
0x152: {  	v21 =	vor.u32 s3, v0;
	_ =	sdelay $0x1  }
0x153: {  	v22 =	vmax.f32 v22, v18;
	v18 =	vld.idx.msk [tilespmem:v23+s14+$0x0], $0xffff  }
0x154: {  	_ =	sdelay $0x3  }
0x155: {  	v19 =	vld.idx.msk [tilespmem:v19+s14+$0x0], $0xffff  }
0x156: {  	v15 =	vmax.f32 v22, v15;
	v20 =	vld.idx.msk [tilespmem:v20+s14+$0x0], $0xffff  }
0x157: {  	v15 =	vmax.f32 v15, v16;
	v16 =	vld.idx.msk [tilespmem:v21+s14+$0x0], $0xffff  }
0x158: {  	s0 =	simm.s32 $0x2400;
	v15 =	vmax.f32 v15, v17  }
0x159: {  	s31 =	simm.s32 $0x2410;
	v17 =	vor.u32 s0, v0;
	v15 =	vmax.f32 v15, v18  }
0x15a: {  	s2 =	simm.s32 $0x2430;
	v18 =	vor.u32 s31, v0;
	v15 =	vmax.f32 v15, v19  }
0x15b: {  	s1 =	simm.s32 $0x2420;
	v21 =	vor.u32 s2, v0;
	v15 =	vmax.f32 v15, v20  }
0x15c: {  	v19 =	vor.u32 s1, v0;
	v15 =	vmax.f32 v15, v16  }
0x15d: {  	s3 =	simm.s32 $0x2440;
	[tilespmem:$0x144C0] =	vst v15  }
0x15e: {  	v24 =	vor.u32 s3, v0;
	v23 =	vld.idx.msk [tilespmem:v17+s14+$0x0], $0xffff  }
0x15f: {  	s3 =	simm.s32 $0x2450;
	v16 =	vld.idx.msk [tilespmem:v18+s14+$0x0], $0xffff  }
0x160: {  	s17 =	simm.s32 $0x2460;
	v20 =	vor.u32 s3, v0;
	v18 =	vld.idx.msk [tilespmem:v21+s14+$0x0], $0xffff  }
0x161: {  	s31 =	simm.s32 $0x2470;
	v21 =	vor.u32 s17, v0;
	v17 =	vld.idx.msk [tilespmem:v19+s14+$0x0], $0xffff  }
0x162: {  	v25 =	vimm.f32 $-3.000000010e+38;
	v22 =	vor.u32 s31, v0  }
0x163: {  	s0 =	simm.s32 $0x2480;
	v19 =	vld.idx.msk [tilespmem:v24+s14+$0x0], $0xffff;
	v23 =	vmax.f32 v25, v23  }
.LBB2_20:
0x164: {  	s3 =	sadd.s32 $0x10, s0  }
0x165: {  	v24 =	vor.u32 s0, v0;
	p1 =	sne.s32 s0, $0x27C0;
	v23 =	vmax.f32 v23, v16;
	v16 =	vld.idx.msk [tilespmem:v20+s14+$0x0], $0xffff;
	s31 =	smov.u32 s0;
	s0 =	sadd.s32 $0x40, s0  }
.Ltmp11:
0x166: {  	v20 =	vor.u32 s3, v0;
	s3 =	sadd.s32 $0x20, s31;
	v23 =	vmax.f32 v23, v17;
	v17 =	vld.idx.msk [tilespmem:v21+s14+$0x0], $0xffff;
	(pc) =	sbr.rel @p1 .LBB2_20-.Ltmp11, $3  }
0x167: {  	v21 =	vor.u32 s3, v0;
	s3 =	sadd.s32 $0x30, s31;
	v23 =	vmax.f32 v23, v18;
	v18 =	vld.idx.msk [tilespmem:v22+s14+$0x0], $0xffff  }
0x168: {  	v22 =	vor.u32 s3, v0;
	_ =	sdelay $0x1  }
0x169: {  	v23 =	vmax.f32 v23, v19;
	v19 =	vld.idx.msk [tilespmem:v24+s14+$0x0], $0xffff  }
0x16a: {  	_ =	sdelay $0x3  }
0x16b: {  	v20 =	vld.idx.msk [tilespmem:v20+s14+$0x0], $0xffff  }
0x16c: {  	v16 =	vmax.f32 v23, v16;
	v21 =	vld.idx.msk [tilespmem:v21+s14+$0x0], $0xffff  }
0x16d: {  	v16 =	vmax.f32 v16, v17;
	v17 =	vld.idx.msk [tilespmem:v22+s14+$0x0], $0xffff  }
0x16e: {  	s0 =	simm.s32 $0x2800;
	v16 =	vmax.f32 v16, v18  }
0x16f: {  	s31 =	simm.s32 $0x2810;
	v18 =	vor.u32 s0, v0;
	v16 =	vmax.f32 v16, v19  }
0x170: {  	s2 =	simm.s32 $0x2830;
	v19 =	vor.u32 s31, v0;
	v16 =	vmax.f32 v16, v20  }
0x171: {  	s1 =	simm.s32 $0x2820;
	v22 =	vor.u32 s2, v0;
	v16 =	vmax.f32 v16, v21  }
0x172: {  	v20 =	vor.u32 s1, v0;
	v16 =	vmax.f32 v16, v17  }
0x173: {  	s3 =	simm.s32 $0x2840;
	[tilespmem:$0x144D0] =	vst v16  }
0x174: {  	v25 =	vor.u32 s3, v0;
	v24 =	vld.idx.msk [tilespmem:v18+s14+$0x0], $0xffff  }
0x175: {  	s3 =	simm.s32 $0x2850;
	v17 =	vld.idx.msk [tilespmem:v19+s14+$0x0], $0xffff  }
0x176: {  	s17 =	simm.s32 $0x2860;
	v21 =	vor.u32 s3, v0;
	v19 =	vld.idx.msk [tilespmem:v22+s14+$0x0], $0xffff  }
0x177: {  	s31 =	simm.s32 $0x2870;
	v22 =	vor.u32 s17, v0;
	v18 =	vld.idx.msk [tilespmem:v20+s14+$0x0], $0xffff  }
0x178: {  	v26 =	vimm.f32 $-3.000000010e+38;
	v23 =	vor.u32 s31, v0  }
0x179: {  	s0 =	simm.s32 $0x2880;
	v20 =	vld.idx.msk [tilespmem:v25+s14+$0x0], $0xffff;
	v24 =	vmax.f32 v26, v24  }
.LBB2_22:
0x17a: {  	s3 =	sadd.s32 $0x10, s0  }
0x17b: {  	v25 =	vor.u32 s0, v0;
	p1 =	sne.s32 s0, $0x2BC0;
	v24 =	vmax.f32 v24, v17;
	v17 =	vld.idx.msk [tilespmem:v21+s14+$0x0], $0xffff;
	s31 =	smov.u32 s0;
	s0 =	sadd.s32 $0x40, s0  }
.Ltmp12:
0x17c: {  	v21 =	vor.u32 s3, v0;
	s3 =	sadd.s32 $0x20, s31;
	v24 =	vmax.f32 v24, v18;
	v18 =	vld.idx.msk [tilespmem:v22+s14+$0x0], $0xffff;
	(pc) =	sbr.rel @p1 .LBB2_22-.Ltmp12, $3  }
0x17d: {  	v22 =	vor.u32 s3, v0;
	s3 =	sadd.s32 $0x30, s31;
	v24 =	vmax.f32 v24, v19;
	v19 =	vld.idx.msk [tilespmem:v23+s14+$0x0], $0xffff  }
0x17e: {  	v23 =	vor.u32 s3, v0;
	_ =	sdelay $0x1  }
0x17f: {  	v24 =	vmax.f32 v24, v20;
	v20 =	vld.idx.msk [tilespmem:v25+s14+$0x0], $0xffff  }
0x180: {  	_ =	sdelay $0x3  }
0x181: {  	v21 =	vld.idx.msk [tilespmem:v21+s14+$0x0], $0xffff  }
0x182: {  	v17 =	vmax.f32 v24, v17;
	v22 =	vld.idx.msk [tilespmem:v22+s14+$0x0], $0xffff  }
0x183: {  	v17 =	vmax.f32 v17, v18;
	v18 =	vld.idx.msk [tilespmem:v23+s14+$0x0], $0xffff  }
0x184: {  	s0 =	simm.s32 $0x2C00;
	v17 =	vmax.f32 v17, v19  }
0x185: {  	s31 =	simm.s32 $0x2C10;
	v19 =	vor.u32 s0, v0;
	v17 =	vmax.f32 v17, v20  }
0x186: {  	s2 =	simm.s32 $0x2C30;
	v20 =	vor.u32 s31, v0;
	v17 =	vmax.f32 v17, v21  }
0x187: {  	s1 =	simm.s32 $0x2C20;
	v23 =	vor.u32 s2, v0;
	v17 =	vmax.f32 v17, v22  }
0x188: {  	v21 =	vor.u32 s1, v0;
	v17 =	vmax.f32 v17, v18  }
0x189: {  	s3 =	simm.s32 $0x2C40;
	[tilespmem:$0x144E0] =	vst v17  }
0x18a: {  	v26 =	vor.u32 s3, v0;
	v25 =	vld.idx.msk [tilespmem:v19+s14+$0x0], $0xffff  }
0x18b: {  	s3 =	simm.s32 $0x2C50;
	v18 =	vld.idx.msk [tilespmem:v20+s14+$0x0], $0xffff  }
0x18c: {  	s17 =	simm.s32 $0x2C60;
	v22 =	vor.u32 s3, v0;
	v20 =	vld.idx.msk [tilespmem:v23+s14+$0x0], $0xffff  }
0x18d: {  	s31 =	simm.s32 $0x2C70;
	v23 =	vor.u32 s17, v0;
	v19 =	vld.idx.msk [tilespmem:v21+s14+$0x0], $0xffff  }
0x18e: {  	v27 =	vimm.f32 $-3.000000010e+38;
	v24 =	vor.u32 s31, v0  }
0x18f: {  	s0 =	simm.s32 $0x2C80;
	v21 =	vld.idx.msk [tilespmem:v26+s14+$0x0], $0xffff;
	v25 =	vmax.f32 v27, v25  }
.LBB2_24:
0x190: {  	s3 =	sadd.s32 $0x10, s0  }
0x191: {  	v26 =	vor.u32 s0, v0;
	p1 =	sne.s32 s0, $0x2FC0;
	v25 =	vmax.f32 v25, v18;
	v18 =	vld.idx.msk [tilespmem:v22+s14+$0x0], $0xffff;
	s31 =	smov.u32 s0;
	s0 =	sadd.s32 $0x40, s0  }
.Ltmp13:
0x192: {  	v22 =	vor.u32 s3, v0;
	s3 =	sadd.s32 $0x20, s31;
	v25 =	vmax.f32 v25, v19;
	v19 =	vld.idx.msk [tilespmem:v23+s14+$0x0], $0xffff;
	(pc) =	sbr.rel @p1 .LBB2_24-.Ltmp13, $3  }
0x193: {  	v23 =	vor.u32 s3, v0;
	s3 =	sadd.s32 $0x30, s31;
	v25 =	vmax.f32 v25, v20;
	v20 =	vld.idx.msk [tilespmem:v24+s14+$0x0], $0xffff  }
0x194: {  	v24 =	vor.u32 s3, v0;
	_ =	sdelay $0x1  }
0x195: {  	v25 =	vmax.f32 v25, v21;
	v21 =	vld.idx.msk [tilespmem:v26+s14+$0x0], $0xffff  }
0x196: {  	_ =	sdelay $0x3  }
0x197: {  	v22 =	vld.idx.msk [tilespmem:v22+s14+$0x0], $0xffff  }
0x198: {  	v18 =	vmax.f32 v25, v18;
	v23 =	vld.idx.msk [tilespmem:v23+s14+$0x0], $0xffff  }
0x199: {  	v18 =	vmax.f32 v18, v19;
	v19 =	vld.idx.msk [tilespmem:v24+s14+$0x0], $0xffff  }
0x19a: {  	s0 =	simm.s32 $0x3000;
	v18 =	vmax.f32 v18, v20  }
0x19b: {  	s31 =	simm.s32 $0x3010;
	v20 =	vor.u32 s0, v0;
	v18 =	vmax.f32 v18, v21  }
0x19c: {  	s2 =	simm.s32 $0x3030;
	v21 =	vor.u32 s31, v0;
	v18 =	vmax.f32 v18, v22  }
0x19d: {  	s1 =	simm.s32 $0x3020;
	v24 =	vor.u32 s2, v0;
	v18 =	vmax.f32 v18, v23  }
0x19e: {  	v22 =	vor.u32 s1, v0;
	v18 =	vmax.f32 v18, v19  }
0x19f: {  	s3 =	simm.s32 $0x3040;
	[tilespmem:$0x144F0] =	vst v18  }
0x1a0: {  	v27 =	vor.u32 s3, v0;
	v26 =	vld.idx.msk [tilespmem:v20+s14+$0x0], $0xffff  }
0x1a1: {  	s3 =	simm.s32 $0x3050;
	v19 =	vld.idx.msk [tilespmem:v21+s14+$0x0], $0xffff  }
0x1a2: {  	s17 =	simm.s32 $0x3060;
	v23 =	vor.u32 s3, v0;
	v21 =	vld.idx.msk [tilespmem:v24+s14+$0x0], $0xffff  }
0x1a3: {  	s31 =	simm.s32 $0x3070;
	v24 =	vor.u32 s17, v0;
	v20 =	vld.idx.msk [tilespmem:v22+s14+$0x0], $0xffff  }
0x1a4: {  	v28 =	vimm.f32 $-3.000000010e+38;
	v25 =	vor.u32 s31, v0  }
0x1a5: {  	s0 =	simm.s32 $0x3080;
	v22 =	vld.idx.msk [tilespmem:v27+s14+$0x0], $0xffff;
	v26 =	vmax.f32 v28, v26  }
.LBB2_26:
0x1a6: {  	s3 =	sadd.s32 $0x10, s0  }
0x1a7: {  	v27 =	vor.u32 s0, v0;
	p1 =	sne.s32 s0, $0x33C0;
	v26 =	vmax.f32 v26, v19;
	v19 =	vld.idx.msk [tilespmem:v23+s14+$0x0], $0xffff;
	s31 =	smov.u32 s0;
	s0 =	sadd.s32 $0x40, s0  }
.Ltmp14:
0x1a8: {  	v23 =	vor.u32 s3, v0;
	s3 =	sadd.s32 $0x20, s31;
	v26 =	vmax.f32 v26, v20;
	v20 =	vld.idx.msk [tilespmem:v24+s14+$0x0], $0xffff;
	(pc) =	sbr.rel @p1 .LBB2_26-.Ltmp14, $3  }
0x1a9: {  	v24 =	vor.u32 s3, v0;
	s3 =	sadd.s32 $0x30, s31;
	v26 =	vmax.f32 v26, v21;
	v21 =	vld.idx.msk [tilespmem:v25+s14+$0x0], $0xffff  }
0x1aa: {  	v25 =	vor.u32 s3, v0;
	_ =	sdelay $0x1  }
0x1ab: {  	v26 =	vmax.f32 v26, v22;
	v22 =	vld.idx.msk [tilespmem:v27+s14+$0x0], $0xffff  }
0x1ac: {  	_ =	sdelay $0x3  }
0x1ad: {  	v23 =	vld.idx.msk [tilespmem:v23+s14+$0x0], $0xffff  }
0x1ae: {  	v19 =	vmax.f32 v26, v19;
	v24 =	vld.idx.msk [tilespmem:v24+s14+$0x0], $0xffff  }
0x1af: {  	v19 =	vmax.f32 v19, v20;
	v20 =	vld.idx.msk [tilespmem:v25+s14+$0x0], $0xffff  }
0x1b0: {  	s0 =	simm.s32 $0x3400;
	v19 =	vmax.f32 v19, v21  }
0x1b1: {  	s31 =	simm.s32 $0x3410;
	v21 =	vor.u32 s0, v0;
	v19 =	vmax.f32 v19, v22  }
0x1b2: {  	s2 =	simm.s32 $0x3430;
	v22 =	vor.u32 s31, v0;
	v19 =	vmax.f32 v19, v23  }
0x1b3: {  	s1 =	simm.s32 $0x3420;
	v25 =	vor.u32 s2, v0;
	v19 =	vmax.f32 v19, v24  }
0x1b4: {  	v23 =	vor.u32 s1, v0;
	v19 =	vmax.f32 v19, v20  }
0x1b5: {  	s3 =	simm.s32 $0x3440;
	[tilespmem:$0x14500] =	vst v19  }
0x1b6: {  	v28 =	vor.u32 s3, v0;
	v27 =	vld.idx.msk [tilespmem:v21+s14+$0x0], $0xffff  }
0x1b7: {  	s3 =	simm.s32 $0x3450;
	v20 =	vld.idx.msk [tilespmem:v22+s14+$0x0], $0xffff  }
0x1b8: {  	s17 =	simm.s32 $0x3460;
	v24 =	vor.u32 s3, v0;
	v22 =	vld.idx.msk [tilespmem:v25+s14+$0x0], $0xffff  }
0x1b9: {  	s31 =	simm.s32 $0x3470;
	v25 =	vor.u32 s17, v0;
	v21 =	vld.idx.msk [tilespmem:v23+s14+$0x0], $0xffff  }
0x1ba: {  	v29 =	vimm.f32 $-3.000000010e+38;
	v26 =	vor.u32 s31, v0  }
0x1bb: {  	s0 =	simm.s32 $0x3480;
	v23 =	vld.idx.msk [tilespmem:v28+s14+$0x0], $0xffff;
	v27 =	vmax.f32 v29, v27  }
.LBB2_28:
0x1bc: {  	s3 =	sadd.s32 $0x10, s0  }
0x1bd: {  	v28 =	vor.u32 s0, v0;
	p1 =	sne.s32 s0, $0x37C0;
	v27 =	vmax.f32 v27, v20;
	v20 =	vld.idx.msk [tilespmem:v24+s14+$0x0], $0xffff;
	s31 =	smov.u32 s0;
	s0 =	sadd.s32 $0x40, s0  }
.Ltmp15:
0x1be: {  	v24 =	vor.u32 s3, v0;
	s3 =	sadd.s32 $0x20, s31;
	v27 =	vmax.f32 v27, v21;
	v21 =	vld.idx.msk [tilespmem:v25+s14+$0x0], $0xffff;
	(pc) =	sbr.rel @p1 .LBB2_28-.Ltmp15, $3  }
0x1bf: {  	v25 =	vor.u32 s3, v0;
	s3 =	sadd.s32 $0x30, s31;
	v27 =	vmax.f32 v27, v22;
	v22 =	vld.idx.msk [tilespmem:v26+s14+$0x0], $0xffff  }
0x1c0: {  	v26 =	vor.u32 s3, v0;
	_ =	sdelay $0x1  }
0x1c1: {  	v27 =	vmax.f32 v27, v23;
	v23 =	vld.idx.msk [tilespmem:v28+s14+$0x0], $0xffff  }
0x1c2: {  	_ =	sdelay $0x3  }
0x1c3: {  	v24 =	vld.idx.msk [tilespmem:v24+s14+$0x0], $0xffff  }
0x1c4: {  	v20 =	vmax.f32 v27, v20;
	v25 =	vld.idx.msk [tilespmem:v25+s14+$0x0], $0xffff  }
0x1c5: {  	v20 =	vmax.f32 v20, v21;
	v21 =	vld.idx.msk [tilespmem:v26+s14+$0x0], $0xffff  }
0x1c6: {  	s0 =	simm.s32 $0x3800;
	v20 =	vmax.f32 v20, v22  }
0x1c7: {  	s31 =	simm.s32 $0x3810;
	v22 =	vor.u32 s0, v0;
	v20 =	vmax.f32 v20, v23  }
0x1c8: {  	s2 =	simm.s32 $0x3830;
	v23 =	vor.u32 s31, v0;
	v20 =	vmax.f32 v20, v24  }
0x1c9: {  	s1 =	simm.s32 $0x3820;
	v26 =	vor.u32 s2, v0;
	v20 =	vmax.f32 v20, v25  }
0x1ca: {  	v24 =	vor.u32 s1, v0;
	v20 =	vmax.f32 v20, v21  }
0x1cb: {  	s3 =	simm.s32 $0x3840;
	[tilespmem:$0x14510] =	vst v20  }
0x1cc: {  	v29 =	vor.u32 s3, v0;
	v28 =	vld.idx.msk [tilespmem:v22+s14+$0x0], $0xffff  }
0x1cd: {  	s3 =	simm.s32 $0x3850;
	v21 =	vld.idx.msk [tilespmem:v23+s14+$0x0], $0xffff  }
0x1ce: {  	s17 =	simm.s32 $0x3860;
	v25 =	vor.u32 s3, v0;
	v23 =	vld.idx.msk [tilespmem:v26+s14+$0x0], $0xffff  }
0x1cf: {  	s31 =	simm.s32 $0x3870;
	v26 =	vor.u32 s17, v0;
	v22 =	vld.idx.msk [tilespmem:v24+s14+$0x0], $0xffff  }
0x1d0: {  	v30 =	vimm.f32 $-3.000000010e+38;
	v27 =	vor.u32 s31, v0  }
0x1d1: {  	s0 =	simm.s32 $0x3880;
	v24 =	vld.idx.msk [tilespmem:v29+s14+$0x0], $0xffff;
	v28 =	vmax.f32 v30, v28  }
.LBB2_30:
0x1d2: {  	s3 =	sadd.s32 $0x10, s0  }
0x1d3: {  	v29 =	vor.u32 s0, v0;
	p1 =	sne.s32 s0, $0x3BC0;
	v28 =	vmax.f32 v28, v21;
	v21 =	vld.idx.msk [tilespmem:v25+s14+$0x0], $0xffff;
	s31 =	smov.u32 s0;
	s0 =	sadd.s32 $0x40, s0  }
.Ltmp16:
0x1d4: {  	v25 =	vor.u32 s3, v0;
	s3 =	sadd.s32 $0x20, s31;
	v28 =	vmax.f32 v28, v22;
	v22 =	vld.idx.msk [tilespmem:v26+s14+$0x0], $0xffff;
	(pc) =	sbr.rel @p1 .LBB2_30-.Ltmp16, $3  }
0x1d5: {  	v26 =	vor.u32 s3, v0;
	s3 =	sadd.s32 $0x30, s31;
	v28 =	vmax.f32 v28, v23;
	v23 =	vld.idx.msk [tilespmem:v27+s14+$0x0], $0xffff  }
0x1d6: {  	v27 =	vor.u32 s3, v0;
	_ =	sdelay $0x1  }
0x1d7: {  	v28 =	vmax.f32 v28, v24;
	v24 =	vld.idx.msk [tilespmem:v29+s14+$0x0], $0xffff  }
0x1d8: {  	_ =	sdelay $0x3  }
0x1d9: {  	v25 =	vld.idx.msk [tilespmem:v25+s14+$0x0], $0xffff  }
0x1da: {  	v21 =	vmax.f32 v28, v21;
	v26 =	vld.idx.msk [tilespmem:v26+s14+$0x0], $0xffff  }
0x1db: {  	v21 =	vmax.f32 v21, v22;
	v22 =	vld.idx.msk [tilespmem:v27+s14+$0x0], $0xffff  }
0x1dc: {  	s0 =	simm.s32 $0x3C00;
	v21 =	vmax.f32 v21, v23  }
0x1dd: {  	v23 =	vor.u32 s0, v0;
	v21 =	vmax.f32 v21, v24  }
0x1de: {  	s31 =	simm.s32 $0x3C10;
	v21 =	vmax.f32 v21, v25  }
0x1df: {  	s1 =	simm.s32 $0x3C20;
	v24 =	vor.u32 s31, v0;
	v21 =	vmax.f32 v21, v26  }
0x1e0: {  	s2 =	simm.s32 $0x3C30;
	v21 =	vmax.f32 v21, v22;
	v22 =	vor.u32 s1, v0  }
0x1e1: {  	s3 =	simm.s32 $0x3C40;
	v26 =	vor.u32 s2, v0;
	[tilespmem:$0x14520] =	vst v21  }
0x1e2: {  	v30 =	vor.u32 s3, v0;
	v29 =	vld.idx.msk [tilespmem:v23+s14+$0x0], $0xffff  }
0x1e3: {  	s3 =	simm.s32 $0x3C50  }
0x1e4: {  	s17 =	simm.s32 $0x3C60;
	v28 =	vor.u32 s3, v0;
	v25 =	vld.idx.msk [tilespmem:v24+s14+$0x0], $0xffff  }
0x1e5: {  	v27 =	vor.u32 s17, v0;
	s31 =	simm.s32 $0x3C70;
	v24 =	vld.idx.msk [tilespmem:v22+s14+$0x0], $0xffff  }
0x1e6: {  	v31 =	vimm.f32 $-3.000000010e+38;
	v23 =	vld.idx.msk [tilespmem:v26+s14+$0x0], $0xffff;
	v26 =	vor.u32 s31, v0  }
0x1e7: {  	s0 =	simm.s32 $0x3C80;
	v22 =	vld.idx.msk [tilespmem:v30+s14+$0x0], $0xffff;
	v29 =	vmax.f32 v31, v29  }
.LBB2_32:
0x1e8: {  	s3 =	sadd.s32 $0x10, s0  }
0x1e9: {  	v30 =	vor.u32 s0, v0;
	p1 =	sne.s32 s0, $0x3FC0;
	v29 =	vmax.f32 v29, v25;
	v25 =	vld.idx.msk [tilespmem:v28+s14+$0x0], $0xffff;
	s31 =	smov.u32 s0;
	s0 =	sadd.s32 $0x40, s0  }
.Ltmp17:
0x1ea: {  	v28 =	vor.u32 s3, v0;
	s3 =	sadd.s32 $0x20, s31;
	v29 =	vmax.f32 v29, v24;
	v24 =	vld.idx.msk [tilespmem:v27+s14+$0x0], $0xffff;
	(pc) =	sbr.rel @p1 .LBB2_32-.Ltmp17, $3  }
0x1eb: {  	v27 =	vor.u32 s3, v0;
	s3 =	sadd.s32 $0x30, s31;
	v29 =	vmax.f32 v29, v23;
	v23 =	vld.idx.msk [tilespmem:v26+s14+$0x0], $0xffff  }
0x1ec: {  	v26 =	vor.u32 s3, v0;
	_ =	sdelay $0x1  }
0x1ed: {  	v29 =	vmax.f32 v29, v22;
	v22 =	vld.idx.msk [tilespmem:v30+s14+$0x0], $0xffff  }
0x1ee: {  	(xrf0) =	vmax.scan.msk.f32 $0xffff, v7  }
0x1ef: {  	(xrf0) =	vmax.scan.msk.f32 $0xffff, v8  }
0x1f0: {  	(xrf0) =	vmax.scan.msk.f32 $0xffff, v9  }
0x1f1: {  	(xrf0) =	vmax.scan.msk.f32 $0xffff, v10  }
0x1f2: {  	(xrf0) =	vmax.scan.msk.f32 $0xffff, v11  }
0x1f3: {  	(xrf0) =	vmax.scan.msk.f32 $0xffff, v12  }
0x1f4: {  	v7, _, _ =	vpop (xrf0);
	(xrf0) =	vmax.scan.msk.f32 $0xffff, v13  }
0x1f5: {  	v8, _, _ =	vpop (xrf0);
	(xrf0) =	vmax.scan.msk.f32 $0xffff, v14  }
0x1f6: {  	v7 =	vbroadcast v7, $0xF;
	v8 =	vbroadcast v8, $0xF;
	v9, _, _ =	vpop (xrf0);
	(xrf0) =	vmax.scan.msk.f32 $0xffff, v15  }
0x1f7: {  	v9 =	vbroadcast v9, $0xF;
	v43, _, _ =	vpop (xrf0);
	(xrf0) =	vmax.scan.msk.f32 $0xffff, v16  }
0x1f8: {  	v42 =	vld.idx.msk [tilespmem:v28+s14+$0x0], $0xffff;
	v7 =	vsel vm0, v7, v8;
	v8 =	vbroadcast v43, $0xF;
	v46, _, _ =	vpop (xrf0);
	(xrf0) =	vmax.scan.msk.f32 $0xffff, v17  }
0x1f9: {  	v44 =	vmax.f32 v29, v25;
	v45 =	vld.idx.msk [tilespmem:v27+s14+$0x0], $0xffff;
	v7 =	vsel vm1, v7, v9;
	v48 =	vbroadcast v46, $0xF;
	v49, _, _ =	vpop (xrf0);
	(xrf0) =	vmax.scan.msk.f32 $0xffff, v18  }
0x1fa: {  	v47 =	vld.idx.msk [tilespmem:v26+s14+$0x0], $0xffff;
	v12 =	vmax.f32 v44, v24;
	v7 =	vsel vm2, v7, v8;
	v8 =	vbroadcast v49, $0xF;
	v50, _, _ =	vpop (xrf0);
	(xrf0) =	vmax.scan.msk.f32 $0xffff, v19  }
0x1fb: {  	v12 =	vmax.f32 v12, v23;
	v7 =	vsel vm3, v7, v48;
	v51 =	vbroadcast v50, $0xF;
	v52, _, _ =	vpop (xrf0);
	(xrf0) =	vmax.scan.msk.f32 $0xffff, v20  }
0x1fc: {  	v12 =	vmax.f32 v12, v22;
	v7 =	vsel vm4, v7, v8;
	v8 =	vbroadcast v52, $0xF;
	v53, _, _ =	vpop (xrf0)  }
0x1fd: {  	v10 =	vmax.f32 v12, v42;
	(xrf0) =	vmax.scan.msk.f32 $0xffff, v21;
	v54, _, _ =	vpop (xrf0);
	v7 =	vsel vm5, v7, v51;
	v55 =	vbroadcast v53, $0xF  }
0x1fe: {  	v10 =	vmax.f32 v10, v45;
	v56, _, _ =	vpop (xrf0);
	v7 =	vsel vm6, v7, v8;
	v8 =	vbroadcast v54, $0xF  }
0x1ff: {  	v10 =	vmax.f32 v10, v47;
	v7 =	vsel vm7, v7, v55;
	v57 =	vbroadcast v56, $0xF;
	v58, _, _ =	vpop (xrf0)  }
0x200: {  	(xrf0) =	vmax.scan.msk.f32 $0xffff, v10;
	v59, _, _ =	vpop (xrf0);
	v7 =	vsel vm8, v7, v8;
	v8 =	vbroadcast v58, $0xF  }
0x201: {  	v60, _, _ =	vpop (xrf0);
	v7 =	vsel vm9, v7, v57  }
0x202: {  	v61 =	vbroadcast v59, $0xF;
	v7 =	vsel vm10, v7, v8;
	v8 =	vbroadcast v60, $0xF  }
0x203: {  	v62, _, _ =	vpop (xrf0)  }
0x204: {  	v7 =	vsel vm11, v7, v61;
	v63 =	vbroadcast v62, $0xF  }
0x205: {  	v7 =	vsel vm12, v7, v8  }
0x206: {  	v7 =	vsel vm13, v7, v63;
	v8, _, _ =	vpop (xrf0)  }
0x207: {  	[tilespmem:$0x14530] =	vst v10;
	v7 =	vsel vm14, v7, v8  }
0x208: {  	[tilespmem:$0x14540] =	vst v7  }
0x209: {  	[spmem:s8] =	stream.linear.scatter [tilespmem:s16], [sflag:$0x3], $0x110, $0x38;
	[tilespmem:$0x16CC0] =	vst v63  }
.Ltmp18:
0x20a: {  	_ =	swait.ge [sflag:s15], $0x110;
	(pc) =	sbr.rel @p0 .LBB2_39-.Ltmp18, $3  }
0x20b: {  	[sflag:s15] =	ssyncset.done $0x0  }
0x20c: {  	[sflag:s15] =	ssyncadd.s32 $0xFFFFFEF0  }
0x20d: {  	[bflag:$0x0] =	sbarrier.arrive $0xFFFF;
	_ =	sdelay $0x1  }
0x20e: {  	s0 =	simm.s32 $0x14660  }
0x20f: {  	[tilespmem:s0], [sflag:$0x3] =	stream.linear.gather [spmem:s9], $0x440, $0x38;
	[tilespmem:$0x16CC0] =	vst v63  }
0x210: {  	_ =	swait.ge [sflag:s15], $0x440  }
0x211: {  	[sflag:s15] =	ssyncset.done $0x0  }
0x212: {  	[sflag:s15] =	ssyncadd.s32 $0xFFFFFBC0  }
0x213: {  	v7 =	vld [tilespmem:$0x14660]  }
0x214: {  	v8 =	vld [tilespmem:$0x14670]  }
0x215: {  	v9 =	vld [tilespmem:$0x14680]  }
0x216: {  	v10 =	vld [tilespmem:$0x14690]  }
0x217: {  	v11 =	vld [tilespmem:$0x146A0]  }
0x218: {  	v27 =	vld [tilespmem:$0x146D0];
	[tilespmem:$0x14000] =	vst v7  }
0x219: {  	v7 =	vld [tilespmem:$0x146B0];
	[tilespmem:$0x14010] =	vst v8  }
0x21a: {  	v8 =	vld [tilespmem:$0x146C0];
	[tilespmem:$0x14020] =	vst v9  }
0x21b: {  	v28 =	vld [tilespmem:$0x146E0];
	[tilespmem:$0x14030] =	vst v10  }
0x21c: {  	v29 =	vld [tilespmem:$0x146F0];
	[tilespmem:$0x14040] =	vst v11  }
0x21d: {  	v30 =	vld [tilespmem:$0x14720];
	[tilespmem:$0x14070] =	vst v27  }
0x21e: {  	[tilespmem:$0x14050] =	vst v7;
	v7 =	vld [tilespmem:$0x14700]  }
0x21f: {  	[tilespmem:$0x14060] =	vst v8;
	v8 =	vld [tilespmem:$0x14710]  }
0x220: {  	v31 =	vld [tilespmem:$0x14730];
	[tilespmem:$0x14080] =	vst v28  }
0x221: {  	v32 =	vld [tilespmem:$0x14740];
	[tilespmem:$0x14090] =	vst v29  }
0x222: {  	v33 =	vld [tilespmem:$0x14770];
	[tilespmem:$0x140C0] =	vst v30  }
0x223: {  	[tilespmem:$0x140A0] =	vst v7;
	v7 =	vld [tilespmem:$0x14750]  }
0x224: {  	[tilespmem:$0x140B0] =	vst v8;
	v8 =	vld [tilespmem:$0x14760]  }
0x225: {  	v34 =	vld [tilespmem:$0x14780];
	[tilespmem:$0x140D0] =	vst v31  }
0x226: {  	v35 =	vld [tilespmem:$0x14790];
	[tilespmem:$0x140E0] =	vst v32  }
0x227: {  	v36 =	vld [tilespmem:$0x147C0];
	[tilespmem:$0x14100] =	vst v33  }
0x228: {  	[tilespmem:$0x140F0] =	vst v7;
	v7 =	vld [tilespmem:$0x147A0]  }
0x229: {  	[tilespmem:$0x14400] =	vst v8;
	v8 =	vld [tilespmem:$0x147B0]  }
0x22a: {  	v37 =	vld [tilespmem:$0x147D0];
	[tilespmem:$0x14110] =	vst v34  }
0x22b: {  	v38 =	vld [tilespmem:$0x147E0];
	[tilespmem:$0x14120] =	vst v35  }
0x22c: {  	v39 =	vld [tilespmem:$0x14810];
	[tilespmem:$0x14150] =	vst v36  }
0x22d: {  	[tilespmem:$0x14130] =	vst v7;
	v7 =	vld [tilespmem:$0x147F0]  }
0x22e: {  	[tilespmem:$0x14140] =	vst v8;
	v8 =	vld [tilespmem:$0x14800]  }
0x22f: {  	v40 =	vld [tilespmem:$0x14820];
	[tilespmem:$0x14160] =	vst v37  }
0x230: {  	v41 =	vld [tilespmem:$0x14830];
	[tilespmem:$0x14170] =	vst v38  }
0x231: {  	v42 =	vld [tilespmem:$0x14860];
	[tilespmem:$0x141A0] =	vst v39  }
0x232: {  	[tilespmem:$0x14180] =	vst v7;
	v7 =	vld [tilespmem:$0x14840]  }
0x233: {  	[tilespmem:$0x14190] =	vst v8;
	v8 =	vld [tilespmem:$0x14850]  }
0x234: {  	v43 =	vld [tilespmem:$0x14870];
	[tilespmem:$0x141B0] =	vst v40  }
0x235: {  	v44 =	vld [tilespmem:$0x14880];
	[tilespmem:$0x141C0] =	vst v41  }
0x236: {  	v45 =	vld [tilespmem:$0x148B0];
	[tilespmem:$0x141F0] =	vst v42  }
0x237: {  	[tilespmem:$0x141D0] =	vst v7;
	v7 =	vld [tilespmem:$0x14890]  }
0x238: {  	[tilespmem:$0x141E0] =	vst v8;
	v8 =	vld [tilespmem:$0x148A0]  }
0x239: {  	v46 =	vld [tilespmem:$0x148C0];
	[tilespmem:$0x14410] =	vst v43  }
0x23a: {  	v47 =	vld [tilespmem:$0x148D0];
	[tilespmem:$0x14200] =	vst v44  }
0x23b: {  	v48 =	vld [tilespmem:$0x14900];
	[tilespmem:$0x14230] =	vst v45  }
0x23c: {  	[tilespmem:$0x14210] =	vst v7;
	v7 =	vld [tilespmem:$0x148E0]  }
0x23d: {  	[tilespmem:$0x14220] =	vst v8;
	v8 =	vld [tilespmem:$0x148F0]  }
0x23e: {  	v49 =	vld [tilespmem:$0x14910];
	[tilespmem:$0x14240] =	vst v46  }
0x23f: {  	v50 =	vld [tilespmem:$0x14920];
	[tilespmem:$0x14250] =	vst v47  }
0x240: {  	v51 =	vld [tilespmem:$0x14950];
	[tilespmem:$0x14280] =	vst v48  }
0x241: {  	[tilespmem:$0x14260] =	vst v7;
	v7 =	vld [tilespmem:$0x14930]  }
0x242: {  	[tilespmem:$0x14270] =	vst v8;
	v8 =	vld [tilespmem:$0x14940]  }
0x243: {  	v52 =	vld [tilespmem:$0x14960];
	[tilespmem:$0x14290] =	vst v49  }
0x244: {  	v53 =	vld [tilespmem:$0x14970];
	[tilespmem:$0x142A0] =	vst v50  }
0x245: {  	v54 =	vld [tilespmem:$0x149A0];
	[tilespmem:$0x142D0] =	vst v51  }
0x246: {  	[tilespmem:$0x142B0] =	vst v7;
	v7 =	vld [tilespmem:$0x14980]  }
0x247: {  	[tilespmem:$0x142C0] =	vst v8;
	v8 =	vld [tilespmem:$0x14990]  }
0x248: {  	v55 =	vld [tilespmem:$0x149B0];
	[tilespmem:$0x142E0] =	vst v52  }
0x249: {  	v56 =	vld [tilespmem:$0x149C0];
	[tilespmem:$0x142F0] =	vst v53  }
0x24a: {  	v57 =	vld [tilespmem:$0x149F0];
	[tilespmem:$0x14310] =	vst v54  }
0x24b: {  	[tilespmem:$0x14420] =	vst v7;
	v7 =	vld [tilespmem:$0x149D0]  }
0x24c: {  	[tilespmem:$0x14300] =	vst v8;
	v8 =	vld [tilespmem:$0x149E0]  }
0x24d: {  	v58 =	vld [tilespmem:$0x14A00];
	[tilespmem:$0x14320] =	vst v55  }
0x24e: {  	v59 =	vld [tilespmem:$0x14A10];
	[tilespmem:$0x14330] =	vst v56  }
0x24f: {  	v60 =	vld [tilespmem:$0x14A40];
	[tilespmem:$0x14360] =	vst v57  }
0x250: {  	[tilespmem:$0x14340] =	vst v7;
	v7 =	vld [tilespmem:$0x14A20]  }
0x251: {  	[tilespmem:$0x14350] =	vst v8;
	v8 =	vld [tilespmem:$0x14A30]  }
0x252: {  	v61 =	vld [tilespmem:$0x14A50];
	[tilespmem:$0x14370] =	vst v58  }
0x253: {  	v62 =	vld [tilespmem:$0x14A60];
	[tilespmem:$0x14380] =	vst v59  }
0x254: {  	v63 =	vld [tilespmem:$0x14A90];
	[tilespmem:$0x143B0] =	vst v60  }
0x255: {  	[tilespmem:$0x14390] =	vst v7;
	v7 =	vld [tilespmem:$0x14A70]  }
0x256: {  	[tilespmem:$0x143A0] =	vst v8;
	v8 =	vld [tilespmem:$0x14A80]  }
0x257: {  	[tilespmem:$0x143C0] =	vst v61  }
0x258: {  	[tilespmem:$0x143D0] =	vst v62  }
0x259: {  	[tilespmem:$0x14430] =	vst v63  }
0x25a: {  	vm14 =	vmmov vm13;
	vm13 =	vmmov vm12;
	[tilespmem:$0x143E0] =	vst v7  }
0x25b: {  	vm12 =	vmmov vm11;
	vm11 =	vmmov vm10;
	vm10 =	vmmov vm9;
	[tilespmem:$0x143F0] =	vst v8  }
0x25c: {  	vm9 =	vmmov vm8;
	vm8 =	vmmov vm7;
	vm7 =	vmmov vm6;
	_ =	swait.ge [sflag:s18], $0x10000  }
0x25d: {  	vm6 =	vmmov vm5;
	vm5 =	vmmov vm4;
	vm4 =	vmmov vm3;
	[sflag:s18] =	ssyncset.done $0x0  }
0x25e: {  	vm3 =	vmmov vm2;
	vm2 =	vmmov vm1;
	vm1 =	vmmov vm0;
	s31 =	simm.s32 $0x0;
	[sflag:s18] =	ssyncadd.s32 $0xFFFF0000  }
.LBB2_35:
0x25f: {  	v7 =	vld [tilespmem:$0x14400]  }
0x260: {  	v8 =	vld [tilespmem:$0x14410]  }
0x261: {  	v9 =	vld [tilespmem:$0x14420]  }
0x262: {  	v10 =	vld [tilespmem:$0x14430];
	_ =	sdelay $0x4  }
0x263: {  	v11 =	vmax.f32 v7, v8;
	v12 =	vmax.f32 v9, v10  }
0x264: {  	v11 =	vmax.f32 v11, v12  }
0x265: {  	(xrf0) =	vmax.scan.msk.f32 $0xffff, v11;
	_ =	sdelay $0x5  }
0x266: {  	v11, _, _ =	vpop (xrf0)  }
0x267: {  	v11 =	vbroadcast v11, $0xF;
	_ =	sdelay $0x1  }
0x268: {  	vm15 =	veq.f32 v10, v11  }
0x269: {  	vm0 =	veq.f32 v9, v11;
	v50 =	vnsel vm15, $0xC0000000, v1  }
0x26a: {  	vm15 =	veq.f32 v8, v11;
	v8 =	vsel vm0, v2, v50  }
0x26b: {  	vm0 =	veq.f32 v7, v11;
	v7 =	vsel vm15, v3, v8  }
0x26c: {  	v7 =	vsel vm0, v4, v7  }
0x26d: {  	(xrf0) =	vmin.scan.msk.u32 $0xffff, v7;
	_ =	sdelay $0x5  }
0x26e: {  	v7, _, _ =	vpop (xrf0)  }
0x26f: {  	(v2sf) =	vpush v7, $0xF;
	_ =	sdelay $0xe  }
0x270: {  	s0 =	spop (v2sf)  }
0x271: {  	s3 =	sshll.u32 s0, $0x4  }
0x272: {  	v7 =	vor.u32 s3, v0;
	_ =	sdelay $0x4  }
0x273: {  	v7 =	vld.idx.msk [tilespmem:v7+s19+$0x0], $0xffff;
	_ =	sdelay $0x4  }
0x274: {  	vm0 =	veq.f32 v7, v11  }
0x275: {  	v8 =	vnsel vm0, $0xC0000000, v4  }
0x276: {  	(xrf0) =	vmin.scan.msk.u32 $0xffff, v8;
	_ =	sdelay $0x5  }
0x277: {  	v8, _, _ =	vpop (xrf0)  }
0x278: {  	(v2sf) =	vpush v8, $0xF;
	_ =	sdelay $0xe  }
0x279: {  	s1 =	spop (v2sf)  }
0x27a: {  	s2 =	sshll.u32 s0, $0xA;
	s1 =	sxor.u32 $0x80000000, s1  }
0x27b: {  	s2 =	sadd.s32 s1, s2  }
0x27c: {  	v8 =	vadd.s32 s2, v5  }
0x27d: {  	s17 =	sadd.s32 $0x100, s2  }
0x27e: {  	v51 =	vadd.s32 s17, v5;
	s17 =	sadd.s32 $0x200, s2  }
0x27f: {  	v52 =	vadd.s32 s17, v5  }
0x280: {  	s2 =	sadd.s32 $0x300, s2  }
0x281: {  	v13 =	vadd.s32 s2, v5;
	v53 =	vld.idx.msk [tilespmem:v8+s4+$0x0], $0xffff;
	_ =	sdelay $0x1  }
0x282: {  	v14 =	vld.idx.msk [tilespmem:v51+s4+$0x0], $0xffff  }
0x283: {  	v15 =	vld.idx.msk [tilespmem:v52+s4+$0x0], $0xffff  }
0x284: {  	vm0 =	vlt.s32 v8, $0x40000000  }
0x285: {  	v16 =	vnsel vm0, $0x40000000, v8;
	v17 =	vld.idx.msk [tilespmem:v13+s4+$0x0], $0xffff;
	vm15 =	veq.f32 v53, v11  }
0x286: {  	v16 =	vnsel vm15, $0x40000000, v16  }
0x287: {  	vm0 =	vlt.s32 v16, v51  }
0x288: {  	vm15 =	veq.f32 v14, v11;
	v18 =	vsel vm0, v16, v51;
	vm0 =	veq.f32 v15, v11  }
0x289: {  	v16 =	vsel vm15, v18, v16;
	v54 =	vnsel vm0, $0x40000000, v52  }
0x28a: {  	vm0 =	veq.f32 v17, v11;
	vm15 =	vlt.s32 v16, v54  }
0x28b: {  	v56 =	vnsel vm0, $0x40000000, v13;
	v55 =	vsel vm15, v16, v54  }
0x28c: {  	vm0 =	vlt.s32 v55, v56  }
0x28d: {  	v11 =	vsel vm0, v55, v56  }
0x28e: {  	v11 =	vxor.u32 $0x80000000, v11  }
0x28f: {  	(xrf0) =	vmin.scan.msk.u32 $0xffff, v11;
	_ =	sdelay $0x5  }
0x290: {  	v11, _, _ =	vpop (xrf0)  }
0x291: {  	(v2sf) =	vpush v11, $0xF;
	_ =	sdelay $0xe  }
0x292: {  	s17 =	spop (v2sf)  }
0x293: {  	s2 =	sxor.u32 $0x80000000, s17  }
0x294: {  	vm0 =	veq.s32 v8, s2;
	v8 =	vmax.f32 v53, $-3.000000010e+38;
	vm15 =	veq.s32 v51, s2  }
0x295: {  	v8 =	vsel vm0, $0xFF61B1E6, v8;
	v9 =	vsel vm15, $0xFF61B1E6, v14;
	vm0 =	veq.s32 v52, s2  }
0x296: {  	v8 =	vmax.f32 v8, v9;
	v57 =	vsel vm0, $0xFF61B1E6, v15;
	vm0 =	veq.s32 v13, s2  }
0x297: {  	v8 =	vmax.f32 v8, v57;
	v58 =	vsel vm0, $0xFF61B1E6, v17  }
0x298: {  	v8 =	vmax.f32 v8, v58  }
0x299: {  	(xrf0) =	vmax.scan.msk.f32 $0xffff, v8;
	_ =	sdelay $0x5  }
0x29a: {  	v8, _, _ =	vpop (xrf0)  }
0x29b: {  	v59 =	vmov s1;
	v8 =	vbroadcast v8, $0xF  }
0x29c: {  	vm0 =	veq.s32 v59, v0  }
0x29d: {  	v7 =	vsel vm0, v8, v7  }
0x29e: {  	(xrf0) =	vmax.scan.msk.f32 $0xffff, v7;
	_ =	sdelay $0x1  }
0x29f: {  	s1 =	sadd.s32 s1, s3;
	v7 =	vmov s2  }
0x2a0: {  	s0 =	sxor.u32 $0x80000000, s0;
	v60 =	vmov s1  }
0x2a1: {  	v61 =	vmov s0  }
0x2a2: {  	v62 =	vmov s31  }
0x2a3: {  	p1 =	sne.s32 s31, $0x3F;
	v63, _, _ =	vpop (xrf0)  }
.Ltmp19:
0x2a4: {  	[tilespmem:v7+s4+$0x0] =	vst.idx.msk $0x1, v6;
	v12 =	vbroadcast v63, $0xF;
	(pc) =	sbr.rel @p1 .LBB2_35-.Ltmp19, $4  }
0x2a5: {  	[tilespmem:v60+s19+$0x0] =	vst.idx.msk $0x1, v8  }
0x2a6: {  	s17 =	sadd.s32 s5, s2;
	[tilespmem:v61+s20+$0x0] =	vst.idx.msk $0x1, v12  }
0x2a7: {  	[tilespmem:v62+s21+$0x0] =	vst.idx.msk $0x1, v7;
	v7 =	vmov s17  }
0x2a8: {  	s31 =	sadd.s32 $0x1, s31;
	[tilespmem:v62+s22+$0x0] =	vst.idx.msk $0x1, v7  }
0x2a9: {  	s0 =	simm.s32 $0x0;
	v7 =	vor.u32 $0x70, v0  }
0x2aa: {  	s1 =	rddreg [dreg:$0x1];
	v8 =	vor.u32 s0, v7  }
0x2ab: {  	v9 =	vor.u32 $0x10, v0;
	[tilespmem:s24], [sflag:$0x1] =	stream.indirect.gather [hbm4b:s1+s23], $0x80, s22, s23, $0xb8;
	v15 =	vor.u32 s0, v0;
	[tilespmem:$0x16CC0] =	vst v63  }
0x2ac: {  	v10 =	vor.u32 $0x20, v0;
	v16 =	vor.u32 s0, v9;
	_ =	swait.ge [sflag:s25], $0x2000  }
0x2ad: {  	v11 =	vor.u32 $0x30, v0;
	v17 =	vor.u32 s0, v10;
	[sflag:s25] =	ssyncset.done $0x0  }
0x2ae: {  	v12 =	vor.u32 $0x40, v0;
	v18 =	vor.u32 s0, v11;
	[sflag:s25] =	ssyncadd.s32 $0xFFFFE000  }
0x2af: {  	v13 =	vor.u32 $0x50, v0;
	v19 =	vor.u32 s0, v12;
	v8 =	vld.idx.msk [tilespmem:v8+s24+$0x0], $0xffff  }
0x2b0: {  	v14 =	vor.u32 $0x60, v0;
	v20 =	vor.u32 s0, v13;
	v15 =	vld.idx.msk [tilespmem:v15+s24+$0x0], $0xffff  }
0x2b1: {  	s31 =	simm.s32 $0x80;
	v21 =	vor.u32 s0, v14;
	v22 =	vld.idx.msk [tilespmem:v16+s24+$0x0], $0xffff  }
0x2b2: {  	v28 =	vor.u32 s31, v0;
	v24 =	vld.idx.msk [tilespmem:v17+s24+$0x0], $0xffff  }
0x2b3: {  	v23 =	vor.u32 s31, v7;
	v33 =	vld.idx.msk [tilespmem:v18+s24+$0x0], $0xffff  }
0x2b4: {  	v31 =	vor.u32 s31, v9;
	v17 =	vld.idx.msk [tilespmem:v19+s24+$0x0], $0xffff  }
0x2b5: {  	v32 =	vor.u32 s31, v10;
	v18 =	vld.idx.msk [tilespmem:v20+s24+$0x0], $0xffff  }
0x2b6: {  	v27 =	vor.u32 s31, v11;
	v25 =	vor.u32 s31, v12;
	v16 =	vimm.f32 $0.0e+00;
	v19 =	vld.idx.msk [tilespmem:v21+s24+$0x0], $0xffff  }
0x2b7: {  	v26 =	vor.u32 s31, v13;
	v29 =	vor.u32 s31, v14;
	v30 =	vld.idx.msk [tilespmem:v28+s24+$0x0], $0xffff;
	v8 =	vadd.f32 v8, v16  }
0x2b8: {  	v28 =	vimm.f32 $0.0e+00;
	v20 =	vadd.f32 v15, v16;
	v15 =	vld.idx.msk [tilespmem:v23+s24+$0x0], $0xffff;
	v21 =	vadd.f32 v22, v16  }
0x2b9: {  	s3 =	simm.s32 $0x100;
	s0 =	simm.s32 $0x3;
	v31 =	vld.idx.msk [tilespmem:v31+s24+$0x0], $0xffff;
	v22 =	vadd.f32 v24, v16;
	v23 =	vadd.f32 v33, v16;
	v24 =	vimm.f32 $0.0e+00  }
.LBB2_37:
0x2ba: {  	p1 =	sne.s32 s0, $0x3F;
	v33 =	vor.u32 s3, v0;
	v34 =	vor.u32 s3, v9;
	v35 =	vor.u32 s3, v7;
	v36 =	vld.idx.msk [tilespmem:v32+s24+$0x0], $0xffff  }
0x2bb: {  	v32 =	vor.u32 s3, v10;
	v37 =	vor.u32 s3, v12;
	v38 =	vld.idx.msk [tilespmem:v27+s24+$0x0], $0xffff;
	v27 =	vor.u32 s3, v11  }
0x2bc: {  	v39 =	vor.u32 s3, v13;
	v40 =	vor.u32 s3, v14;
	v16 =	vadd.f32 v17, v16;
	v17 =	vld.idx.msk [tilespmem:v25+s24+$0x0], $0xffff;
	v25 =	vmovc v37  }
.Ltmp20:
0x2bd: {  	v8 =	vadd.f32 v15, v8;
	v28 =	vadd.f32 v18, v28;
	v18 =	vld.idx.msk [tilespmem:v26+s24+$0x0], $0xffff;
	v26 =	vmov v39;
	(pc) =	sbr.rel @p1 .LBB2_37-.Ltmp20, $4  }
0x2be: {  	v20 =	vadd.f32 v30, v20;
	v24 =	vadd.f32 v19, v24;
	v19 =	vld.idx.msk [tilespmem:v29+s24+$0x0], $0xffff;
	v29 =	vmov v40  }
0x2bf: {  	v21 =	vadd.f32 v31, v21;
	v15 =	vld.idx.msk [tilespmem:v35+s24+$0x0], $0xffff  }
0x2c0: {  	v22 =	vadd.f32 v36, v22;
	v30 =	vld.idx.msk [tilespmem:v33+s24+$0x0], $0xffff  }
0x2c1: {  	s3 =	sshll.u32 s0, $0x7;
	s0 =	sadd.s32 $0x1, s0;
	v23 =	vadd.f32 v38, v23;
	v31 =	vld.idx.msk [tilespmem:v34+s24+$0x0], $0xffff  }
.Ltmp21:
0x2c2: {  	_ = 	snop;
	(pc) =	sbr.rel .LBB2_38-.Ltmp21, $1  }
0x2c3: {  	_ =	sdelay $0x3  }
.LBB2_40:
0x2c4: {  	_ =	sfence.sel $0x180000  }
0x2c5: {  	[bflag:$0x0] =	sbarrier.arrive $0xFFFF  }
0x2c6: {  	_ =	strace $0x90000047  }
0x2c7: {  	s0 =	stileid.u32;
	[bflag:$0x2] =	sbarrier.arrive $0xFFFF  }
0x2c8: {  	p0 =	sne.s32 s0, $0x0;
	s0 =	rddreg [dreg:$0x6]  }
0x2c9: {  	s0 =	sadd.s32 @!p0 $0x100000, s0  }
0x2ca: {  	[sflag:s0] =	ssyncadd.tile.s32 @!p0 $0x1;
	_ =	shalt  }
.Lfunc_end2:
_tile_overlayer_lowered:
.L_overlay_start_2:
0x2cb: {  	(tag) =	ssettag $0x2  }
0x2cc: {  	s0 =	rddreg [dreg:$0x0];
	s2 =	stileid.u32  }
0x2cd: {  	s1 =	rddreg [dreg:$0x1];
	p0 =	sne.s32 s2, $0x0  }
0x2ce: {  	s3 =	rddreg [dreg:$0x2];
	[bflag:$0x3] =	sbarrier.arrive $0xFFFF;
	s2 =	simm.s32 @!p0 $0x1C03  }
0x2cf: {  	[timem:s3], [sflag:s2] =	dma.local @!p0 [hbm:s0], s1  }
0x2d0: {  	s0 =	simm.s32 @!p0 $0x3  }
0x2d1: {  	_ =	swait.ge @!p0 [sflag:s0], s1  }
0x2d2: {  	s1 =	ssub.s32 @!p0 $0x0, s1;
	[sflag:s0] =	ssyncset.done @!p0 $0x0  }
0x2d3: {  	[sflag:s0] =	ssyncadd.s32 @!p0 s1  }
0x2d4: {  	[bflag:$0x3] =	sbarrier.arrive $0xFFFF  }
0x2d5: {  	_ =	shalt  }

</sc_bundles>
